<compile_context>
chip_gen: v7x
topology: tpu7x:2x2x1
jax: 0.10.2.dev20260603
libtpu: 0.0.44.dev20260713+nightly
codegen_flags: <defaults>
</compile_context>

<pallas_src>
import functools

import jax
import jax.numpy as jnp
from jax import lax
from jax.experimental import pallas as pl
from jax.experimental.pallas import tpu as pltpu
from jax.experimental.pallas import tpu_sc as plsc

_C = 2048
_HC = _C // 2
_L = 16
_NC, _NS = 2, 16
_NW = _NC * _NS
_G = 16


def _make_sc_kernel(rows):
    rows_per_tile = rows // _NW
    num_blocks = rows_per_tile // _G
    mesh = plsc.VectorSubcoreMesh(
        core_axis_name="c", subcore_axis_name="s",
        num_cores=_NC, num_subcores=_NS)

    @functools.partial(
        pl.kernel,
        out_type=jax.ShapeDtypeStruct((rows, _C), jnp.float32),
        mesh=mesh,
        compiler_params=pltpu.CompilerParams(needs_layout_passes=False),
        scratch_types=[
            pltpu.VMEM((_C,), jnp.int32),
            pltpu.VMEM((_G, _C), jnp.float32),
            pltpu.VMEM((_G, _C), jnp.float32),
            pltpu.VMEM((_G, _HC), jnp.float32),
            pltpu.VMEM((_G, _HC), jnp.float32),
            pltpu.SemaphoreType.DMA,
            pltpu.SemaphoreType.DMA,
            pltpu.SemaphoreType.DMA,
            pltpu.SemaphoreType.DMA,
        ],
    )
    def run(x_hbm, perm_hbm, out_hbm, perm_v,
            in0, in1, outl, outr, isem0, isem1, oseml, osemr):
        wid = lax.axis_index("s") * _NC + lax.axis_index("c")
        pltpu.sync_copy(perm_hbm, perm_v)
        tile_base = wid * rows_per_tile
        ins = (in0, in1)
        outs, osems = (outl, outr), (oseml, osemr)
        isems = (isem0, isem1)

        def row0(blk):
            return tile_base + blk * _G

        pltpu.async_copy(x_hbm.at[pl.ds(row0(0), _G), :], ins[0], isems[0])

        def pair_body(i2, carry):
            for b in range(2):
                blk = i2 * 2 + b
                pltpu.make_async_copy(
                    x_hbm.at[pl.ds(row0(blk), _G), :], ins[b],
                    isems[b]).wait()

                @pl.when(blk + 1 < num_blocks)
                def _prefetch():
                    pltpu.async_copy(
                        x_hbm.at[pl.ds(row0(blk + 1), _G), :],
                        ins[1 - b], isems[1 - b])

                for h in range(2):
                    @pl.when(blk >= 1)
                    def _drain_prev():
                        pltpu.make_async_copy(
                            outs[h],
                            out_hbm.at[pl.ds(row0(blk - 1), _G),
                                       pl.ds(h * _HC, _HC)],
                            osems[h]).wait()

                    @plsc.parallel_loop(0, _HC // _L, unroll=2)
                    def _chunk(cc):
                        idxv = perm_v[pl.ds(h * _HC + cc * _L, _L)]
                        for g in range(_G):
                            v = plsc.load_gather(
                                ins[b],
                                [jnp.full((_L,), g, jnp.int32), idxv])
                            outs[h][g, pl.ds(cc * _L, _L)] = v

                    pltpu.async_copy(
                        outs[h],
                        out_hbm.at[pl.ds(row0(blk), _G),
                                   pl.ds(h * _HC, _HC)],
                        osems[h])
            return carry

        lax.fori_loop(0, num_blocks // 2, pair_body, 0, unroll=False)
        for h in range(2):
            pltpu.make_async_copy(
                outs[h],
                out_hbm.at[pl.ds(row0(num_blocks - 1), _G),
                           pl.ds(h * _HC, _HC)],
                osems[h]).wait()

    return run


def kernel(x, forward_permutation):
    b, s, c = x.shape
    rows = b * s
    x2 = x.reshape(rows, c)
    run = _make_sc_kernel(rows)
    out = run(x2, forward_permutation.astype(jnp.int32))
    return out.reshape(b, s, c)

# --- scband reference (transcript-rebuilt; emitter-appended) ---
"""Pipeline reference for scband-shuffle-31284541784088 (READ-ONLY COPY).

The authoritative reference and input builder live on the scoring server;
editing this copy changes nothing except your own understanding.
"""

import jax, jax.numpy as jnp
import numpy as np

CHANNEL_COUNT = 2048
CHANNEL_AXIS = -1


def setup_inputs(seed: int = 0) -> dict:
    key = jax.random.key(seed)
    kx, kp = jax.random.split(key)
    x = jax.random.normal(kx, (4, 8192, 2048), dtype=jnp.float32)
    # permutation is a fixed non-trainable parameter chosen once at init
    forward_permutation = jax.random.permutation(kp, jnp.arange(CHANNEL_COUNT, dtype=jnp.int32))
    return {"x": x, "forward_permutation": forward_permutation}


def reference(x, forward_permutation):
    # Shuffle.call: y_hat = tf.gather(x, permutation, axis=channel_axis)
    y_hat = jnp.take(x, forward_permutation, axis=CHANNEL_AXIS)
    return y_hat

if __name__ == "__main__":
    import jax
    _d = setup_inputs()
    print(jax.jit(kernel)(*tuple(_d.values())))

</pallas_src>

<mosaic_0001>
#map = affine_map<(d0, d1) -> (0, 0)>
#map1 = affine_map<(d0, d1) -> (0)>
module attributes {stable_mosaic.version = 14 : i64} {
  func.func @run(%arg0: i32, %arg1: i32, %arg2: memref<32768x2048xf32, #tpu.memory_space<hbm>>, %arg3: memref<2048xi32, #tpu.memory_space<hbm>>, %arg4: memref<32768x2048xf32, #tpu.memory_space<hbm>>, %arg5: memref<2048xi32, #tpu.memory_space<vmem>>, %arg6: memref<16x2048xf32, #tpu.memory_space<vmem>>, %arg7: memref<16x2048xf32, #tpu.memory_space<vmem>>, %arg8: memref<16x1024xf32, #tpu.memory_space<vmem>>, %arg9: memref<16x1024xf32, #tpu.memory_space<vmem>>, %arg10: memref<!tpu.dma_semaphore, #tpu.memory_space<semaphore_mem>>, %arg11: memref<!tpu.dma_semaphore, #tpu.memory_space<semaphore_mem>>, %arg12: memref<!tpu.dma_semaphore, #tpu.memory_space<semaphore_mem>>, %arg13: memref<!tpu.dma_semaphore, #tpu.memory_space<semaphore_mem>>) attributes {dimension_semantics = [#tpu.dimension_semantics<core_parallel>, #tpu.dimension_semantics<subcore_parallel>], iteration_bounds = array<i64: 2, 16>, scalar_prefetch = 0 : i64, scratch_operands = 9 : i64, tpu.core_type = #tpu.core_type<sc_vector_subcore>, window_params = [{transform_indices = #map}, {transform_indices = #map1}, {transform_indices = #map}]} {
    %mul3A = arith.constant 2 : i32
    %mul3A_0 = arith.muli %arg1, %mul3A : i32
    %add3A = arith.addi %mul3A_0, %arg0 : i32
    "tpu.region"() ({
      %run_scoped3A = tpu.sem_alloc : memref<!tpu.dma_semaphore, #tpu.memory_space<semaphore_mem>>
      tpu.enqueue_dma source(%arg3 : memref<2048xi32, #tpu.memory_space<hbm>>) target(%arg5 : memref<2048xi32, #tpu.memory_space<vmem>>) target_semaphore(%run_scoped3A : memref<!tpu.dma_semaphore, #tpu.memory_space<semaphore_mem>>)
      tpu.wait_dma2 semaphore(%run_scoped3A : memref<!tpu.dma_semaphore, #tpu.memory_space<semaphore_mem>>) src(%arg3 : memref<2048xi32, #tpu.memory_space<hbm>>) dst(%arg5 : memref<2048xi32, #tpu.memory_space<vmem>>)
      tpu.yield
    }) : () -> ()
    %mul3A_1 = arith.constant 1024 : i32
    %mul3A_2 = arith.muli %add3A, %mul3A_1 : i32
    %add3A_3 = arith.constant 0 : i32
    %add3A_4 = arith.addi %mul3A_2, %add3A_3 : i32
    %dma_start3A = arith.constant 0 : i32
    %dma_start3A_5 = tpu.memref_slice %arg2[%add3A_4, %dma_start3A] : memref<32768x2048xf32, #tpu.memory_space<hbm>> -> memref<16x2048xf32, #tpu.memory_space<hbm>>
    %dma_start3A_6 = arith.constant 0 : i32
    %dma_start3A_7 = tpu.memref_slice %arg2[%add3A_4, %dma_start3A_6] : memref<32768x2048xf32, #tpu.memory_space<hbm>> -> memref<16x2048xf32, #tpu.memory_space<hbm>>
    tpu.enqueue_dma source(%dma_start3A_7 : memref<16x2048xf32, #tpu.memory_space<hbm>>) target(%arg6 : memref<16x2048xf32, #tpu.memory_space<vmem>>) target_semaphore(%arg10 : memref<!tpu.dma_semaphore, #tpu.memory_space<semaphore_mem>>)
    %scan3A = arith.constant 0 : i32
    %scan3A_8 = arith.constant 0 : i32
    %scan3A_9 = arith.constant 32 : i32
    %scan3A_10 = arith.addi %scan3A_8, %scan3A_9 : i32
    %scan3A_11 = arith.constant 1 : i32
    scf.for %scan3A_24 = %scan3A_8 to %scan3A_10 step %scan3A_11  : i32 {
      %mul3A_25 = arith.constant 2 : i32
      %mul3A_26 = arith.muli %scan3A_24, %mul3A_25 : i32
      %add3A_27 = arith.constant 0 : i32
      %add3A_28 = arith.addi %mul3A_26, %add3A_27 : i32
      %mul3A_29 = arith.constant 16 : i32
      %mul3A_30 = arith.muli %add3A_28, %mul3A_29 : i32
      %add3A_31 = arith.addi %mul3A_2, %mul3A_30 : i32
      %dma_wait3A_32 = arith.constant 0 : i32
      %dma_wait3A_33 = tpu.memref_slice %arg2[%add3A_31, %dma_wait3A_32] : memref<32768x2048xf32, #tpu.memory_space<hbm>> -> memref<16x2048xf32, #tpu.memory_space<hbm>>
      %dma_wait3A_34 = arith.constant 0 : i32
      %dma_wait3A_35 = tpu.memref_slice %arg2[%add3A_31, %dma_wait3A_34] : memref<32768x2048xf32, #tpu.memory_space<hbm>> -> memref<16x2048xf32, #tpu.memory_space<hbm>>
      tpu.wait_dma2 semaphore(%arg10 : memref<!tpu.dma_semaphore, #tpu.memory_space<semaphore_mem>>) src(%dma_wait3A_35 : memref<16x2048xf32, #tpu.memory_space<hbm>>) dst(%arg6 : memref<16x2048xf32, #tpu.memory_space<vmem>>)
      %add3A_36 = arith.constant 1 : i32
      %add3A_37 = arith.addi %add3A_28, %add3A_36 : i32
      %lt3A = arith.constant 64 : i32
      %lt3A_38 = arith.cmpi slt, %add3A_37, %lt3A : i32
      %convert_element_type3A = arith.extui %lt3A_38 : i1 to i32
      %cond3A = arith.constant 0 : i32
      %cond3A_39 = arith.cmpi ne, %convert_element_type3A, %cond3A : i32
      scf.if %cond3A_39 {
        %add3A_116 = arith.constant 1 : i32
        %add3A_117 = arith.addi %add3A_28, %add3A_116 : i32
        %mul3A_118 = arith.constant 16 : i32
        %mul3A_119 = arith.muli %add3A_117, %mul3A_118 : i32
        %add3A_120 = arith.addi %mul3A_2, %mul3A_119 : i32
        %dma_start3A_121 = arith.constant 0 : i32
        %dma_start3A_122 = tpu.memref_slice %arg2[%add3A_120, %dma_start3A_121] : memref<32768x2048xf32, #tpu.memory_space<hbm>> -> memref<16x2048xf32, #tpu.memory_space<hbm>>
        %dma_start3A_123 = arith.constant 0 : i32
        %dma_start3A_124 = tpu.memref_slice %arg2[%add3A_120, %dma_start3A_123] : memref<32768x2048xf32, #tpu.memory_space<hbm>> -> memref<16x2048xf32, #tpu.memory_space<hbm>>
        tpu.enqueue_dma source(%dma_start3A_124 : memref<16x2048xf32, #tpu.memory_space<hbm>>) target(%arg7 : memref<16x2048xf32, #tpu.memory_space<vmem>>) target_semaphore(%arg11 : memref<!tpu.dma_semaphore, #tpu.memory_space<semaphore_mem>>)
      } else {
      }
      %ge3A = arith.constant 1 : i32
      %ge3A_40 = arith.cmpi sge, %add3A_28, %ge3A : i32
      %convert_element_type3A_41 = arith.extui %ge3A_40 : i1 to i32
      %cond3A_42 = arith.constant 0 : i32
      %cond3A_43 = arith.cmpi ne, %convert_element_type3A_41, %cond3A_42 : i32
      scf.if %cond3A_43 {
        %sub3A = arith.constant 1 : i32
        %sub3A_116 = arith.subi %add3A_28, %sub3A : i32
        %mul3A_117 = arith.constant 16 : i32
        %mul3A_118 = arith.muli %sub3A_116, %mul3A_117 : i32
        %add3A_119 = arith.addi %mul3A_2, %mul3A_118 : i32
        %dma_wait3A_120 = arith.constant 0 : i32
        %dma_wait3A_121 = tpu.memref_slice %arg4[%add3A_119, %dma_wait3A_120] : memref<32768x2048xf32, #tpu.memory_space<hbm>> -> memref<16x1024xf32, #tpu.memory_space<hbm>>
        %dma_wait3A_122 = arith.constant 0 : i32
        %dma_wait3A_123 = tpu.memref_slice %arg4[%add3A_119, %dma_wait3A_122] : memref<32768x2048xf32, #tpu.memory_space<hbm>> -> memref<16x1024xf32, #tpu.memory_space<hbm>>
        tpu.wait_dma2 semaphore(%arg12 : memref<!tpu.dma_semaphore, #tpu.memory_space<semaphore_mem>>) src(%arg8 : memref<16x1024xf32, #tpu.memory_space<vmem>>) dst(%dma_wait3A_123 : memref<16x1024xf32, #tpu.memory_space<hbm>>)
      } else {
      }
      %parallel_loop3A = arith.constant 0 : i32
      %parallel_loop3A_44 = arith.constant 64 : i32
      %parallel_loop3A_45 = arith.constant 1 : i32
      scf.for %parallel_loop3A_116 = %parallel_loop3A to %parallel_loop3A_44 step %parallel_loop3A_45  : i32 {
        %parallel_loop3A_117 = arith.constant 16 : i32
        %parallel_loop3A_118 = arith.muli %parallel_loop3A_116, %parallel_loop3A_117 : i32
        %parallel_loop3A_119 = arith.constant 0 : i32
        %parallel_loop3A_120 = arith.addi %parallel_loop3A_119, %parallel_loop3A_118 : i32
        %parallel_loop3A_121 = arith.index_cast %parallel_loop3A_120 : i32 to index
        %parallel_loop3A_122 = tpu.vector_load %arg5[%parallel_loop3A_121] {strides = array<i32>} : memref<2048xi32, #tpu.memory_space<vmem>>, vector<16xi32>,
        %parallel_loop3A_123 = arith.constant 0 : i32
        %parallel_loop3A_124 = vector.broadcast %parallel_loop3A_123 : i32 to vector<16xi32>
        %parallel_loop3A_125 = tpu.vector_load_idx %arg6[%parallel_loop3A_124, %parallel_loop3A_122] : memref<16x2048xf32, #tpu.memory_space<vmem>>[vector<16xi32>, vector<16xi32>], vector<16xf32>,
        %parallel_loop3A_126 = arith.constant 16 : i32
        %parallel_loop3A_127 = arith.muli %parallel_loop3A_116, %parallel_loop3A_126 : i32
        %parallel_loop3A_128 = arith.constant 0 : i32
        %parallel_loop3A_129 = arith.index_cast %parallel_loop3A_128 : i32 to index
        %parallel_loop3A_130 = arith.index_cast %parallel_loop3A_127 : i32 to index
        %parallel_loop3A_131 = tpu.vector_load %arg8[%parallel_loop3A_129, %parallel_loop3A_130] {strides = array<i32>} : memref<16x1024xf32, #tpu.memory_space<vmem>>, vector<16xf32>,
        tpu.vector_store %arg8[%parallel_loop3A_129, %parallel_loop3A_130], %parallel_loop3A_125 {strides = array<i32>} : memref<16x1024xf32, #tpu.memory_space<vmem>>, vector<16xf32>,
        %parallel_loop3A_132 = arith.constant 1 : i32
        %parallel_loop3A_133 = vector.broadcast %parallel_loop3A_132 : i32 to vector<16xi32>
        %parallel_loop3A_134 = tpu.vector_load_idx %arg6[%parallel_loop3A_133, %parallel_loop3A_122] : memref<16x2048xf32, #tpu.memory_space<vmem>>[vector<16xi32>, vector<16xi32>], vector<16xf32>,
        %parallel_loop3A_135 = arith.constant 16 : i32
        %parallel_loop3A_136 = arith.muli %parallel_loop3A_116, %parallel_loop3A_135 : i32
        %parallel_loop3A_137 = arith.constant 1 : i32
        %parallel_loop3A_138 = arith.index_cast %parallel_loop3A_137 : i32 to index
        %parallel_loop3A_139 = arith.index_cast %parallel_loop3A_136 : i32 to index
        %parallel_loop3A_140 = tpu.vector_load %arg8[%parallel_loop3A_138, %parallel_loop3A_139] {strides = array<i32>} : memref<16x1024xf32, #tpu.memory_space<vmem>>, vector<16xf32>,
        tpu.vector_store %arg8[%parallel_loop3A_138, %parallel_loop3A_139], %parallel_loop3A_134 {strides = array<i32>} : memref<16x1024xf32, #tpu.memory_space<vmem>>, vector<16xf32>,
        %parallel_loop3A_141 = arith.constant 2 : i32
        %parallel_loop3A_142 = vector.broadcast %parallel_loop3A_141 : i32 to vector<16xi32>
        %parallel_loop3A_143 = tpu.vector_load_idx %arg6[%parallel_loop3A_142, %parallel_loop3A_122] : memref<16x2048xf32, #tpu.memory_space<vmem>>[vector<16xi32>, vector<16xi32>], vector<16xf32>,
        %parallel_loop3A_144 = arith.constant 16 : i32
        %parallel_loop3A_145 = arith.muli %parallel_loop3A_116, %parallel_loop3A_144 : i32
        %parallel_loop3A_146 = arith.constant 2 : i32
        %parallel_loop3A_147 = arith.index_cast %parallel_loop3A_146 : i32 to index
        %parallel_loop3A_148 = arith.index_cast %parallel_loop3A_145 : i32 to index
        %parallel_loop3A_149 = tpu.vector_load %arg8[%parallel_loop3A_147, %parallel_loop3A_148] {strides = array<i32>} : memref<16x1024xf32, #tpu.memory_space<vmem>>, vector<16xf32>,
        tpu.vector_store %arg8[%parallel_loop3A_147, %parallel_loop3A_148], %parallel_loop3A_143 {strides = array<i32>} : memref<16x1024xf32, #tpu.memory_space<vmem>>, vector<16xf32>,
        %parallel_loop3A_150 = arith.constant 3 : i32
        %parallel_loop3A_151 = vector.broadcast %parallel_loop3A_150 : i32 to vector<16xi32>
        %parallel_loop3A_152 = tpu.vector_load_idx %arg6[%parallel_loop3A_151, %parallel_loop3A_122] : memref<16x2048xf32, #tpu.memory_space<vmem>>[vector<16xi32>, vector<16xi32>], vector<16xf32>,
        %parallel_loop3A_153 = arith.constant 16 : i32
        %parallel_loop3A_154 = arith.muli %parallel_loop3A_116, %parallel_loop3A_153 : i32
        %parallel_loop3A_155 = arith.constant 3 : i32
        %parallel_loop3A_156 = arith.index_cast %parallel_loop3A_155 : i32 to index
        %parallel_loop3A_157 = arith.index_cast %parallel_loop3A_154 : i32 to index
        %parallel_loop3A_158 = tpu.vector_load %arg8[%parallel_loop3A_156, %parallel_loop3A_157] {strides = array<i32>} : memref<16x1024xf32, #tpu.memory_space<vmem>>, vector<16xf32>,
        tpu.vector_store %arg8[%parallel_loop3A_156, %parallel_loop3A_157], %parallel_loop3A_152 {strides = array<i32>} : memref<16x1024xf32, #tpu.memory_space<vmem>>, vector<16xf32>,
        %parallel_loop3A_159 = arith.constant 4 : i32
        %parallel_loop3A_160 = vector.broadcast %parallel_loop3A_159 : i32 to vector<16xi32>
        %parallel_loop3A_161 = tpu.vector_load_idx %arg6[%parallel_loop3A_160, %parallel_loop3A_122] : memref<16x2048xf32, #tpu.memory_space<vmem>>[vector<16xi32>, vector<16xi32>], vector<16xf32>,
        %parallel_loop3A_162 = arith.constant 16 : i32
        %parallel_loop3A_163 = arith.muli %parallel_loop3A_116, %parallel_loop3A_162 : i32
        %parallel_loop3A_164 = arith.constant 4 : i32
        %parallel_loop3A_165 = arith.index_cast %parallel_loop3A_164 : i32 to index
        %parallel_loop3A_166 = arith.index_cast %parallel_loop3A_163 : i32 to index
        %parallel_loop3A_167 = tpu.vector_load %arg8[%parallel_loop3A_165, %parallel_loop3A_166] {strides = array<i32>} : memref<16x1024xf32, #tpu.memory_space<vmem>>, vector<16xf32>,
        tpu.vector_store %arg8[%parallel_loop3A_165, %parallel_loop3A_166], %parallel_loop3A_161 {strides = array<i32>} : memref<16x1024xf32, #tpu.memory_space<vmem>>, vector<16xf32>,
        %parallel_loop3A_168 = arith.constant 5 : i32
        %parallel_loop3A_169 = vector.broadcast %parallel_loop3A_168 : i32 to vector<16xi32>
        %parallel_loop3A_170 = tpu.vector_load_idx %arg6[%parallel_loop3A_169, %parallel_loop3A_122] : memref<16x2048xf32, #tpu.memory_space<vmem>>[vector<16xi32>, vector<16xi32>], vector<16xf32>,
        %parallel_loop3A_171 = arith.constant 16 : i32
        %parallel_loop3A_172 = arith.muli %parallel_loop3A_116, %parallel_loop3A_171 : i32
        %parallel_loop3A_173 = arith.constant 5 : i32
        %parallel_loop3A_174 = arith.index_cast %parallel_loop3A_173 : i32 to index
        %parallel_loop3A_175 = arith.index_cast %parallel_loop3A_172 : i32 to index
        %parallel_loop3A_176 = tpu.vector_load %arg8[%parallel_loop3A_174, %parallel_loop3A_175] {strides = array<i32>} : memref<16x1024xf32, #tpu.memory_space<vmem>>, vector<16xf32>,
        tpu.vector_store %arg8[%parallel_loop3A_174, %parallel_loop3A_175], %parallel_loop3A_170 {strides = array<i32>} : memref<16x1024xf32, #tpu.memory_space<vmem>>, vector<16xf32>,
        %parallel_loop3A_177 = arith.constant 6 : i32
        %parallel_loop3A_178 = vector.broadcast %parallel_loop3A_177 : i32 to vector<16xi32>
        %parallel_loop3A_179 = tpu.vector_load_idx %arg6[%parallel_loop3A_178, %parallel_loop3A_122] : memref<16x2048xf32, #tpu.memory_space<vmem>>[vector<16xi32>, vector<16xi32>], vector<16xf32>,
        %parallel_loop3A_180 = arith.constant 16 : i32
        %parallel_loop3A_181 = arith.muli %parallel_loop3A_116, %parallel_loop3A_180 : i32
        %parallel_loop3A_182 = arith.constant 6 : i32
        %parallel_loop3A_183 = arith.index_cast %parallel_loop3A_182 : i32 to index
        %parallel_loop3A_184 = arith.index_cast %parallel_loop3A_181 : i32 to index
        %parallel_loop3A_185 = tpu.vector_load %arg8[%parallel_loop3A_183, %parallel_loop3A_184] {strides = array<i32>} : memref<16x1024xf32, #tpu.memory_space<vmem>>, vector<16xf32>,
        tpu.vector_store %arg8[%parallel_loop3A_183, %parallel_loop3A_184], %parallel_loop3A_179 {strides = array<i32>} : memref<16x1024xf32, #tpu.memory_space<vmem>>, vector<16xf32>,
        %parallel_loop3A_186 = arith.constant 7 : i32
        %parallel_loop3A_187 = vector.broadcast %parallel_loop3A_186 : i32 to vector<16xi32>
        %parallel_loop3A_188 = tpu.vector_load_idx %arg6[%parallel_loop3A_187, %parallel_loop3A_122] : memref<16x2048xf32, #tpu.memory_space<vmem>>[vector<16xi32>, vector<16xi32>], vector<16xf32>,
        %parallel_loop3A_189 = arith.constant 16 : i32
        %parallel_loop3A_190 = arith.muli %parallel_loop3A_116, %parallel_loop3A_189 : i32
        %parallel_loop3A_191 = arith.constant 7 : i32
        %parallel_loop3A_192 = arith.index_cast %parallel_loop3A_191 : i32 to index
        %parallel_loop3A_193 = arith.index_cast %parallel_loop3A_190 : i32 to index
        %parallel_loop3A_194 = tpu.vector_load %arg8[%parallel_loop3A_192, %parallel_loop3A_193] {strides = array<i32>} : memref<16x1024xf32, #tpu.memory_space<vmem>>, vector<16xf32>,
        tpu.vector_store %arg8[%parallel_loop3A_192, %parallel_loop3A_193], %parallel_loop3A_188 {strides = array<i32>} : memref<16x1024xf32, #tpu.memory_space<vmem>>, vector<16xf32>,
        %parallel_loop3A_195 = arith.constant 8 : i32
        %parallel_loop3A_196 = vector.broadcast %parallel_loop3A_195 : i32 to vector<16xi32>
        %parallel_loop3A_197 = tpu.vector_load_idx %arg6[%parallel_loop3A_196, %parallel_loop3A_122] : memref<16x2048xf32, #tpu.memory_space<vmem>>[vector<16xi32>, vector<16xi32>], vector<16xf32>,
        %parallel_loop3A_198 = arith.constant 16 : i32
        %parallel_loop3A_199 = arith.muli %parallel_loop3A_116, %parallel_loop3A_198 : i32
        %parallel_loop3A_200 = arith.constant 8 : i32
        %parallel_loop3A_201 = arith.index_cast %parallel_loop3A_200 : i32 to index
        %parallel_loop3A_202 = arith.index_cast %parallel_loop3A_199 : i32 to index
        %parallel_loop3A_203 = tpu.vector_load %arg8[%parallel_loop3A_201, %parallel_loop3A_202] {strides = array<i32>} : memref<16x1024xf32, #tpu.memory_space<vmem>>, vector<16xf32>,
        tpu.vector_store %arg8[%parallel_loop3A_201, %parallel_loop3A_202], %parallel_loop3A_197 {strides = array<i32>} : memref<16x1024xf32, #tpu.memory_space<vmem>>, vector<16xf32>,
        %parallel_loop3A_204 = arith.constant 9 : i32
        %parallel_loop3A_205 = vector.broadcast %parallel_loop3A_204 : i32 to vector<16xi32>
        %parallel_loop3A_206 = tpu.vector_load_idx %arg6[%parallel_loop3A_205, %parallel_loop3A_122] : memref<16x2048xf32, #tpu.memory_space<vmem>>[vector<16xi32>, vector<16xi32>], vector<16xf32>,
        %parallel_loop3A_207 = arith.constant 16 : i32
        %parallel_loop3A_208 = arith.muli %parallel_loop3A_116, %parallel_loop3A_207 : i32
        %parallel_loop3A_209 = arith.constant 9 : i32
        %parallel_loop3A_210 = arith.index_cast %parallel_loop3A_209 : i32 to index
        %parallel_loop3A_211 = arith.index_cast %parallel_loop3A_208 : i32 to index
        %parallel_loop3A_212 = tpu.vector_load %arg8[%parallel_loop3A_210, %parallel_loop3A_211] {strides = array<i32>} : memref<16x1024xf32, #tpu.memory_space<vmem>>, vector<16xf32>,
        tpu.vector_store %arg8[%parallel_loop3A_210, %parallel_loop3A_211], %parallel_loop3A_206 {strides = array<i32>} : memref<16x1024xf32, #tpu.memory_space<vmem>>, vector<16xf32>,
        %parallel_loop3A_213 = arith.constant 10 : i32
        %parallel_loop3A_214 = vector.broadcast %parallel_loop3A_213 : i32 to vector<16xi32>
        %parallel_loop3A_215 = tpu.vector_load_idx %arg6[%parallel_loop3A_214, %parallel_loop3A_122] : memref<16x2048xf32, #tpu.memory_space<vmem>>[vector<16xi32>, vector<16xi32>], vector<16xf32>,
        %parallel_loop3A_216 = arith.constant 16 : i32
        %parallel_loop3A_217 = arith.muli %parallel_loop3A_116, %parallel_loop3A_216 : i32
        %parallel_loop3A_218 = arith.constant 10 : i32
        %parallel_loop3A_219 = arith.index_cast %parallel_loop3A_218 : i32 to index
        %parallel_loop3A_220 = arith.index_cast %parallel_loop3A_217 : i32 to index
        %parallel_loop3A_221 = tpu.vector_load %arg8[%parallel_loop3A_219, %parallel_loop3A_220] {strides = array<i32>} : memref<16x1024xf32, #tpu.memory_space<vmem>>, vector<16xf32>,
        tpu.vector_store %arg8[%parallel_loop3A_219, %parallel_loop3A_220], %parallel_loop3A_215 {strides = array<i32>} : memref<16x1024xf32, #tpu.memory_space<vmem>>, vector<16xf32>,
        %parallel_loop3A_222 = arith.constant 11 : i32
        %parallel_loop3A_223 = vector.broadcast %parallel_loop3A_222 : i32 to vector<16xi32>
        %parallel_loop3A_224 = tpu.vector_load_idx %arg6[%parallel_loop3A_223, %parallel_loop3A_122] : memref<16x2048xf32, #tpu.memory_space<vmem>>[vector<16xi32>, vector<16xi32>], vector<16xf32>,
        %parallel_loop3A_225 = arith.constant 16 : i32
        %parallel_loop3A_226 = arith.muli %parallel_loop3A_116, %parallel_loop3A_225 : i32
        %parallel_loop3A_227 = arith.constant 11 : i32
        %parallel_loop3A_228 = arith.index_cast %parallel_loop3A_227 : i32 to index
        %parallel_loop3A_229 = arith.index_cast %parallel_loop3A_226 : i32 to index
        %parallel_loop3A_230 = tpu.vector_load %arg8[%parallel_loop3A_228, %parallel_loop3A_229] {strides = array<i32>} : memref<16x1024xf32, #tpu.memory_space<vmem>>, vector<16xf32>,
        tpu.vector_store %arg8[%parallel_loop3A_228, %parallel_loop3A_229], %parallel_loop3A_224 {strides = array<i32>} : memref<16x1024xf32, #tpu.memory_space<vmem>>, vector<16xf32>,
        %parallel_loop3A_231 = arith.constant 12 : i32
        %parallel_loop3A_232 = vector.broadcast %parallel_loop3A_231 : i32 to vector<16xi32>
        %parallel_loop3A_233 = tpu.vector_load_idx %arg6[%parallel_loop3A_232, %parallel_loop3A_122] : memref<16x2048xf32, #tpu.memory_space<vmem>>[vector<16xi32>, vector<16xi32>], vector<16xf32>,
        %parallel_loop3A_234 = arith.constant 16 : i32
        %parallel_loop3A_235 = arith.muli %parallel_loop3A_116, %parallel_loop3A_234 : i32
        %parallel_loop3A_236 = arith.constant 12 : i32
        %parallel_loop3A_237 = arith.index_cast %parallel_loop3A_236 : i32 to index
        %parallel_loop3A_238 = arith.index_cast %parallel_loop3A_235 : i32 to index
        %parallel_loop3A_239 = tpu.vector_load %arg8[%parallel_loop3A_237, %parallel_loop3A_238] {strides = array<i32>} : memref<16x1024xf32, #tpu.memory_space<vmem>>, vector<16xf32>,
        tpu.vector_store %arg8[%parallel_loop3A_237, %parallel_loop3A_238], %parallel_loop3A_233 {strides = array<i32>} : memref<16x1024xf32, #tpu.memory_space<vmem>>, vector<16xf32>,
        %parallel_loop3A_240 = arith.constant 13 : i32
        %parallel_loop3A_241 = vector.broadcast %parallel_loop3A_240 : i32 to vector<16xi32>
        %parallel_loop3A_242 = tpu.vector_load_idx %arg6[%parallel_loop3A_241, %parallel_loop3A_122] : memref<16x2048xf32, #tpu.memory_space<vmem>>[vector<16xi32>, vector<16xi32>], vector<16xf32>,
        %parallel_loop3A_243 = arith.constant 16 : i32
        %parallel_loop3A_244 = arith.muli %parallel_loop3A_116, %parallel_loop3A_243 : i32
        %parallel_loop3A_245 = arith.constant 13 : i32
        %parallel_loop3A_246 = arith.index_cast %parallel_loop3A_245 : i32 to index
        %parallel_loop3A_247 = arith.index_cast %parallel_loop3A_244 : i32 to index
        %parallel_loop3A_248 = tpu.vector_load %arg8[%parallel_loop3A_246, %parallel_loop3A_247] {strides = array<i32>} : memref<16x1024xf32, #tpu.memory_space<vmem>>, vector<16xf32>,
        tpu.vector_store %arg8[%parallel_loop3A_246, %parallel_loop3A_247], %parallel_loop3A_242 {strides = array<i32>} : memref<16x1024xf32, #tpu.memory_space<vmem>>, vector<16xf32>,
        %parallel_loop3A_249 = arith.constant 14 : i32
        %parallel_loop3A_250 = vector.broadcast %parallel_loop3A_249 : i32 to vector<16xi32>
        %parallel_loop3A_251 = tpu.vector_load_idx %arg6[%parallel_loop3A_250, %parallel_loop3A_122] : memref<16x2048xf32, #tpu.memory_space<vmem>>[vector<16xi32>, vector<16xi32>], vector<16xf32>,
        %parallel_loop3A_252 = arith.constant 16 : i32
        %parallel_loop3A_253 = arith.muli %parallel_loop3A_116, %parallel_loop3A_252 : i32
        %parallel_loop3A_254 = arith.constant 14 : i32
        %parallel_loop3A_255 = arith.index_cast %parallel_loop3A_254 : i32 to index
        %parallel_loop3A_256 = arith.index_cast %parallel_loop3A_253 : i32 to index
        %parallel_loop3A_257 = tpu.vector_load %arg8[%parallel_loop3A_255, %parallel_loop3A_256] {strides = array<i32>} : memref<16x1024xf32, #tpu.memory_space<vmem>>, vector<16xf32>,
        tpu.vector_store %arg8[%parallel_loop3A_255, %parallel_loop3A_256], %parallel_loop3A_251 {strides = array<i32>} : memref<16x1024xf32, #tpu.memory_space<vmem>>, vector<16xf32>,
        %parallel_loop3A_258 = arith.constant 15 : i32
        %parallel_loop3A_259 = vector.broadcast %parallel_loop3A_258 : i32 to vector<16xi32>
        %parallel_loop3A_260 = tpu.vector_load_idx %arg6[%parallel_loop3A_259, %parallel_loop3A_122] : memref<16x2048xf32, #tpu.memory_space<vmem>>[vector<16xi32>, vector<16xi32>], vector<16xf32>,
        %parallel_loop3A_261 = arith.constant 16 : i32
        %parallel_loop3A_262 = arith.muli %parallel_loop3A_116, %parallel_loop3A_261 : i32
        %parallel_loop3A_263 = arith.constant 15 : i32
        %parallel_loop3A_264 = arith.index_cast %parallel_loop3A_263 : i32 to index
        %parallel_loop3A_265 = arith.index_cast %parallel_loop3A_262 : i32 to index
        %parallel_loop3A_266 = tpu.vector_load %arg8[%parallel_loop3A_264, %parallel_loop3A_265] {strides = array<i32>} : memref<16x1024xf32, #tpu.memory_space<vmem>>, vector<16xf32>,
        tpu.vector_store %arg8[%parallel_loop3A_264, %parallel_loop3A_265], %parallel_loop3A_260 {strides = array<i32>} : memref<16x1024xf32, #tpu.memory_space<vmem>>, vector<16xf32>,
      } {sc.loop_unroll_factor = 2 : i64, sc.parallel_access}
      %mul3A_46 = arith.constant 16 : i32
      %mul3A_47 = arith.muli %add3A_28, %mul3A_46 : i32
      %add3A_48 = arith.addi %mul3A_2, %mul3A_47 : i32
      %dma_start3A_49 = arith.constant 0 : i32
      %dma_start3A_50 = tpu.memref_slice %arg4[%add3A_48, %dma_start3A_49] : memref<32768x2048xf32, #tpu.memory_space<hbm>> -> memref<16x1024xf32, #tpu.memory_space<hbm>>
      %dma_start3A_51 = arith.constant 0 : i32
      %dma_start3A_52 = tpu.memref_slice %arg4[%add3A_48, %dma_start3A_51] : memref<32768x2048xf32, #tpu.memory_space<hbm>> -> memref<16x1024xf32, #tpu.memory_space<hbm>>
      tpu.enqueue_dma source(%arg8 : memref<16x1024xf32, #tpu.memory_space<vmem>>) target(%dma_start3A_52 : memref<16x1024xf32, #tpu.memory_space<hbm>>) target_semaphore(%arg12 : memref<!tpu.dma_semaphore, #tpu.memory_space<semaphore_mem>>)
      %ge3A_53 = arith.constant 1 : i32
      %ge3A_54 = arith.cmpi sge, %add3A_28, %ge3A_53 : i32
      %convert_element_type3A_55 = arith.extui %ge3A_54 : i1 to i32
      %cond3A_56 = arith.constant 0 : i32
      %cond3A_57 = arith.cmpi ne, %convert_element_type3A_55, %cond3A_56 : i32
      scf.if %cond3A_57 {
        %sub3A = arith.constant 1 : i32
        %sub3A_116 = arith.subi %add3A_28, %sub3A : i32
        %mul3A_117 = arith.constant 16 : i32
        %mul3A_118 = arith.muli %sub3A_116, %mul3A_117 : i32
        %add3A_119 = arith.addi %mul3A_2, %mul3A_118 : i32
        %dma_wait3A_120 = arith.constant 1024 : i32
        %dma_wait3A_121 = tpu.memref_slice %arg4[%add3A_119, %dma_wait3A_120] : memref<32768x2048xf32, #tpu.memory_space<hbm>> -> memref<16x1024xf32, #tpu.memory_space<hbm>>
        %dma_wait3A_122 = arith.constant 1024 : i32
        %dma_wait3A_123 = tpu.memref_slice %arg4[%add3A_119, %dma_wait3A_122] : memref<32768x2048xf32, #tpu.memory_space<hbm>> -> memref<16x1024xf32, #tpu.memory_space<hbm>>
        tpu.wait_dma2 semaphore(%arg13 : memref<!tpu.dma_semaphore, #tpu.memory_space<semaphore_mem>>) src(%arg9 : memref<16x1024xf32, #tpu.memory_space<vmem>>) dst(%dma_wait3A_123 : memref<16x1024xf32, #tpu.memory_space<hbm>>)
      } else {
      }
      %parallel_loop3A_58 = arith.constant 0 : i32
      %parallel_loop3A_59 = arith.constant 64 : i32
      %parallel_loop3A_60 = arith.constant 1 : i32
      scf.for %parallel_loop3A_116 = %parallel_loop3A_58 to %parallel_loop3A_59 step %parallel_loop3A_60  : i32 {
        %parallel_loop3A_117 = arith.constant 16 : i32
        %parallel_loop3A_118 = arith.muli %parallel_loop3A_116, %parallel_loop3A_117 : i32
        %parallel_loop3A_119 = arith.constant 1024 : i32
        %parallel_loop3A_120 = arith.addi %parallel_loop3A_119, %parallel_loop3A_118 : i32
        %parallel_loop3A_121 = arith.index_cast %parallel_loop3A_120 : i32 to index
        %parallel_loop3A_122 = tpu.vector_load %arg5[%parallel_loop3A_121] {strides = array<i32>} : memref<2048xi32, #tpu.memory_space<vmem>>, vector<16xi32>,
        %parallel_loop3A_123 = arith.constant 0 : i32
        %parallel_loop3A_124 = vector.broadcast %parallel_loop3A_123 : i32 to vector<16xi32>
        %parallel_loop3A_125 = tpu.vector_load_idx %arg6[%parallel_loop3A_124, %parallel_loop3A_122] : memref<16x2048xf32, #tpu.memory_space<vmem>>[vector<16xi32>, vector<16xi32>], vector<16xf32>,
        %parallel_loop3A_126 = arith.constant 16 : i32
        %parallel_loop3A_127 = arith.muli %parallel_loop3A_116, %parallel_loop3A_126 : i32
        %parallel_loop3A_128 = arith.constant 0 : i32
        %parallel_loop3A_129 = arith.index_cast %parallel_loop3A_128 : i32 to index
        %parallel_loop3A_130 = arith.index_cast %parallel_loop3A_127 : i32 to index
        %parallel_loop3A_131 = tpu.vector_load %arg9[%parallel_loop3A_129, %parallel_loop3A_130] {strides = array<i32>} : memref<16x1024xf32, #tpu.memory_space<vmem>>, vector<16xf32>,
        tpu.vector_store %arg9[%parallel_loop3A_129, %parallel_loop3A_130], %parallel_loop3A_125 {strides = array<i32>} : memref<16x1024xf32, #tpu.memory_space<vmem>>, vector<16xf32>,
        %parallel_loop3A_132 = arith.constant 1 : i32
        %parallel_loop3A_133 = vector.broadcast %parallel_loop3A_132 : i32 to vector<16xi32>
        %parallel_loop3A_134 = tpu.vector_load_idx %arg6[%parallel_loop3A_133, %parallel_loop3A_122] : memref<16x2048xf32, #tpu.memory_space<vmem>>[vector<16xi32>, vector<16xi32>], vector<16xf32>,
        %parallel_loop3A_135 = arith.constant 16 : i32
        %parallel_loop3A_136 = arith.muli %parallel_loop3A_116, %parallel_loop3A_135 : i32
        %parallel_loop3A_137 = arith.constant 1 : i32
        %parallel_loop3A_138 = arith.index_cast %parallel_loop3A_137 : i32 to index
        %parallel_loop3A_139 = arith.index_cast %parallel_loop3A_136 : i32 to index
        %parallel_loop3A_140 = tpu.vector_load %arg9[%parallel_loop3A_138, %parallel_loop3A_139] {strides = array<i32>} : memref<16x1024xf32, #tpu.memory_space<vmem>>, vector<16xf32>,
        tpu.vector_store %arg9[%parallel_loop3A_138, %parallel_loop3A_139], %parallel_loop3A_134 {strides = array<i32>} : memref<16x1024xf32, #tpu.memory_space<vmem>>, vector<16xf32>,
        %parallel_loop3A_141 = arith.constant 2 : i32
        %parallel_loop3A_142 = vector.broadcast %parallel_loop3A_141 : i32 to vector<16xi32>
        %parallel_loop3A_143 = tpu.vector_load_idx %arg6[%parallel_loop3A_142, %parallel_loop3A_122] : memref<16x2048xf32, #tpu.memory_space<vmem>>[vector<16xi32>, vector<16xi32>], vector<16xf32>,
        %parallel_loop3A_144 = arith.constant 16 : i32
        %parallel_loop3A_145 = arith.muli %parallel_loop3A_116, %parallel_loop3A_144 : i32
        %parallel_loop3A_146 = arith.constant 2 : i32
        %parallel_loop3A_147 = arith.index_cast %parallel_loop3A_146 : i32 to index
        %parallel_loop3A_148 = arith.index_cast %parallel_loop3A_145 : i32 to index
        %parallel_loop3A_149 = tpu.vector_load %arg9[%parallel_loop3A_147, %parallel_loop3A_148] {strides = array<i32>} : memref<16x1024xf32, #tpu.memory_space<vmem>>, vector<16xf32>,
        tpu.vector_store %arg9[%parallel_loop3A_147, %parallel_loop3A_148], %parallel_loop3A_143 {strides = array<i32>} : memref<16x1024xf32, #tpu.memory_space<vmem>>, vector<16xf32>,
        %parallel_loop3A_150 = arith.constant 3 : i32
        %parallel_loop3A_151 = vector.broadcast %parallel_loop3A_150 : i32 to vector<16xi32>
        %parallel_loop3A_152 = tpu.vector_load_idx %arg6[%parallel_loop3A_151, %parallel_loop3A_122] : memref<16x2048xf32, #tpu.memory_space<vmem>>[vector<16xi32>, vector<16xi32>], vector<16xf32>,
        %parallel_loop3A_153 = arith.constant 16 : i32
        %parallel_loop3A_154 = arith.muli %parallel_loop3A_116, %parallel_loop3A_153 : i32
        %parallel_loop3A_155 = arith.constant 3 : i32
        %parallel_loop3A_156 = arith.index_cast %parallel_loop3A_155 : i32 to index
        %parallel_loop3A_157 = arith.index_cast %parallel_loop3A_154 : i32 to index
        %parallel_loop3A_158 = tpu.vector_load %arg9[%parallel_loop3A_156, %parallel_loop3A_157] {strides = array<i32>} : memref<16x1024xf32, #tpu.memory_space<vmem>>, vector<16xf32>,
        tpu.vector_store %arg9[%parallel_loop3A_156, %parallel_loop3A_157], %parallel_loop3A_152 {strides = array<i32>} : memref<16x1024xf32, #tpu.memory_space<vmem>>, vector<16xf32>,
        %parallel_loop3A_159 = arith.constant 4 : i32
        %parallel_loop3A_160 = vector.broadcast %parallel_loop3A_159 : i32 to vector<16xi32>
        %parallel_loop3A_161 = tpu.vector_load_idx %arg6[%parallel_loop3A_160, %parallel_loop3A_122] : memref<16x2048xf32, #tpu.memory_space<vmem>>[vector<16xi32>, vector<16xi32>], vector<16xf32>,
        %parallel_loop3A_162 = arith.constant 16 : i32
        %parallel_loop3A_163 = arith.muli %parallel_loop3A_116, %parallel_loop3A_162 : i32
        %parallel_loop3A_164 = arith.constant 4 : i32
        %parallel_loop3A_165 = arith.index_cast %parallel_loop3A_164 : i32 to index
        %parallel_loop3A_166 = arith.index_cast %parallel_loop3A_163 : i32 to index
        %parallel_loop3A_167 = tpu.vector_load %arg9[%parallel_loop3A_165, %parallel_loop3A_166] {strides = array<i32>} : memref<16x1024xf32, #tpu.memory_space<vmem>>, vector<16xf32>,
        tpu.vector_store %arg9[%parallel_loop3A_165, %parallel_loop3A_166], %parallel_loop3A_161 {strides = array<i32>} : memref<16x1024xf32, #tpu.memory_space<vmem>>, vector<16xf32>,
        %parallel_loop3A_168 = arith.constant 5 : i32
        %parallel_loop3A_169 = vector.broadcast %parallel_loop3A_168 : i32 to vector<16xi32>
        %parallel_loop3A_170 = tpu.vector_load_idx %arg6[%parallel_loop3A_169, %parallel_loop3A_122] : memref<16x2048xf32, #tpu.memory_space<vmem>>[vector<16xi32>, vector<16xi32>], vector<16xf32>,
        %parallel_loop3A_171 = arith.constant 16 : i32
        %parallel_loop3A_172 = arith.muli %parallel_loop3A_116, %parallel_loop3A_171 : i32
        %parallel_loop3A_173 = arith.constant 5 : i32
        %parallel_loop3A_174 = arith.index_cast %parallel_loop3A_173 : i32 to index
        %parallel_loop3A_175 = arith.index_cast %parallel_loop3A_172 : i32 to index
        %parallel_loop3A_176 = tpu.vector_load %arg9[%parallel_loop3A_174, %parallel_loop3A_175] {strides = array<i32>} : memref<16x1024xf32, #tpu.memory_space<vmem>>, vector<16xf32>,
        tpu.vector_store %arg9[%parallel_loop3A_174, %parallel_loop3A_175], %parallel_loop3A_170 {strides = array<i32>} : memref<16x1024xf32, #tpu.memory_space<vmem>>, vector<16xf32>,
        %parallel_loop3A_177 = arith.constant 6 : i32
        %parallel_loop3A_178 = vector.broadcast %parallel_loop3A_177 : i32 to vector<16xi32>
        %parallel_loop3A_179 = tpu.vector_load_idx %arg6[%parallel_loop3A_178, %parallel_loop3A_122] : memref<16x2048xf32, #tpu.memory_space<vmem>>[vector<16xi32>, vector<16xi32>], vector<16xf32>,
        %parallel_loop3A_180 = arith.constant 16 : i32
        %parallel_loop3A_181 = arith.muli %parallel_loop3A_116, %parallel_loop3A_180 : i32
        %parallel_loop3A_182 = arith.constant 6 : i32
        %parallel_loop3A_183 = arith.index_cast %parallel_loop3A_182 : i32 to index
        %parallel_loop3A_184 = arith.index_cast %parallel_loop3A_181 : i32 to index
        %parallel_loop3A_185 = tpu.vector_load %arg9[%parallel_loop3A_183, %parallel_loop3A_184] {strides = array<i32>} : memref<16x1024xf32, #tpu.memory_space<vmem>>, vector<16xf32>,
        tpu.vector_store %arg9[%parallel_loop3A_183, %parallel_loop3A_184], %parallel_loop3A_179 {strides = array<i32>} : memref<16x1024xf32, #tpu.memory_space<vmem>>, vector<16xf32>,
        %parallel_loop3A_186 = arith.constant 7 : i32
        %parallel_loop3A_187 = vector.broadcast %parallel_loop3A_186 : i32 to vector<16xi32>
        %parallel_loop3A_188 = tpu.vector_load_idx %arg6[%parallel_loop3A_187, %parallel_loop3A_122] : memref<16x2048xf32, #tpu.memory_space<vmem>>[vector<16xi32>, vector<16xi32>], vector<16xf32>,
        %parallel_loop3A_189 = arith.constant 16 : i32
        %parallel_loop3A_190 = arith.muli %parallel_loop3A_116, %parallel_loop3A_189 : i32
        %parallel_loop3A_191 = arith.constant 7 : i32
        %parallel_loop3A_192 = arith.index_cast %parallel_loop3A_191 : i32 to index
        %parallel_loop3A_193 = arith.index_cast %parallel_loop3A_190 : i32 to index
        %parallel_loop3A_194 = tpu.vector_load %arg9[%parallel_loop3A_192, %parallel_loop3A_193] {strides = array<i32>} : memref<16x1024xf32, #tpu.memory_space<vmem>>, vector<16xf32>,
        tpu.vector_store %arg9[%parallel_loop3A_192, %parallel_loop3A_193], %parallel_loop3A_188 {strides = array<i32>} : memref<16x1024xf32, #tpu.memory_space<vmem>>, vector<16xf32>,
        %parallel_loop3A_195 = arith.constant 8 : i32
        %parallel_loop3A_196 = vector.broadcast %parallel_loop3A_195 : i32 to vector<16xi32>
        %parallel_loop3A_197 = tpu.vector_load_idx %arg6[%parallel_loop3A_196, %parallel_loop3A_122] : memref<16x2048xf32, #tpu.memory_space<vmem>>[vector<16xi32>, vector<16xi32>], vector<16xf32>,
        %parallel_loop3A_198 = arith.constant 16 : i32
        %parallel_loop3A_199 = arith.muli %parallel_loop3A_116, %parallel_loop3A_198 : i32
        %parallel_loop3A_200 = arith.constant 8 : i32
        %parallel_loop3A_201 = arith.index_cast %parallel_loop3A_200 : i32 to index
        %parallel_loop3A_202 = arith.index_cast %parallel_loop3A_199 : i32 to index
        %parallel_loop3A_203 = tpu.vector_load %arg9[%parallel_loop3A_201, %parallel_loop3A_202] {strides = array<i32>} : memref<16x1024xf32, #tpu.memory_space<vmem>>, vector<16xf32>,
        tpu.vector_store %arg9[%parallel_loop3A_201, %parallel_loop3A_202], %parallel_loop3A_197 {strides = array<i32>} : memref<16x1024xf32, #tpu.memory_space<vmem>>, vector<16xf32>,
        %parallel_loop3A_204 = arith.constant 9 : i32
        %parallel_loop3A_205 = vector.broadcast %parallel_loop3A_204 : i32 to vector<16xi32>
        %parallel_loop3A_206 = tpu.vector_load_idx %arg6[%parallel_loop3A_205, %parallel_loop3A_122] : memref<16x2048xf32, #tpu.memory_space<vmem>>[vector<16xi32>, vector<16xi32>], vector<16xf32>,
        %parallel_loop3A_207 = arith.constant 16 : i32
        %parallel_loop3A_208 = arith.muli %parallel_loop3A_116, %parallel_loop3A_207 : i32
        %parallel_loop3A_209 = arith.constant 9 : i32
        %parallel_loop3A_210 = arith.index_cast %parallel_loop3A_209 : i32 to index
        %parallel_loop3A_211 = arith.index_cast %parallel_loop3A_208 : i32 to index
        %parallel_loop3A_212 = tpu.vector_load %arg9[%parallel_loop3A_210, %parallel_loop3A_211] {strides = array<i32>} : memref<16x1024xf32, #tpu.memory_space<vmem>>, vector<16xf32>,
        tpu.vector_store %arg9[%parallel_loop3A_210, %parallel_loop3A_211], %parallel_loop3A_206 {strides = array<i32>} : memref<16x1024xf32, #tpu.memory_space<vmem>>, vector<16xf32>,
        %parallel_loop3A_213 = arith.constant 10 : i32
        %parallel_loop3A_214 = vector.broadcast %parallel_loop3A_213 : i32 to vector<16xi32>
        %parallel_loop3A_215 = tpu.vector_load_idx %arg6[%parallel_loop3A_214, %parallel_loop3A_122] : memref<16x2048xf32, #tpu.memory_space<vmem>>[vector<16xi32>, vector<16xi32>], vector<16xf32>,
        %parallel_loop3A_216 = arith.constant 16 : i32
        %parallel_loop3A_217 = arith.muli %parallel_loop3A_116, %parallel_loop3A_216 : i32
        %parallel_loop3A_218 = arith.constant 10 : i32
        %parallel_loop3A_219 = arith.index_cast %parallel_loop3A_218 : i32 to index
        %parallel_loop3A_220 = arith.index_cast %parallel_loop3A_217 : i32 to index
        %parallel_loop3A_221 = tpu.vector_load %arg9[%parallel_loop3A_219, %parallel_loop3A_220] {strides = array<i32>} : memref<16x1024xf32, #tpu.memory_space<vmem>>, vector<16xf32>,
        tpu.vector_store %arg9[%parallel_loop3A_219, %parallel_loop3A_220], %parallel_loop3A_215 {strides = array<i32>} : memref<16x1024xf32, #tpu.memory_space<vmem>>, vector<16xf32>,
        %parallel_loop3A_222 = arith.constant 11 : i32
        %parallel_loop3A_223 = vector.broadcast %parallel_loop3A_222 : i32 to vector<16xi32>
        %parallel_loop3A_224 = tpu.vector_load_idx %arg6[%parallel_loop3A_223, %parallel_loop3A_122] : memref<16x2048xf32, #tpu.memory_space<vmem>>[vector<16xi32>, vector<16xi32>], vector<16xf32>,
        %parallel_loop3A_225 = arith.constant 16 : i32
        %parallel_loop3A_226 = arith.muli %parallel_loop3A_116, %parallel_loop3A_225 : i32
        %parallel_loop3A_227 = arith.constant 11 : i32
        %parallel_loop3A_228 = arith.index_cast %parallel_loop3A_227 : i32 to index
        %parallel_loop3A_229 = arith.index_cast %parallel_loop3A_226 : i32 to index
        %parallel_loop3A_230 = tpu.vector_load %arg9[%parallel_loop3A_228, %parallel_loop3A_229] {strides = array<i32>} : memref<16x1024xf32, #tpu.memory_space<vmem>>, vector<16xf32>,
        tpu.vector_store %arg9[%parallel_loop3A_228, %parallel_loop3A_229], %parallel_loop3A_224 {strides = array<i32>} : memref<16x1024xf32, #tpu.memory_space<vmem>>, vector<16xf32>,
        %parallel_loop3A_231 = arith.constant 12 : i32
        %parallel_loop3A_232 = vector.broadcast %parallel_loop3A_231 : i32 to vector<16xi32>
        %parallel_loop3A_233 = tpu.vector_load_idx %arg6[%parallel_loop3A_232, %parallel_loop3A_122] : memref<16x2048xf32, #tpu.memory_space<vmem>>[vector<16xi32>, vector<16xi32>], vector<16xf32>,
        %parallel_loop3A_234 = arith.constant 16 : i32
        %parallel_loop3A_235 = arith.muli %parallel_loop3A_116, %parallel_loop3A_234 : i32
        %parallel_loop3A_236 = arith.constant 12 : i32
        %parallel_loop3A_237 = arith.index_cast %parallel_loop3A_236 : i32 to index
        %parallel_loop3A_238 = arith.index_cast %parallel_loop3A_235 : i32 to index
        %parallel_loop3A_239 = tpu.vector_load %arg9[%parallel_loop3A_237, %parallel_loop3A_238] {strides = array<i32>} : memref<16x1024xf32, #tpu.memory_space<vmem>>, vector<16xf32>,
        tpu.vector_store %arg9[%parallel_loop3A_237, %parallel_loop3A_238], %parallel_loop3A_233 {strides = array<i32>} : memref<16x1024xf32, #tpu.memory_space<vmem>>, vector<16xf32>,
        %parallel_loop3A_240 = arith.constant 13 : i32
        %parallel_loop3A_241 = vector.broadcast %parallel_loop3A_240 : i32 to vector<16xi32>
        %parallel_loop3A_242 = tpu.vector_load_idx %arg6[%parallel_loop3A_241, %parallel_loop3A_122] : memref<16x2048xf32, #tpu.memory_space<vmem>>[vector<16xi32>, vector<16xi32>], vector<16xf32>,
        %parallel_loop3A_243 = arith.constant 16 : i32
        %parallel_loop3A_244 = arith.muli %parallel_loop3A_116, %parallel_loop3A_243 : i32
        %parallel_loop3A_245 = arith.constant 13 : i32
        %parallel_loop3A_246 = arith.index_cast %parallel_loop3A_245 : i32 to index
        %parallel_loop3A_247 = arith.index_cast %parallel_loop3A_244 : i32 to index
        %parallel_loop3A_248 = tpu.vector_load %arg9[%parallel_loop3A_246, %parallel_loop3A_247] {strides = array<i32>} : memref<16x1024xf32, #tpu.memory_space<vmem>>, vector<16xf32>,
        tpu.vector_store %arg9[%parallel_loop3A_246, %parallel_loop3A_247], %parallel_loop3A_242 {strides = array<i32>} : memref<16x1024xf32, #tpu.memory_space<vmem>>, vector<16xf32>,
        %parallel_loop3A_249 = arith.constant 14 : i32
        %parallel_loop3A_250 = vector.broadcast %parallel_loop3A_249 : i32 to vector<16xi32>
        %parallel_loop3A_251 = tpu.vector_load_idx %arg6[%parallel_loop3A_250, %parallel_loop3A_122] : memref<16x2048xf32, #tpu.memory_space<vmem>>[vector<16xi32>, vector<16xi32>], vector<16xf32>,
        %parallel_loop3A_252 = arith.constant 16 : i32
        %parallel_loop3A_253 = arith.muli %parallel_loop3A_116, %parallel_loop3A_252 : i32
        %parallel_loop3A_254 = arith.constant 14 : i32
        %parallel_loop3A_255 = arith.index_cast %parallel_loop3A_254 : i32 to index
        %parallel_loop3A_256 = arith.index_cast %parallel_loop3A_253 : i32 to index
        %parallel_loop3A_257 = tpu.vector_load %arg9[%parallel_loop3A_255, %parallel_loop3A_256] {strides = array<i32>} : memref<16x1024xf32, #tpu.memory_space<vmem>>, vector<16xf32>,
        tpu.vector_store %arg9[%parallel_loop3A_255, %parallel_loop3A_256], %parallel_loop3A_251 {strides = array<i32>} : memref<16x1024xf32, #tpu.memory_space<vmem>>, vector<16xf32>,
        %parallel_loop3A_258 = arith.constant 15 : i32
        %parallel_loop3A_259 = vector.broadcast %parallel_loop3A_258 : i32 to vector<16xi32>
        %parallel_loop3A_260 = tpu.vector_load_idx %arg6[%parallel_loop3A_259, %parallel_loop3A_122] : memref<16x2048xf32, #tpu.memory_space<vmem>>[vector<16xi32>, vector<16xi32>], vector<16xf32>,
        %parallel_loop3A_261 = arith.constant 16 : i32
        %parallel_loop3A_262 = arith.muli %parallel_loop3A_116, %parallel_loop3A_261 : i32
        %parallel_loop3A_263 = arith.constant 15 : i32
        %parallel_loop3A_264 = arith.index_cast %parallel_loop3A_263 : i32 to index
        %parallel_loop3A_265 = arith.index_cast %parallel_loop3A_262 : i32 to index
        %parallel_loop3A_266 = tpu.vector_load %arg9[%parallel_loop3A_264, %parallel_loop3A_265] {strides = array<i32>} : memref<16x1024xf32, #tpu.memory_space<vmem>>, vector<16xf32>,
        tpu.vector_store %arg9[%parallel_loop3A_264, %parallel_loop3A_265], %parallel_loop3A_260 {strides = array<i32>} : memref<16x1024xf32, #tpu.memory_space<vmem>>, vector<16xf32>,
      } {sc.loop_unroll_factor = 2 : i64, sc.parallel_access}
      %mul3A_61 = arith.constant 16 : i32
      %mul3A_62 = arith.muli %add3A_28, %mul3A_61 : i32
      %add3A_63 = arith.addi %mul3A_2, %mul3A_62 : i32
      %dma_start3A_64 = arith.constant 1024 : i32
      %dma_start3A_65 = tpu.memref_slice %arg4[%add3A_63, %dma_start3A_64] : memref<32768x2048xf32, #tpu.memory_space<hbm>> -> memref<16x1024xf32, #tpu.memory_space<hbm>>
      %dma_start3A_66 = arith.constant 1024 : i32
      %dma_start3A_67 = tpu.memref_slice %arg4[%add3A_63, %dma_start3A_66] : memref<32768x2048xf32, #tpu.memory_space<hbm>> -> memref<16x1024xf32, #tpu.memory_space<hbm>>
      tpu.enqueue_dma source(%arg9 : memref<16x1024xf32, #tpu.memory_space<vmem>>) target(%dma_start3A_67 : memref<16x1024xf32, #tpu.memory_space<hbm>>) target_semaphore(%arg13 : memref<!tpu.dma_semaphore, #tpu.memory_space<semaphore_mem>>)
      %mul3A_68 = arith.constant 2 : i32
      %mul3A_69 = arith.muli %scan3A_24, %mul3A_68 : i32
      %add3A_70 = arith.constant 1 : i32
      %add3A_71 = arith.addi %mul3A_69, %add3A_70 : i32
      %mul3A_72 = arith.constant 16 : i32
      %mul3A_73 = arith.muli %add3A_71, %mul3A_72 : i32
      %add3A_74 = arith.addi %mul3A_2, %mul3A_73 : i32
      %dma_wait3A_75 = arith.constant 0 : i32
      %dma_wait3A_76 = tpu.memref_slice %arg2[%add3A_74, %dma_wait3A_75] : memref<32768x2048xf32, #tpu.memory_space<hbm>> -> memref<16x2048xf32, #tpu.memory_space<hbm>>
      %dma_wait3A_77 = arith.constant 0 : i32
      %dma_wait3A_78 = tpu.memref_slice %arg2[%add3A_74, %dma_wait3A_77] : memref<32768x2048xf32, #tpu.memory_space<hbm>> -> memref<16x2048xf32, #tpu.memory_space<hbm>>
      tpu.wait_dma2 semaphore(%arg11 : memref<!tpu.dma_semaphore, #tpu.memory_space<semaphore_mem>>) src(%dma_wait3A_78 : memref<16x2048xf32, #tpu.memory_space<hbm>>) dst(%arg7 : memref<16x2048xf32, #tpu.memory_space<vmem>>)
      %add3A_79 = arith.constant 1 : i32
      %add3A_80 = arith.addi %add3A_71, %add3A_79 : i32
      %lt3A_81 = arith.constant 64 : i32
      %lt3A_82 = arith.cmpi slt, %add3A_80, %lt3A_81 : i32
      %convert_element_type3A_83 = arith.extui %lt3A_82 : i1 to i32
      %cond3A_84 = arith.constant 0 : i32
      %cond3A_85 = arith.cmpi ne, %convert_element_type3A_83, %cond3A_84 : i32
      scf.if %cond3A_85 {
        %add3A_116 = arith.constant 1 : i32
        %add3A_117 = arith.addi %add3A_71, %add3A_116 : i32
        %mul3A_118 = arith.constant 16 : i32
        %mul3A_119 = arith.muli %add3A_117, %mul3A_118 : i32
        %add3A_120 = arith.addi %mul3A_2, %mul3A_119 : i32
        %dma_start3A_121 = arith.constant 0 : i32
        %dma_start3A_122 = tpu.memref_slice %arg2[%add3A_120, %dma_start3A_121] : memref<32768x2048xf32, #tpu.memory_space<hbm>> -> memref<16x2048xf32, #tpu.memory_space<hbm>>
        %dma_start3A_123 = arith.constant 0 : i32
        %dma_start3A_124 = tpu.memref_slice %arg2[%add3A_120, %dma_start3A_123] : memref<32768x2048xf32, #tpu.memory_space<hbm>> -> memref<16x2048xf32, #tpu.memory_space<hbm>>
        tpu.enqueue_dma source(%dma_start3A_124 : memref<16x2048xf32, #tpu.memory_space<hbm>>) target(%arg6 : memref<16x2048xf32, #tpu.memory_space<vmem>>) target_semaphore(%arg10 : memref<!tpu.dma_semaphore, #tpu.memory_space<semaphore_mem>>)
      } else {
      }
      %ge3A_86 = arith.constant 1 : i32
      %ge3A_87 = arith.cmpi sge, %add3A_71, %ge3A_86 : i32
      %convert_element_type3A_88 = arith.extui %ge3A_87 : i1 to i32
      %cond3A_89 = arith.constant 0 : i32
      %cond3A_90 = arith.cmpi ne, %convert_element_type3A_88, %cond3A_89 : i32
      scf.if %cond3A_90 {
        %sub3A = arith.constant 1 : i32
        %sub3A_116 = arith.subi %add3A_71, %sub3A : i32
        %mul3A_117 = arith.constant 16 : i32
        %mul3A_118 = arith.muli %sub3A_116, %mul3A_117 : i32
        %add3A_119 = arith.addi %mul3A_2, %mul3A_118 : i32
        %dma_wait3A_120 = arith.constant 0 : i32
        %dma_wait3A_121 = tpu.memref_slice %arg4[%add3A_119, %dma_wait3A_120] : memref<32768x2048xf32, #tpu.memory_space<hbm>> -> memref<16x1024xf32, #tpu.memory_space<hbm>>
        %dma_wait3A_122 = arith.constant 0 : i32
        %dma_wait3A_123 = tpu.memref_slice %arg4[%add3A_119, %dma_wait3A_122] : memref<32768x2048xf32, #tpu.memory_space<hbm>> -> memref<16x1024xf32, #tpu.memory_space<hbm>>
        tpu.wait_dma2 semaphore(%arg12 : memref<!tpu.dma_semaphore, #tpu.memory_space<semaphore_mem>>) src(%arg8 : memref<16x1024xf32, #tpu.memory_space<vmem>>) dst(%dma_wait3A_123 : memref<16x1024xf32, #tpu.memory_space<hbm>>)
      } else {
      }
      %parallel_loop3A_91 = arith.constant 0 : i32
      %parallel_loop3A_92 = arith.constant 64 : i32
      %parallel_loop3A_93 = arith.constant 1 : i32
      scf.for %parallel_loop3A_116 = %parallel_loop3A_91 to %parallel_loop3A_92 step %parallel_loop3A_93  : i32 {
        %parallel_loop3A_117 = arith.constant 16 : i32
        %parallel_loop3A_118 = arith.muli %parallel_loop3A_116, %parallel_loop3A_117 : i32
        %parallel_loop3A_119 = arith.constant 0 : i32
        %parallel_loop3A_120 = arith.addi %parallel_loop3A_119, %parallel_loop3A_118 : i32
        %parallel_loop3A_121 = arith.index_cast %parallel_loop3A_120 : i32 to index
        %parallel_loop3A_122 = tpu.vector_load %arg5[%parallel_loop3A_121] {strides = array<i32>} : memref<2048xi32, #tpu.memory_space<vmem>>, vector<16xi32>,
        %parallel_loop3A_123 = arith.constant 0 : i32
        %parallel_loop3A_124 = vector.broadcast %parallel_loop3A_123 : i32 to vector<16xi32>
        %parallel_loop3A_125 = tpu.vector_load_idx %arg7[%parallel_loop3A_124, %parallel_loop3A_122] : memref<16x2048xf32, #tpu.memory_space<vmem>>[vector<16xi32>, vector<16xi32>], vector<16xf32>,
        %parallel_loop3A_126 = arith.constant 16 : i32
        %parallel_loop3A_127 = arith.muli %parallel_loop3A_116, %parallel_loop3A_126 : i32
        %parallel_loop3A_128 = arith.constant 0 : i32
        %parallel_loop3A_129 = arith.index_cast %parallel_loop3A_128 : i32 to index
        %parallel_loop3A_130 = arith.index_cast %parallel_loop3A_127 : i32 to index
        %parallel_loop3A_131 = tpu.vector_load %arg8[%parallel_loop3A_129, %parallel_loop3A_130] {strides = array<i32>} : memref<16x1024xf32, #tpu.memory_space<vmem>>, vector<16xf32>,
        tpu.vector_store %arg8[%parallel_loop3A_129, %parallel_loop3A_130], %parallel_loop3A_125 {strides = array<i32>} : memref<16x1024xf32, #tpu.memory_space<vmem>>, vector<16xf32>,
        %parallel_loop3A_132 = arith.constant 1 : i32
        %parallel_loop3A_133 = vector.broadcast %parallel_loop3A_132 : i32 to vector<16xi32>
        %parallel_loop3A_134 = tpu.vector_load_idx %arg7[%parallel_loop3A_133, %parallel_loop3A_122] : memref<16x2048xf32, #tpu.memory_space<vmem>>[vector<16xi32>, vector<16xi32>], vector<16xf32>,
        %parallel_loop3A_135 = arith.constant 16 : i32
        %parallel_loop3A_136 = arith.muli %parallel_loop3A_116, %parallel_loop3A_135 : i32
        %parallel_loop3A_137 = arith.constant 1 : i32
        %parallel_loop3A_138 = arith.index_cast %parallel_loop3A_137 : i32 to index
        %parallel_loop3A_139 = arith.index_cast %parallel_loop3A_136 : i32 to index
        %parallel_loop3A_140 = tpu.vector_load %arg8[%parallel_loop3A_138, %parallel_loop3A_139] {strides = array<i32>} : memref<16x1024xf32, #tpu.memory_space<vmem>>, vector<16xf32>,
        tpu.vector_store %arg8[%parallel_loop3A_138, %parallel_loop3A_139], %parallel_loop3A_134 {strides = array<i32>} : memref<16x1024xf32, #tpu.memory_space<vmem>>, vector<16xf32>,
        %parallel_loop3A_141 = arith.constant 2 : i32
        %parallel_loop3A_142 = vector.broadcast %parallel_loop3A_141 : i32 to vector<16xi32>
        %parallel_loop3A_143 = tpu.vector_load_idx %arg7[%parallel_loop3A_142, %parallel_loop3A_122] : memref<16x2048xf32, #tpu.memory_space<vmem>>[vector<16xi32>, vector<16xi32>], vector<16xf32>,
        %parallel_loop3A_144 = arith.constant 16 : i32
        %parallel_loop3A_145 = arith.muli %parallel_loop3A_116, %parallel_loop3A_144 : i32
        %parallel_loop3A_146 = arith.constant 2 : i32
        %parallel_loop3A_147 = arith.index_cast %parallel_loop3A_146 : i32 to index
        %parallel_loop3A_148 = arith.index_cast %parallel_loop3A_145 : i32 to index
        %parallel_loop3A_149 = tpu.vector_load %arg8[%parallel_loop3A_147, %parallel_loop3A_148] {strides = array<i32>} : memref<16x1024xf32, #tpu.memory_space<vmem>>, vector<16xf32>,
        tpu.vector_store %arg8[%parallel_loop3A_147, %parallel_loop3A_148], %parallel_loop3A_143 {strides = array<i32>} : memref<16x1024xf32, #tpu.memory_space<vmem>>, vector<16xf32>,
        %parallel_loop3A_150 = arith.constant 3 : i32
        %parallel_loop3A_151 = vector.broadcast %parallel_loop3A_150 : i32 to vector<16xi32>
        %parallel_loop3A_152 = tpu.vector_load_idx %arg7[%parallel_loop3A_151, %parallel_loop3A_122] : memref<16x2048xf32, #tpu.memory_space<vmem>>[vector<16xi32>, vector<16xi32>], vector<16xf32>,
        %parallel_loop3A_153 = arith.constant 16 : i32
        %parallel_loop3A_154 = arith.muli %parallel_loop3A_116, %parallel_loop3A_153 : i32
        %parallel_loop3A_155 = arith.constant 3 : i32
        %parallel_loop3A_156 = arith.index_cast %parallel_loop3A_155 : i32 to index
        %parallel_loop3A_157 = arith.index_cast %parallel_loop3A_154 : i32 to index
        %parallel_loop3A_158 = tpu.vector_load %arg8[%parallel_loop3A_156, %parallel_loop3A_157] {strides = array<i32>} : memref<16x1024xf32, #tpu.memory_space<vmem>>, vector<16xf32>,
        tpu.vector_store %arg8[%parallel_loop3A_156, %parallel_loop3A_157], %parallel_loop3A_152 {strides = array<i32>} : memref<16x1024xf32, #tpu.memory_space<vmem>>, vector<16xf32>,
        %parallel_loop3A_159 = arith.constant 4 : i32
        %parallel_loop3A_160 = vector.broadcast %parallel_loop3A_159 : i32 to vector<16xi32>
        %parallel_loop3A_161 = tpu.vector_load_idx %arg7[%parallel_loop3A_160, %parallel_loop3A_122] : memref<16x2048xf32, #tpu.memory_space<vmem>>[vector<16xi32>, vector<16xi32>], vector<16xf32>,
        %parallel_loop3A_162 = arith.constant 16 : i32
        %parallel_loop3A_163 = arith.muli %parallel_loop3A_116, %parallel_loop3A_162 : i32
        %parallel_loop3A_164 = arith.constant 4 : i32
        %parallel_loop3A_165 = arith.index_cast %parallel_loop3A_164 : i32 to index
        %parallel_loop3A_166 = arith.index_cast %parallel_loop3A_163 : i32 to index
        %parallel_loop3A_167 = tpu.vector_load %arg8[%parallel_loop3A_165, %parallel_loop3A_166] {strides = array<i32>} : memref<16x1024xf32, #tpu.memory_space<vmem>>, vector<16xf32>,
        tpu.vector_store %arg8[%parallel_loop3A_165, %parallel_loop3A_166], %parallel_loop3A_161 {strides = array<i32>} : memref<16x1024xf32, #tpu.memory_space<vmem>>, vector<16xf32>,
        %parallel_loop3A_168 = arith.constant 5 : i32
        %parallel_loop3A_169 = vector.broadcast %parallel_loop3A_168 : i32 to vector<16xi32>
        %parallel_loop3A_170 = tpu.vector_load_idx %arg7[%parallel_loop3A_169, %parallel_loop3A_122] : memref<16x2048xf32, #tpu.memory_space<vmem>>[vector<16xi32>, vector<16xi32>], vector<16xf32>,
        %parallel_loop3A_171 = arith.constant 16 : i32
        %parallel_loop3A_172 = arith.muli %parallel_loop3A_116, %parallel_loop3A_171 : i32
        %parallel_loop3A_173 = arith.constant 5 : i32
        %parallel_loop3A_174 = arith.index_cast %parallel_loop3A_173 : i32 to index
        %parallel_loop3A_175 = arith.index_cast %parallel_loop3A_172 : i32 to index
        %parallel_loop3A_176 = tpu.vector_load %arg8[%parallel_loop3A_174, %parallel_loop3A_175] {strides = array<i32>} : memref<16x1024xf32, #tpu.memory_space<vmem>>, vector<16xf32>,
        tpu.vector_store %arg8[%parallel_loop3A_174, %parallel_loop3A_175], %parallel_loop3A_170 {strides = array<i32>} : memref<16x1024xf32, #tpu.memory_space<vmem>>, vector<16xf32>,
        %parallel_loop3A_177 = arith.constant 6 : i32
        %parallel_loop3A_178 = vector.broadcast %parallel_loop3A_177 : i32 to vector<16xi32>
        %parallel_loop3A_179 = tpu.vector_load_idx %arg7[%parallel_loop3A_178, %parallel_loop3A_122] : memref<16x2048xf32, #tpu.memory_space<vmem>>[vector<16xi32>, vector<16xi32>], vector<16xf32>,
        %parallel_loop3A_180 = arith.constant 16 : i32
        %parallel_loop3A_181 = arith.muli %parallel_loop3A_116, %parallel_loop3A_180 : i32
        %parallel_loop3A_182 = arith.constant 6 : i32
        %parallel_loop3A_183 = arith.index_cast %parallel_loop3A_182 : i32 to index
        %parallel_loop3A_184 = arith.index_cast %parallel_loop3A_181 : i32 to index
        %parallel_loop3A_185 = tpu.vector_load %arg8[%parallel_loop3A_183, %parallel_loop3A_184] {strides = array<i32>} : memref<16x1024xf32, #tpu.memory_space<vmem>>, vector<16xf32>,
        tpu.vector_store %arg8[%parallel_loop3A_183, %parallel_loop3A_184], %parallel_loop3A_179 {strides = array<i32>} : memref<16x1024xf32, #tpu.memory_space<vmem>>, vector<16xf32>,
        %parallel_loop3A_186 = arith.constant 7 : i32
        %parallel_loop3A_187 = vector.broadcast %parallel_loop3A_186 : i32 to vector<16xi32>
        %parallel_loop3A_188 = tpu.vector_load_idx %arg7[%parallel_loop3A_187, %parallel_loop3A_122] : memref<16x2048xf32, #tpu.memory_space<vmem>>[vector<16xi32>, vector<16xi32>], vector<16xf32>,
        %parallel_loop3A_189 = arith.constant 16 : i32
        %parallel_loop3A_190 = arith.muli %parallel_loop3A_116, %parallel_loop3A_189 : i32
        %parallel_loop3A_191 = arith.constant 7 : i32
        %parallel_loop3A_192 = arith.index_cast %parallel_loop3A_191 : i32 to index
        %parallel_loop3A_193 = arith.index_cast %parallel_loop3A_190 : i32 to index
        %parallel_loop3A_194 = tpu.vector_load %arg8[%parallel_loop3A_192, %parallel_loop3A_193] {strides = array<i32>} : memref<16x1024xf32, #tpu.memory_space<vmem>>, vector<16xf32>,
        tpu.vector_store %arg8[%parallel_loop3A_192, %parallel_loop3A_193], %parallel_loop3A_188 {strides = array<i32>} : memref<16x1024xf32, #tpu.memory_space<vmem>>, vector<16xf32>,
        %parallel_loop3A_195 = arith.constant 8 : i32
        %parallel_loop3A_196 = vector.broadcast %parallel_loop3A_195 : i32 to vector<16xi32>
        %parallel_loop3A_197 = tpu.vector_load_idx %arg7[%parallel_loop3A_196, %parallel_loop3A_122] : memref<16x2048xf32, #tpu.memory_space<vmem>>[vector<16xi32>, vector<16xi32>], vector<16xf32>,
        %parallel_loop3A_198 = arith.constant 16 : i32
        %parallel_loop3A_199 = arith.muli %parallel_loop3A_116, %parallel_loop3A_198 : i32
        %parallel_loop3A_200 = arith.constant 8 : i32
        %parallel_loop3A_201 = arith.index_cast %parallel_loop3A_200 : i32 to index
        %parallel_loop3A_202 = arith.index_cast %parallel_loop3A_199 : i32 to index
        %parallel_loop3A_203 = tpu.vector_load %arg8[%parallel_loop3A_201, %parallel_loop3A_202] {strides = array<i32>} : memref<16x1024xf32, #tpu.memory_space<vmem>>, vector<16xf32>,
        tpu.vector_store %arg8[%parallel_loop3A_201, %parallel_loop3A_202], %parallel_loop3A_197 {strides = array<i32>} : memref<16x1024xf32, #tpu.memory_space<vmem>>, vector<16xf32>,
        %parallel_loop3A_204 = arith.constant 9 : i32
        %parallel_loop3A_205 = vector.broadcast %parallel_loop3A_204 : i32 to vector<16xi32>
        %parallel_loop3A_206 = tpu.vector_load_idx %arg7[%parallel_loop3A_205, %parallel_loop3A_122] : memref<16x2048xf32, #tpu.memory_space<vmem>>[vector<16xi32>, vector<16xi32>], vector<16xf32>,
        %parallel_loop3A_207 = arith.constant 16 : i32
        %parallel_loop3A_208 = arith.muli %parallel_loop3A_116, %parallel_loop3A_207 : i32
        %parallel_loop3A_209 = arith.constant 9 : i32
        %parallel_loop3A_210 = arith.index_cast %parallel_loop3A_209 : i32 to index
        %parallel_loop3A_211 = arith.index_cast %parallel_loop3A_208 : i32 to index
        %parallel_loop3A_212 = tpu.vector_load %arg8[%parallel_loop3A_210, %parallel_loop3A_211] {strides = array<i32>} : memref<16x1024xf32, #tpu.memory_space<vmem>>, vector<16xf32>,
        tpu.vector_store %arg8[%parallel_loop3A_210, %parallel_loop3A_211], %parallel_loop3A_206 {strides = array<i32>} : memref<16x1024xf32, #tpu.memory_space<vmem>>, vector<16xf32>,
        %parallel_loop3A_213 = arith.constant 10 : i32
        %parallel_loop3A_214 = vector.broadcast %parallel_loop3A_213 : i32 to vector<16xi32>
        %parallel_loop3A_215 = tpu.vector_load_idx %arg7[%parallel_loop3A_214, %parallel_loop3A_122] : memref<16x2048xf32, #tpu.memory_space<vmem>>[vector<16xi32>, vector<16xi32>], vector<16xf32>,
        %parallel_loop3A_216 = arith.constant 16 : i32
        %parallel_loop3A_217 = arith.muli %parallel_loop3A_116, %parallel_loop3A_216 : i32
        %parallel_loop3A_218 = arith.constant 10 : i32
        %parallel_loop3A_219 = arith.index_cast %parallel_loop3A_218 : i32 to index
        %parallel_loop3A_220 = arith.index_cast %parallel_loop3A_217 : i32 to index
        %parallel_loop3A_221 = tpu.vector_load %arg8[%parallel_loop3A_219, %parallel_loop3A_220] {strides = array<i32>} : memref<16x1024xf32, #tpu.memory_space<vmem>>, vector<16xf32>,
        tpu.vector_store %arg8[%parallel_loop3A_219, %parallel_loop3A_220], %parallel_loop3A_215 {strides = array<i32>} : memref<16x1024xf32, #tpu.memory_space<vmem>>, vector<16xf32>,
        %parallel_loop3A_222 = arith.constant 11 : i32
        %parallel_loop3A_223 = vector.broadcast %parallel_loop3A_222 : i32 to vector<16xi32>
        %parallel_loop3A_224 = tpu.vector_load_idx %arg7[%parallel_loop3A_223, %parallel_loop3A_122] : memref<16x2048xf32, #tpu.memory_space<vmem>>[vector<16xi32>, vector<16xi32>], vector<16xf32>,
        %parallel_loop3A_225 = arith.constant 16 : i32
        %parallel_loop3A_226 = arith.muli %parallel_loop3A_116, %parallel_loop3A_225 : i32
        %parallel_loop3A_227 = arith.constant 11 : i32
        %parallel_loop3A_228 = arith.index_cast %parallel_loop3A_227 : i32 to index
        %parallel_loop3A_229 = arith.index_cast %parallel_loop3A_226 : i32 to index
        %parallel_loop3A_230 = tpu.vector_load %arg8[%parallel_loop3A_228, %parallel_loop3A_229] {strides = array<i32>} : memref<16x1024xf32, #tpu.memory_space<vmem>>, vector<16xf32>,
        tpu.vector_store %arg8[%parallel_loop3A_228, %parallel_loop3A_229], %parallel_loop3A_224 {strides = array<i32>} : memref<16x1024xf32, #tpu.memory_space<vmem>>, vector<16xf32>,
        %parallel_loop3A_231 = arith.constant 12 : i32
        %parallel_loop3A_232 = vector.broadcast %parallel_loop3A_231 : i32 to vector<16xi32>
        %parallel_loop3A_233 = tpu.vector_load_idx %arg7[%parallel_loop3A_232, %parallel_loop3A_122] : memref<16x2048xf32, #tpu.memory_space<vmem>>[vector<16xi32>, vector<16xi32>], vector<16xf32>,
        %parallel_loop3A_234 = arith.constant 16 : i32
        %parallel_loop3A_235 = arith.muli %parallel_loop3A_116, %parallel_loop3A_234 : i32
        %parallel_loop3A_236 = arith.constant 12 : i32
        %parallel_loop3A_237 = arith.index_cast %parallel_loop3A_236 : i32 to index
        %parallel_loop3A_238 = arith.index_cast %parallel_loop3A_235 : i32 to index
        %parallel_loop3A_239 = tpu.vector_load %arg8[%parallel_loop3A_237, %parallel_loop3A_238] {strides = array<i32>} : memref<16x1024xf32, #tpu.memory_space<vmem>>, vector<16xf32>,
        tpu.vector_store %arg8[%parallel_loop3A_237, %parallel_loop3A_238], %parallel_loop3A_233 {strides = array<i32>} : memref<16x1024xf32, #tpu.memory_space<vmem>>, vector<16xf32>,
        %parallel_loop3A_240 = arith.constant 13 : i32
        %parallel_loop3A_241 = vector.broadcast %parallel_loop3A_240 : i32 to vector<16xi32>
        %parallel_loop3A_242 = tpu.vector_load_idx %arg7[%parallel_loop3A_241, %parallel_loop3A_122] : memref<16x2048xf32, #tpu.memory_space<vmem>>[vector<16xi32>, vector<16xi32>], vector<16xf32>,
        %parallel_loop3A_243 = arith.constant 16 : i32
        %parallel_loop3A_244 = arith.muli %parallel_loop3A_116, %parallel_loop3A_243 : i32
        %parallel_loop3A_245 = arith.constant 13 : i32
        %parallel_loop3A_246 = arith.index_cast %parallel_loop3A_245 : i32 to index
        %parallel_loop3A_247 = arith.index_cast %parallel_loop3A_244 : i32 to index
        %parallel_loop3A_248 = tpu.vector_load %arg8[%parallel_loop3A_246, %parallel_loop3A_247] {strides = array<i32>} : memref<16x1024xf32, #tpu.memory_space<vmem>>, vector<16xf32>,
        tpu.vector_store %arg8[%parallel_loop3A_246, %parallel_loop3A_247], %parallel_loop3A_242 {strides = array<i32>} : memref<16x1024xf32, #tpu.memory_space<vmem>>, vector<16xf32>,
        %parallel_loop3A_249 = arith.constant 14 : i32
        %parallel_loop3A_250 = vector.broadcast %parallel_loop3A_249 : i32 to vector<16xi32>
        %parallel_loop3A_251 = tpu.vector_load_idx %arg7[%parallel_loop3A_250, %parallel_loop3A_122] : memref<16x2048xf32, #tpu.memory_space<vmem>>[vector<16xi32>, vector<16xi32>], vector<16xf32>,
        %parallel_loop3A_252 = arith.constant 16 : i32
        %parallel_loop3A_253 = arith.muli %parallel_loop3A_116, %parallel_loop3A_252 : i32
        %parallel_loop3A_254 = arith.constant 14 : i32
        %parallel_loop3A_255 = arith.index_cast %parallel_loop3A_254 : i32 to index
        %parallel_loop3A_256 = arith.index_cast %parallel_loop3A_253 : i32 to index
        %parallel_loop3A_257 = tpu.vector_load %arg8[%parallel_loop3A_255, %parallel_loop3A_256] {strides = array<i32>} : memref<16x1024xf32, #tpu.memory_space<vmem>>, vector<16xf32>,
        tpu.vector_store %arg8[%parallel_loop3A_255, %parallel_loop3A_256], %parallel_loop3A_251 {strides = array<i32>} : memref<16x1024xf32, #tpu.memory_space<vmem>>, vector<16xf32>,
        %parallel_loop3A_258 = arith.constant 15 : i32
        %parallel_loop3A_259 = vector.broadcast %parallel_loop3A_258 : i32 to vector<16xi32>
        %parallel_loop3A_260 = tpu.vector_load_idx %arg7[%parallel_loop3A_259, %parallel_loop3A_122] : memref<16x2048xf32, #tpu.memory_space<vmem>>[vector<16xi32>, vector<16xi32>], vector<16xf32>,
        %parallel_loop3A_261 = arith.constant 16 : i32
        %parallel_loop3A_262 = arith.muli %parallel_loop3A_116, %parallel_loop3A_261 : i32
        %parallel_loop3A_263 = arith.constant 15 : i32
        %parallel_loop3A_264 = arith.index_cast %parallel_loop3A_263 : i32 to index
        %parallel_loop3A_265 = arith.index_cast %parallel_loop3A_262 : i32 to index
        %parallel_loop3A_266 = tpu.vector_load %arg8[%parallel_loop3A_264, %parallel_loop3A_265] {strides = array<i32>} : memref<16x1024xf32, #tpu.memory_space<vmem>>, vector<16xf32>,
        tpu.vector_store %arg8[%parallel_loop3A_264, %parallel_loop3A_265], %parallel_loop3A_260 {strides = array<i32>} : memref<16x1024xf32, #tpu.memory_space<vmem>>, vector<16xf32>,
      } {sc.loop_unroll_factor = 2 : i64, sc.parallel_access}
      %mul3A_94 = arith.constant 16 : i32
      %mul3A_95 = arith.muli %add3A_71, %mul3A_94 : i32
      %add3A_96 = arith.addi %mul3A_2, %mul3A_95 : i32
      %dma_start3A_97 = arith.constant 0 : i32
      %dma_start3A_98 = tpu.memref_slice %arg4[%add3A_96, %dma_start3A_97] : memref<32768x2048xf32, #tpu.memory_space<hbm>> -> memref<16x1024xf32, #tpu.memory_space<hbm>>
      %dma_start3A_99 = arith.constant 0 : i32
      %dma_start3A_100 = tpu.memref_slice %arg4[%add3A_96, %dma_start3A_99] : memref<32768x2048xf32, #tpu.memory_space<hbm>> -> memref<16x1024xf32, #tpu.memory_space<hbm>>
      tpu.enqueue_dma source(%arg8 : memref<16x1024xf32, #tpu.memory_space<vmem>>) target(%dma_start3A_100 : memref<16x1024xf32, #tpu.memory_space<hbm>>) target_semaphore(%arg12 : memref<!tpu.dma_semaphore, #tpu.memory_space<semaphore_mem>>)
      %ge3A_101 = arith.constant 1 : i32
      %ge3A_102 = arith.cmpi sge, %add3A_71, %ge3A_101 : i32
      %convert_element_type3A_103 = arith.extui %ge3A_102 : i1 to i32
      %cond3A_104 = arith.constant 0 : i32
      %cond3A_105 = arith.cmpi ne, %convert_element_type3A_103, %cond3A_104 : i32
      scf.if %cond3A_105 {
        %sub3A = arith.constant 1 : i32
        %sub3A_116 = arith.subi %add3A_71, %sub3A : i32
        %mul3A_117 = arith.constant 16 : i32
        %mul3A_118 = arith.muli %sub3A_116, %mul3A_117 : i32
        %add3A_119 = arith.addi %mul3A_2, %mul3A_118 : i32
        %dma_wait3A_120 = arith.constant 1024 : i32
        %dma_wait3A_121 = tpu.memref_slice %arg4[%add3A_119, %dma_wait3A_120] : memref<32768x2048xf32, #tpu.memory_space<hbm>> -> memref<16x1024xf32, #tpu.memory_space<hbm>>
        %dma_wait3A_122 = arith.constant 1024 : i32
        %dma_wait3A_123 = tpu.memref_slice %arg4[%add3A_119, %dma_wait3A_122] : memref<32768x2048xf32, #tpu.memory_space<hbm>> -> memref<16x1024xf32, #tpu.memory_space<hbm>>
        tpu.wait_dma2 semaphore(%arg13 : memref<!tpu.dma_semaphore, #tpu.memory_space<semaphore_mem>>) src(%arg9 : memref<16x1024xf32, #tpu.memory_space<vmem>>) dst(%dma_wait3A_123 : memref<16x1024xf32, #tpu.memory_space<hbm>>)
      } else {
      }
      %parallel_loop3A_106 = arith.constant 0 : i32
      %parallel_loop3A_107 = arith.constant 64 : i32
      %parallel_loop3A_108 = arith.constant 1 : i32
      scf.for %parallel_loop3A_116 = %parallel_loop3A_106 to %parallel_loop3A_107 step %parallel_loop3A_108  : i32 {
        %parallel_loop3A_117 = arith.constant 16 : i32
        %parallel_loop3A_118 = arith.muli %parallel_loop3A_116, %parallel_loop3A_117 : i32
        %parallel_loop3A_119 = arith.constant 1024 : i32
        %parallel_loop3A_120 = arith.addi %parallel_loop3A_119, %parallel_loop3A_118 : i32
        %parallel_loop3A_121 = arith.index_cast %parallel_loop3A_120 : i32 to index
        %parallel_loop3A_122 = tpu.vector_load %arg5[%parallel_loop3A_121] {strides = array<i32>} : memref<2048xi32, #tpu.memory_space<vmem>>, vector<16xi32>,
        %parallel_loop3A_123 = arith.constant 0 : i32
        %parallel_loop3A_124 = vector.broadcast %parallel_loop3A_123 : i32 to vector<16xi32>
        %parallel_loop3A_125 = tpu.vector_load_idx %arg7[%parallel_loop3A_124, %parallel_loop3A_122] : memref<16x2048xf32, #tpu.memory_space<vmem>>[vector<16xi32>, vector<16xi32>], vector<16xf32>,
        %parallel_loop3A_126 = arith.constant 16 : i32
        %parallel_loop3A_127 = arith.muli %parallel_loop3A_116, %parallel_loop3A_126 : i32
        %parallel_loop3A_128 = arith.constant 0 : i32
        %parallel_loop3A_129 = arith.index_cast %parallel_loop3A_128 : i32 to index
        %parallel_loop3A_130 = arith.index_cast %parallel_loop3A_127 : i32 to index
        %parallel_loop3A_131 = tpu.vector_load %arg9[%parallel_loop3A_129, %parallel_loop3A_130] {strides = array<i32>} : memref<16x1024xf32, #tpu.memory_space<vmem>>, vector<16xf32>,
        tpu.vector_store %arg9[%parallel_loop3A_129, %parallel_loop3A_130], %parallel_loop3A_125 {strides = array<i32>} : memref<16x1024xf32, #tpu.memory_space<vmem>>, vector<16xf32>,
        %parallel_loop3A_132 = arith.constant 1 : i32
        %parallel_loop3A_133 = vector.broadcast %parallel_loop3A_132 : i32 to vector<16xi32>
        %parallel_loop3A_134 = tpu.vector_load_idx %arg7[%parallel_loop3A_133, %parallel_loop3A_122] : memref<16x2048xf32, #tpu.memory_space<vmem>>[vector<16xi32>, vector<16xi32>], vector<16xf32>,
        %parallel_loop3A_135 = arith.constant 16 : i32
        %parallel_loop3A_136 = arith.muli %parallel_loop3A_116, %parallel_loop3A_135 : i32
        %parallel_loop3A_137 = arith.constant 1 : i32
        %parallel_loop3A_138 = arith.index_cast %parallel_loop3A_137 : i32 to index
        %parallel_loop3A_139 = arith.index_cast %parallel_loop3A_136 : i32 to index
        %parallel_loop3A_140 = tpu.vector_load %arg9[%parallel_loop3A_138, %parallel_loop3A_139] {strides = array<i32>} : memref<16x1024xf32, #tpu.memory_space<vmem>>, vector<16xf32>,
        tpu.vector_store %arg9[%parallel_loop3A_138, %parallel_loop3A_139], %parallel_loop3A_134 {strides = array<i32>} : memref<16x1024xf32, #tpu.memory_space<vmem>>, vector<16xf32>,
        %parallel_loop3A_141 = arith.constant 2 : i32
        %parallel_loop3A_142 = vector.broadcast %parallel_loop3A_141 : i32 to vector<16xi32>
        %parallel_loop3A_143 = tpu.vector_load_idx %arg7[%parallel_loop3A_142, %parallel_loop3A_122] : memref<16x2048xf32, #tpu.memory_space<vmem>>[vector<16xi32>, vector<16xi32>], vector<16xf32>,
        %parallel_loop3A_144 = arith.constant 16 : i32
        %parallel_loop3A_145 = arith.muli %parallel_loop3A_116, %parallel_loop3A_144 : i32
        %parallel_loop3A_146 = arith.constant 2 : i32
        %parallel_loop3A_147 = arith.index_cast %parallel_loop3A_146 : i32 to index
        %parallel_loop3A_148 = arith.index_cast %parallel_loop3A_145 : i32 to index
        %parallel_loop3A_149 = tpu.vector_load %arg9[%parallel_loop3A_147, %parallel_loop3A_148] {strides = array<i32>} : memref<16x1024xf32, #tpu.memory_space<vmem>>, vector<16xf32>,
        tpu.vector_store %arg9[%parallel_loop3A_147, %parallel_loop3A_148], %parallel_loop3A_143 {strides = array<i32>} : memref<16x1024xf32, #tpu.memory_space<vmem>>, vector<16xf32>,
        %parallel_loop3A_150 = arith.constant 3 : i32
        %parallel_loop3A_151 = vector.broadcast %parallel_loop3A_150 : i32 to vector<16xi32>
        %parallel_loop3A_152 = tpu.vector_load_idx %arg7[%parallel_loop3A_151, %parallel_loop3A_122] : memref<16x2048xf32, #tpu.memory_space<vmem>>[vector<16xi32>, vector<16xi32>], vector<16xf32>,
        %parallel_loop3A_153 = arith.constant 16 : i32
        %parallel_loop3A_154 = arith.muli %parallel_loop3A_116, %parallel_loop3A_153 : i32
        %parallel_loop3A_155 = arith.constant 3 : i32
        %parallel_loop3A_156 = arith.index_cast %parallel_loop3A_155 : i32 to index
        %parallel_loop3A_157 = arith.index_cast %parallel_loop3A_154 : i32 to index
        %parallel_loop3A_158 = tpu.vector_load %arg9[%parallel_loop3A_156, %parallel_loop3A_157] {strides = array<i32>} : memref<16x1024xf32, #tpu.memory_space<vmem>>, vector<16xf32>,
        tpu.vector_store %arg9[%parallel_loop3A_156, %parallel_loop3A_157], %parallel_loop3A_152 {strides = array<i32>} : memref<16x1024xf32, #tpu.memory_space<vmem>>, vector<16xf32>,
        %parallel_loop3A_159 = arith.constant 4 : i32
        %parallel_loop3A_160 = vector.broadcast %parallel_loop3A_159 : i32 to vector<16xi32>
        %parallel_loop3A_161 = tpu.vector_load_idx %arg7[%parallel_loop3A_160, %parallel_loop3A_122] : memref<16x2048xf32, #tpu.memory_space<vmem>>[vector<16xi32>, vector<16xi32>], vector<16xf32>,
        %parallel_loop3A_162 = arith.constant 16 : i32
        %parallel_loop3A_163 = arith.muli %parallel_loop3A_116, %parallel_loop3A_162 : i32
        %parallel_loop3A_164 = arith.constant 4 : i32
        %parallel_loop3A_165 = arith.index_cast %parallel_loop3A_164 : i32 to index
        %parallel_loop3A_166 = arith.index_cast %parallel_loop3A_163 : i32 to index
        %parallel_loop3A_167 = tpu.vector_load %arg9[%parallel_loop3A_165, %parallel_loop3A_166] {strides = array<i32>} : memref<16x1024xf32, #tpu.memory_space<vmem>>, vector<16xf32>,
        tpu.vector_store %arg9[%parallel_loop3A_165, %parallel_loop3A_166], %parallel_loop3A_161 {strides = array<i32>} : memref<16x1024xf32, #tpu.memory_space<vmem>>, vector<16xf32>,
        %parallel_loop3A_168 = arith.constant 5 : i32
        %parallel_loop3A_169 = vector.broadcast %parallel_loop3A_168 : i32 to vector<16xi32>
        %parallel_loop3A_170 = tpu.vector_load_idx %arg7[%parallel_loop3A_169, %parallel_loop3A_122] : memref<16x2048xf32, #tpu.memory_space<vmem>>[vector<16xi32>, vector<16xi32>], vector<16xf32>,
        %parallel_loop3A_171 = arith.constant 16 : i32
        %parallel_loop3A_172 = arith.muli %parallel_loop3A_116, %parallel_loop3A_171 : i32
        %parallel_loop3A_173 = arith.constant 5 : i32
        %parallel_loop3A_174 = arith.index_cast %parallel_loop3A_173 : i32 to index
        %parallel_loop3A_175 = arith.index_cast %parallel_loop3A_172 : i32 to index
        %parallel_loop3A_176 = tpu.vector_load %arg9[%parallel_loop3A_174, %parallel_loop3A_175] {strides = array<i32>} : memref<16x1024xf32, #tpu.memory_space<vmem>>, vector<16xf32>,
        tpu.vector_store %arg9[%parallel_loop3A_174, %parallel_loop3A_175], %parallel_loop3A_170 {strides = array<i32>} : memref<16x1024xf32, #tpu.memory_space<vmem>>, vector<16xf32>,
        %parallel_loop3A_177 = arith.constant 6 : i32
        %parallel_loop3A_178 = vector.broadcast %parallel_loop3A_177 : i32 to vector<16xi32>
        %parallel_loop3A_179 = tpu.vector_load_idx %arg7[%parallel_loop3A_178, %parallel_loop3A_122] : memref<16x2048xf32, #tpu.memory_space<vmem>>[vector<16xi32>, vector<16xi32>], vector<16xf32>,
        %parallel_loop3A_180 = arith.constant 16 : i32
        %parallel_loop3A_181 = arith.muli %parallel_loop3A_116, %parallel_loop3A_180 : i32
        %parallel_loop3A_182 = arith.constant 6 : i32
        %parallel_loop3A_183 = arith.index_cast %parallel_loop3A_182 : i32 to index
        %parallel_loop3A_184 = arith.index_cast %parallel_loop3A_181 : i32 to index
        %parallel_loop3A_185 = tpu.vector_load %arg9[%parallel_loop3A_183, %parallel_loop3A_184] {strides = array<i32>} : memref<16x1024xf32, #tpu.memory_space<vmem>>, vector<16xf32>,
        tpu.vector_store %arg9[%parallel_loop3A_183, %parallel_loop3A_184], %parallel_loop3A_179 {strides = array<i32>} : memref<16x1024xf32, #tpu.memory_space<vmem>>, vector<16xf32>,
        %parallel_loop3A_186 = arith.constant 7 : i32
        %parallel_loop3A_187 = vector.broadcast %parallel_loop3A_186 : i32 to vector<16xi32>
        %parallel_loop3A_188 = tpu.vector_load_idx %arg7[%parallel_loop3A_187, %parallel_loop3A_122] : memref<16x2048xf32, #tpu.memory_space<vmem>>[vector<16xi32>, vector<16xi32>], vector<16xf32>,
        %parallel_loop3A_189 = arith.constant 16 : i32
        %parallel_loop3A_190 = arith.muli %parallel_loop3A_116, %parallel_loop3A_189 : i32
        %parallel_loop3A_191 = arith.constant 7 : i32
        %parallel_loop3A_192 = arith.index_cast %parallel_loop3A_191 : i32 to index
        %parallel_loop3A_193 = arith.index_cast %parallel_loop3A_190 : i32 to index
        %parallel_loop3A_194 = tpu.vector_load %arg9[%parallel_loop3A_192, %parallel_loop3A_193] {strides = array<i32>} : memref<16x1024xf32, #tpu.memory_space<vmem>>, vector<16xf32>,
        tpu.vector_store %arg9[%parallel_loop3A_192, %parallel_loop3A_193], %parallel_loop3A_188 {strides = array<i32>} : memref<16x1024xf32, #tpu.memory_space<vmem>>, vector<16xf32>,
        %parallel_loop3A_195 = arith.constant 8 : i32
        %parallel_loop3A_196 = vector.broadcast %parallel_loop3A_195 : i32 to vector<16xi32>
        %parallel_loop3A_197 = tpu.vector_load_idx %arg7[%parallel_loop3A_196, %parallel_loop3A_122] : memref<16x2048xf32, #tpu.memory_space<vmem>>[vector<16xi32>, vector<16xi32>], vector<16xf32>,
        %parallel_loop3A_198 = arith.constant 16 : i32
        %parallel_loop3A_199 = arith.muli %parallel_loop3A_116, %parallel_loop3A_198 : i32
        %parallel_loop3A_200 = arith.constant 8 : i32
        %parallel_loop3A_201 = arith.index_cast %parallel_loop3A_200 : i32 to index
        %parallel_loop3A_202 = arith.index_cast %parallel_loop3A_199 : i32 to index
        %parallel_loop3A_203 = tpu.vector_load %arg9[%parallel_loop3A_201, %parallel_loop3A_202] {strides = array<i32>} : memref<16x1024xf32, #tpu.memory_space<vmem>>, vector<16xf32>,
        tpu.vector_store %arg9[%parallel_loop3A_201, %parallel_loop3A_202], %parallel_loop3A_197 {strides = array<i32>} : memref<16x1024xf32, #tpu.memory_space<vmem>>, vector<16xf32>,
        %parallel_loop3A_204 = arith.constant 9 : i32
        %parallel_loop3A_205 = vector.broadcast %parallel_loop3A_204 : i32 to vector<16xi32>
        %parallel_loop3A_206 = tpu.vector_load_idx %arg7[%parallel_loop3A_205, %parallel_loop3A_122] : memref<16x2048xf32, #tpu.memory_space<vmem>>[vector<16xi32>, vector<16xi32>], vector<16xf32>,
        %parallel_loop3A_207 = arith.constant 16 : i32
        %parallel_loop3A_208 = arith.muli %parallel_loop3A_116, %parallel_loop3A_207 : i32
        %parallel_loop3A_209 = arith.constant 9 : i32
        %parallel_loop3A_210 = arith.index_cast %parallel_loop3A_209 : i32 to index
        %parallel_loop3A_211 = arith.index_cast %parallel_loop3A_208 : i32 to index
        %parallel_loop3A_212 = tpu.vector_load %arg9[%parallel_loop3A_210, %parallel_loop3A_211] {strides = array<i32>} : memref<16x1024xf32, #tpu.memory_space<vmem>>, vector<16xf32>,
        tpu.vector_store %arg9[%parallel_loop3A_210, %parallel_loop3A_211], %parallel_loop3A_206 {strides = array<i32>} : memref<16x1024xf32, #tpu.memory_space<vmem>>, vector<16xf32>,
        %parallel_loop3A_213 = arith.constant 10 : i32
        %parallel_loop3A_214 = vector.broadcast %parallel_loop3A_213 : i32 to vector<16xi32>
        %parallel_loop3A_215 = tpu.vector_load_idx %arg7[%parallel_loop3A_214, %parallel_loop3A_122] : memref<16x2048xf32, #tpu.memory_space<vmem>>[vector<16xi32>, vector<16xi32>], vector<16xf32>,
        %parallel_loop3A_216 = arith.constant 16 : i32
        %parallel_loop3A_217 = arith.muli %parallel_loop3A_116, %parallel_loop3A_216 : i32
        %parallel_loop3A_218 = arith.constant 10 : i32
        %parallel_loop3A_219 = arith.index_cast %parallel_loop3A_218 : i32 to index
        %parallel_loop3A_220 = arith.index_cast %parallel_loop3A_217 : i32 to index
        %parallel_loop3A_221 = tpu.vector_load %arg9[%parallel_loop3A_219, %parallel_loop3A_220] {strides = array<i32>} : memref<16x1024xf32, #tpu.memory_space<vmem>>, vector<16xf32>,
        tpu.vector_store %arg9[%parallel_loop3A_219, %parallel_loop3A_220], %parallel_loop3A_215 {strides = array<i32>} : memref<16x1024xf32, #tpu.memory_space<vmem>>, vector<16xf32>,
        %parallel_loop3A_222 = arith.constant 11 : i32
        %parallel_loop3A_223 = vector.broadcast %parallel_loop3A_222 : i32 to vector<16xi32>
        %parallel_loop3A_224 = tpu.vector_load_idx %arg7[%parallel_loop3A_223, %parallel_loop3A_122] : memref<16x2048xf32, #tpu.memory_space<vmem>>[vector<16xi32>, vector<16xi32>], vector<16xf32>,
        %parallel_loop3A_225 = arith.constant 16 : i32
        %parallel_loop3A_226 = arith.muli %parallel_loop3A_116, %parallel_loop3A_225 : i32
        %parallel_loop3A_227 = arith.constant 11 : i32
        %parallel_loop3A_228 = arith.index_cast %parallel_loop3A_227 : i32 to index
        %parallel_loop3A_229 = arith.index_cast %parallel_loop3A_226 : i32 to index
        %parallel_loop3A_230 = tpu.vector_load %arg9[%parallel_loop3A_228, %parallel_loop3A_229] {strides = array<i32>} : memref<16x1024xf32, #tpu.memory_space<vmem>>, vector<16xf32>,
        tpu.vector_store %arg9[%parallel_loop3A_228, %parallel_loop3A_229], %parallel_loop3A_224 {strides = array<i32>} : memref<16x1024xf32, #tpu.memory_space<vmem>>, vector<16xf32>,
        %parallel_loop3A_231 = arith.constant 12 : i32
        %parallel_loop3A_232 = vector.broadcast %parallel_loop3A_231 : i32 to vector<16xi32>
        %parallel_loop3A_233 = tpu.vector_load_idx %arg7[%parallel_loop3A_232, %parallel_loop3A_122] : memref<16x2048xf32, #tpu.memory_space<vmem>>[vector<16xi32>, vector<16xi32>], vector<16xf32>,
        %parallel_loop3A_234 = arith.constant 16 : i32
        %parallel_loop3A_235 = arith.muli %parallel_loop3A_116, %parallel_loop3A_234 : i32
        %parallel_loop3A_236 = arith.constant 12 : i32
        %parallel_loop3A_237 = arith.index_cast %parallel_loop3A_236 : i32 to index
        %parallel_loop3A_238 = arith.index_cast %parallel_loop3A_235 : i32 to index
        %parallel_loop3A_239 = tpu.vector_load %arg9[%parallel_loop3A_237, %parallel_loop3A_238] {strides = array<i32>} : memref<16x1024xf32, #tpu.memory_space<vmem>>, vector<16xf32>,
        tpu.vector_store %arg9[%parallel_loop3A_237, %parallel_loop3A_238], %parallel_loop3A_233 {strides = array<i32>} : memref<16x1024xf32, #tpu.memory_space<vmem>>, vector<16xf32>,
        %parallel_loop3A_240 = arith.constant 13 : i32
        %parallel_loop3A_241 = vector.broadcast %parallel_loop3A_240 : i32 to vector<16xi32>
        %parallel_loop3A_242 = tpu.vector_load_idx %arg7[%parallel_loop3A_241, %parallel_loop3A_122] : memref<16x2048xf32, #tpu.memory_space<vmem>>[vector<16xi32>, vector<16xi32>], vector<16xf32>,
        %parallel_loop3A_243 = arith.constant 16 : i32
        %parallel_loop3A_244 = arith.muli %parallel_loop3A_116, %parallel_loop3A_243 : i32
        %parallel_loop3A_245 = arith.constant 13 : i32
        %parallel_loop3A_246 = arith.index_cast %parallel_loop3A_245 : i32 to index
        %parallel_loop3A_247 = arith.index_cast %parallel_loop3A_244 : i32 to index
        %parallel_loop3A_248 = tpu.vector_load %arg9[%parallel_loop3A_246, %parallel_loop3A_247] {strides = array<i32>} : memref<16x1024xf32, #tpu.memory_space<vmem>>, vector<16xf32>,
        tpu.vector_store %arg9[%parallel_loop3A_246, %parallel_loop3A_247], %parallel_loop3A_242 {strides = array<i32>} : memref<16x1024xf32, #tpu.memory_space<vmem>>, vector<16xf32>,
        %parallel_loop3A_249 = arith.constant 14 : i32
        %parallel_loop3A_250 = vector.broadcast %parallel_loop3A_249 : i32 to vector<16xi32>
        %parallel_loop3A_251 = tpu.vector_load_idx %arg7[%parallel_loop3A_250, %parallel_loop3A_122] : memref<16x2048xf32, #tpu.memory_space<vmem>>[vector<16xi32>, vector<16xi32>], vector<16xf32>,
        %parallel_loop3A_252 = arith.constant 16 : i32
        %parallel_loop3A_253 = arith.muli %parallel_loop3A_116, %parallel_loop3A_252 : i32
        %parallel_loop3A_254 = arith.constant 14 : i32
        %parallel_loop3A_255 = arith.index_cast %parallel_loop3A_254 : i32 to index
        %parallel_loop3A_256 = arith.index_cast %parallel_loop3A_253 : i32 to index
        %parallel_loop3A_257 = tpu.vector_load %arg9[%parallel_loop3A_255, %parallel_loop3A_256] {strides = array<i32>} : memref<16x1024xf32, #tpu.memory_space<vmem>>, vector<16xf32>,
        tpu.vector_store %arg9[%parallel_loop3A_255, %parallel_loop3A_256], %parallel_loop3A_251 {strides = array<i32>} : memref<16x1024xf32, #tpu.memory_space<vmem>>, vector<16xf32>,
        %parallel_loop3A_258 = arith.constant 15 : i32
        %parallel_loop3A_259 = vector.broadcast %parallel_loop3A_258 : i32 to vector<16xi32>
        %parallel_loop3A_260 = tpu.vector_load_idx %arg7[%parallel_loop3A_259, %parallel_loop3A_122] : memref<16x2048xf32, #tpu.memory_space<vmem>>[vector<16xi32>, vector<16xi32>], vector<16xf32>,
        %parallel_loop3A_261 = arith.constant 16 : i32
        %parallel_loop3A_262 = arith.muli %parallel_loop3A_116, %parallel_loop3A_261 : i32
        %parallel_loop3A_263 = arith.constant 15 : i32
        %parallel_loop3A_264 = arith.index_cast %parallel_loop3A_263 : i32 to index
        %parallel_loop3A_265 = arith.index_cast %parallel_loop3A_262 : i32 to index
        %parallel_loop3A_266 = tpu.vector_load %arg9[%parallel_loop3A_264, %parallel_loop3A_265] {strides = array<i32>} : memref<16x1024xf32, #tpu.memory_space<vmem>>, vector<16xf32>,
        tpu.vector_store %arg9[%parallel_loop3A_264, %parallel_loop3A_265], %parallel_loop3A_260 {strides = array<i32>} : memref<16x1024xf32, #tpu.memory_space<vmem>>, vector<16xf32>,
      } {sc.loop_unroll_factor = 2 : i64, sc.parallel_access}
      %mul3A_109 = arith.constant 16 : i32
      %mul3A_110 = arith.muli %add3A_71, %mul3A_109 : i32
      %add3A_111 = arith.addi %mul3A_2, %mul3A_110 : i32
      %dma_start3A_112 = arith.constant 1024 : i32
      %dma_start3A_113 = tpu.memref_slice %arg4[%add3A_111, %dma_start3A_112] : memref<32768x2048xf32, #tpu.memory_space<hbm>> -> memref<16x1024xf32, #tpu.memory_space<hbm>>
      %dma_start3A_114 = arith.constant 1024 : i32
      %dma_start3A_115 = tpu.memref_slice %arg4[%add3A_111, %dma_start3A_114] : memref<32768x2048xf32, #tpu.memory_space<hbm>> -> memref<16x1024xf32, #tpu.memory_space<hbm>>
      tpu.enqueue_dma source(%arg9 : memref<16x1024xf32, #tpu.memory_space<vmem>>) target(%dma_start3A_115 : memref<16x1024xf32, #tpu.memory_space<hbm>>) target_semaphore(%arg13 : memref<!tpu.dma_semaphore, #tpu.memory_space<semaphore_mem>>)
    }
    %scan3A_12 = arith.constant 32 : i32
    %add3A_13 = arith.constant 1008 : i32
    %add3A_14 = arith.addi %mul3A_2, %add3A_13 : i32
    %dma_wait3A = arith.constant 0 : i32
    %dma_wait3A_15 = tpu.memref_slice %arg4[%add3A_14, %dma_wait3A] : memref<32768x2048xf32, #tpu.memory_space<hbm>> -> memref<16x1024xf32, #tpu.memory_space<hbm>>
    %dma_wait3A_16 = arith.constant 0 : i32
    %dma_wait3A_17 = tpu.memref_slice %arg4[%add3A_14, %dma_wait3A_16] : memref<32768x2048xf32, #tpu.memory_space<hbm>> -> memref<16x1024xf32, #tpu.memory_space<hbm>>
    tpu.wait_dma2 semaphore(%arg12 : memref<!tpu.dma_semaphore, #tpu.memory_space<semaphore_mem>>) src(%arg8 : memref<16x1024xf32, #tpu.memory_space<vmem>>) dst(%dma_wait3A_17 : memref<16x1024xf32, #tpu.memory_space<hbm>>)
    %add3A_18 = arith.constant 1008 : i32
    %add3A_19 = arith.addi %mul3A_2, %add3A_18 : i32
    %dma_wait3A_20 = arith.constant 1024 : i32
    %dma_wait3A_21 = tpu.memref_slice %arg4[%add3A_19, %dma_wait3A_20] : memref<32768x2048xf32, #tpu.memory_space<hbm>> -> memref<16x1024xf32, #tpu.memory_space<hbm>>
    %dma_wait3A_22 = arith.constant 1024 : i32
    %dma_wait3A_23 = tpu.memref_slice %arg4[%add3A_19, %dma_wait3A_22] : memref<32768x2048xf32, #tpu.memory_space<hbm>> -> memref<16x1024xf32, #tpu.memory_space<hbm>>
    tpu.wait_dma2 semaphore(%arg13 : memref<!tpu.dma_semaphore, #tpu.memory_space<semaphore_mem>>) src(%arg9 : memref<16x1024xf32, #tpu.memory_space<vmem>>) dst(%dma_wait3A_23 : memref<16x1024xf32, #tpu.memory_space<hbm>>)
    return
  }
}

</mosaic_0001>

<sc_bundles>
// kernel: kernel.3.cloned.1.call-start
scs
__scs_entry_jumppad:
0x0: {  	(pc) =	sbr.rel $0x88, $3  }
0x1: {  	(tag) =	ssettag $0x0;
	lr =	simm.s32 $0x1  }
0x2: {  	[smem:$0x3F9F] =	sst lr;
	_ =	strace $0xD0000000  }
0x3: {  	_ = 	snop  }
0x4: {  	_ = 	snop  }
0x5: {  	_ = 	snop  }
0x6: {  	_ = 	snop  }
0x7: {  	_ = 	snop  }
__scs_overlays_trampoline_lowered:
0x8: {  	[smem:$0x3FAE] =	sst s0  }
0x9: {  	[smem:$0x3FAF] =	sst s1  }
0xa: {  	[smem:$0x3FB0] =	sst s2  }
0xb: {  	[smem:$0x3FB1] =	sst s3  }
0xc: {  	[smem:$0x3FB2] =	sst s4  }
0xd: {  	[smem:$0x3FB3] =	sst s5  }
0xe: {  	[smem:$0x3FB4] =	sst s6  }
0xf: {  	[smem:$0x3FB5] =	sst s7  }
0x10: {  	[smem:$0x3FB6] =	sst s8  }
0x11: {  	[smem:$0x3FB7] =	sst s9;
	s0 =	simm.s32 @!p0 $0x0  }
0x12: {  	s1 =	sld [smem:$0x3F9D];
	s0 =	simm.s32 @p0 $0x1  }
0x13: {  	[smem:$0x3FB8] =	sst s0;
	s0 =	simm.s32 @!p1 $0x0  }
0x14: {  	s2 =	sld [smem:$0x3F9C];
	s0 =	simm.s32 @p1 $0x1  }
0x15: {  	[smem:$0x3FB9] =	sst s0;
	s0 =	simm.s32 @!p2 $0x0  }
0x16: {  	s3 =	sld [smem:$0x3FDB];
	s0 =	simm.s32 @p2 $0x1  }
0x17: {  	s4 =	simm.s32 $0x1BF5;
	[smem:$0x3FBB] =	sst s0  }
0x18: {  	s0 =	sld [smem:$0x3F9E];
	_ =	swait.ge [sflag:s4], $0x0  }
0x19: {  	s7 =	sld [smem:$0x3F9F]  }
0x1a: {  	s8 =	sadd.s32 $0xFFFFE003, lr  }
0x1b: {  	s9 =	sadd.s32 $0xFFFFFEF7, lr;
	s5 =	simm.s32 $0xFFFFFFFF;
	p2 =	slt.u32 s8, $0xFFFFF086  }
0x1c: {  	p1 =	slt.u32 s9, $0xF7A;
	s5 =	simm.s32 @!p2 $0x0  }
0x1d: {  	s5 =	simm.s32 @p1 $0x1;
	p0 =	seq.s32 s7, s2  }
0x1e: {  	s7 =	smul.u32 @!p0 $0xF7A, s2;
	p2 =	seq.s32 @!p0 s5, $0x0  }
0x1f: {  	s9 =	smul.u32 $0xF7A, s1;
	s8 =	simm.s32 @!p0 $0x1BF5;
	p2 =	por !p2, p0  }
0x20: {  	[sflag:s8] =	ssyncset.s32 @!p0 $0xFFFFF086;
	s6 =	sadd.s32 @!p0 s3, s7;
	s7 =	simm.s32 @!p0 $0x108  }
0x21: {  	s3 =	sadd.s32 s3, s9;
	s6 =	sadd.s32 @!p0 $0x88, s6;
	s7 =	simm.s32 @p2 $0x1082  }
0x22: {  	[simem:s7], [sflag:s8] =	dma.local @!p0 [hbm:s6], $0xF7A  }
0x23: {  	s9 =	sor.u32 $0xD0000000, s2;
	s6 =	simm.s32 $0x108;
	_ =	swait.ge @!p0 [sflag:s8], $0x0  }
0x24: {  	s3 =	sadd.s32 $0x88, s3;
	s6 =	simm.s32 @!p1 $0x1082;
	[sflag:s4] =	ssyncset.s32 $0xFFFFF086  }
0x25: {  	[simem:s6], [sflag:s4] =	dma.local [hbm:s3], $0xF7A  }
0x26: {  	[smem:$0x3F9F] =	sst s1;
	(tag) =	ssettag s2;
	_ =	strace s9  }
0x27: {  	s1 =	sld [smem:$0x3FAF]  }
0x28: {  	s2 =	sld [smem:$0x3FB0]  }
0x29: {  	s4 =	sld [smem:$0x3FB2]  }
0x2a: {  	p0 =	seq.s32 s5, $0x0;
	s5 =	sld [smem:$0x3FB3]  }
0x2b: {  	s6 =	sld [smem:$0x3FB4]  }
0x2c: {  	s7 =	sld [smem:$0x3FB5]  }
0x2d: {  	s3 =	simm.s32 $0x108;
	s8 =	sld [smem:$0x3FB6]  }
0x2e: {  	s3 =	simm.s32 @!p0 $0x1082;
	s9 =	sld [smem:$0x3FB7]  }
0x2f: {  	lr =	sadd.s32 s0, s3;
	s0 =	sld [smem:$0x3FAE]  }
0x30: {  	s3 =	sld [smem:$0x3FB1]  }
0x31: {  	[smem:$0x3FBA] =	sst s10  }
0x32: {  	s10 =	sld [smem:$0x3FB8];
	_ =	sdelay $0x3  }
0x33: {  	p0 =	seq.s32 s10, $0x1;
	s10 =	sld [smem:$0x3FBA];
	_ =	sdelay $0x3  }
0x34: {  	[smem:$0x3FBA] =	sst s10  }
0x35: {  	s10 =	sld [smem:$0x3FB9];
	_ =	sdelay $0x3  }
0x36: {  	p1 =	seq.s32 s10, $0x1;
	s10 =	sld [smem:$0x3FBA];
	_ =	sdelay $0x3  }
0x37: {  	[smem:$0x3FBA] =	sst s10  }
0x38: {  	s10 =	sld [smem:$0x3FBB]  }
0x39: {  	_ = 	snop;
	(pc) =	sbr.ind lr, $3  }
0x3a: {  	_ = 	snop  }
0x3b: {  	_ = 	snop  }
0x3c: {  	p2 =	seq.s32 s10, $0x1;
	s10 =	sld [smem:$0x3FBA]  }
0x3d: {  	_ =	shalt  }
0x3e: {  	_ =	shalt  }
0x3f: {  	_ =	shalt  }
0x40: {  	_ =	shalt  }
0x41: {  	_ =	shalt  }
0x42: {  	_ =	shalt  }
0x43: {  	_ =	shalt  }
0x44: {  	_ =	shalt  }
0x45: {  	_ =	shalt  }
0x46: {  	_ =	shalt  }
0x47: {  	_ =	shalt  }
0x48: {  	_ =	shalt  }
0x49: {  	_ =	shalt  }
0x4a: {  	_ =	shalt  }
0x4b: {  	_ =	shalt  }
0x4c: {  	_ =	shalt  }
0x4d: {  	_ =	shalt  }
0x4e: {  	_ =	shalt  }
0x4f: {  	_ =	shalt  }
0x50: {  	_ =	shalt  }
0x51: {  	_ =	shalt  }
0x52: {  	_ =	shalt  }
0x53: {  	_ =	shalt  }
0x54: {  	_ =	shalt  }
0x55: {  	_ =	shalt  }
0x56: {  	_ =	shalt  }
0x57: {  	_ =	shalt  }
0x58: {  	_ =	shalt  }
0x59: {  	_ =	shalt  }
0x5a: {  	_ =	shalt  }
0x5b: {  	_ =	shalt  }
0x5c: {  	_ =	shalt  }
0x5d: {  	_ =	shalt  }
0x5e: {  	_ =	shalt  }
0x5f: {  	_ =	shalt  }
0x60: {  	_ =	shalt  }
0x61: {  	_ =	shalt  }
0x62: {  	_ =	shalt  }
0x63: {  	_ =	shalt  }
0x64: {  	_ =	shalt  }
0x65: {  	_ =	shalt  }
0x66: {  	_ =	shalt  }
0x67: {  	_ =	shalt  }
0x68: {  	_ =	shalt  }
0x69: {  	_ =	shalt  }
0x6a: {  	_ =	shalt  }
0x6b: {  	_ =	shalt  }
0x6c: {  	_ =	shalt  }
0x6d: {  	_ =	shalt  }
0x6e: {  	_ =	shalt  }
0x6f: {  	_ =	shalt  }
0x70: {  	_ =	shalt  }
0x71: {  	_ =	shalt  }
0x72: {  	_ =	shalt  }
0x73: {  	_ =	shalt  }
0x74: {  	_ =	shalt  }
0x75: {  	_ =	shalt  }
0x76: {  	_ =	shalt  }
0x77: {  	_ =	shalt  }
0x78: {  	_ =	shalt  }
0x79: {  	_ =	shalt  }
0x7a: {  	_ =	shalt  }
0x7b: {  	_ =	shalt  }
0x7c: {  	_ =	shalt  }
0x7d: {  	_ =	shalt  }
0x7e: {  	_ =	shalt  }
0x7f: {  	_ =	shalt  }
0x80: {  	_ =	shalt  }
0x81: {  	_ =	shalt  }
0x82: {  	_ =	shalt  }
0x83: {  	_ =	shalt  }
0x84: {  	_ =	shalt  }
0x85: {  	_ =	shalt  }
0x86: {  	_ =	shalt  }
0x87: {  	_ =	shalt  }
.Lfunc_end0:
.L_simem_size_0:
called_computation_lowered:
.L_overlay_start_0:
0x88: {  	s2 =	sld [smem:$0x3FD9]  }
0x89: {  	s3 =	sld [smem:$0x3FFE];
	_ =	sdelay $0x1  }
0x8a: {  	s1 =	srdreg.scid  }
0x8b: {  	s0 =	sand.u32 $0x1, s1  }
0x8c: {  	s18 =	sshll.u32 s0, $0xA;
	s2 =	sadd.s32 s3, s2  }
0x8d: {  	s2 =	sadd.s32 s2, s18  }
0x8e: {  	[smem:$0x3FC6] =	sst s2  }
0x8f: {  	_ = 	snop  }
0x90: {  	s2 =	sld [smem:$0x3FC9]  }
0x91: {  	s19 =	sld [smem:$0x3FC8]  }
0x92: {  	s4 =	sld [smem:$0x3FD0];
	(tm) =	ssettm $0x1  }
0x93: {  	s5 =	sld [smem:$0x3FFB];
	_ =	sdelay $0x3  }
0x94: {  	_ =	strace s5  }
0x95: {  	s5 =	sld [smem:$0x3FFC];
	_ =	sdelay $0x3  }
0x96: {  	_ =	strace s5  }
0x97: {  	s5 =	sld [smem:$0x3FFD];
	_ =	sdelay $0x3  }
0x98: {  	_ =	strace s5  }
0x99: {  	_ =	strace $0x8FFFFFFF  }
0x9a: {  	s20 =	sld [smem:$0x3FDB];
	_ =	sdelay $0x1  }
0x9b: {  	s6 =	simm.s32 $_scs_section_size  }
0x9c: {  	s7 =	simm.s32 $_size__tile_overlayer_lowered;
	s8 =	simm.s32 $_tile_overlayer_lowered  }
0x9d: {  	s23 =	simm.s32 $0x1BFF;
	s22 =	sshll.u32 s8, $0x1;
	s5 =	sadd.s32 s6, s20  }
0x9e: {  	s9 =	simm.s32 $0x0;
	s21 =	sshll.u32 s7, $0x1;
	s7 =	sadd.s32 s22, s5  }
0x9f: {  	[timem:s9], [sflag:s23] =	dma.local [hbm:s7], s21  }
0xa0: {  	_ =	swait.ge [sflag:s23], s21  }
0xa1: {  	s6 =	ssub.s32 $0x0, s21;
	[sflag:s23] =	ssyncset.done $0x0  }
0xa2: {  	[sflag:s23] =	ssyncadd.s32 s6;
	_ =	sdelay $0x1  }
0xa3: {  	s24 =	simm.s32 $0x1B8B  }
0xa4: {  	_ =	swait.ge [sflag:s24], $0x1  }
0xa5: {  	[sflag:s24] =	ssyncset.done $0x0  }
0xa6: {  	s25 =	simm.s32 $0x1B8E;
	[sflag:s24] =	ssyncadd.s32 $0xFFFFFFFF  }
0xa7: {  	s26 =	simm.s32 $execute0_lowered;
	[smem:$0x3FD2] =	sst s25  }
0xa8: {  	s6 =	sshll.u32 s26, $0x1;
	_ =	strace $0x80000046;
	[dreg:$0x1] =	wrdreg $0xFFFFFFFF  }
0xa9: {  	s28 =	simm.s32 $_size_execute0_lowered;
	s5 =	sadd.s32 s5, s6;
	[dreg:$0x0] =	wrdreg $0x0  }
0xaa: {  	s6 =	sshll.u32 s28, $0x1;
	[dreg:$0x2] =	wrdreg s5  }
0xab: {  	[dreg:$0x3] =	wrdreg s6  }
0xac: {  	[dreg:$0x4] =	wrdreg $0xC0  }
0xad: {  	_ =	task [dreg:s9], $0x5FFFF  }
0xae: {  	[dreg:$0x1] =	wrdreg $0xFFFFFFFF  }
0xaf: {  	[dreg:$0x0] =	wrdreg $0x60  }
0xb0: {  	[dreg:$0x2] =	wrdreg s2  }
0xb1: {  	[dreg:$0x3] =	wrdreg s19  }
0xb2: {  	[dreg:$0x4] =	wrdreg s4  }
0xb3: {  	[dreg:$0x5] =	wrdreg $0x9  }
0xb4: {  	_ =	task.clear_ibuf [dreg:s9], $0x6FFFF;
	_ =	strace $0x90000046  }
0xb5: {  	s29 =	simm.s32 $0x9;
	_ =	strace $0x80000048  }
0xb6: {  	_ =	swait.ge [sflag:s29], $0x1  }
0xb7: {  	[sflag:s29] =	ssyncadd.s32 $0xFFFFFFFF  }
0xb8: {  	_ =	strace $0x90000048  }
0xb9: {  	_ =	sfence  }
0xba: {  	s30 =	sld [smem:$0x0];
	_ =	sdelay $0x2  }
0xbb: {  	s31 =	sshll.u32 s1, $0xD;
	s1 =	sshrl.u32 s1, $0x2  }
0xbc: {  	s3 =	sand.u32 $0x4000, s31;
	s1 =	sadd.s32 s1, s30  }
0xbd: {  	s0 =	sor.u32 s3, s0;
	s1 =	sshll.u32 s1, $0x11  }
0xbe: {  	s0 =	sor.u32 s1, s0  }
0xbf: {  	s0 =	sadd.s32 $0x8F2B, s0  }
0xc0: {  	[sflag:s0] =	ssyncadd.remote.s32 $0x1  }
0xc1: {  	_ =	sfence.sel $0xFFFF  }
0xc2: {  	[dreg:$0x0] =	wrdreg $0xFFFFFFFF;
	(pc) =	sbr.abs _section_cstart, $3  }
0xc3: {  	[dreg:$0x1] =	wrdreg $0xFFFFFFFF  }
0xc4: {  	_ =	task.clear_ibuf [dreg:s9], $0x2FFFF;
	_ =	strace $0x9FFFFFFF  }
0xc5: {  	(tm) =	ssettm $0x7FFFFFFF  }
tec
execute0_lowered:
.L_overlay_start_1:
0x0: {  	(tag) =	ssettag $0x1  }
0x1: {  	s0 =	rddreg [dreg:$0x0]  }
0x2: {  	s5 =	rddreg [dreg:$0x2]  }
0x3: {  	s1 =	srdreg.scid;
	s2 =	stileid.u32;
	s4 =	simm.s32 $0x0  }
0x4: {  	s1 =	sand.u32 $0x1, s1;
	s2 =	sshll.u32 s2, $0xB;
	[smem:$0x7FF] =	sst s4  }
0x5: {  	s30 =	sadd.s32 $0x400, s5;
	s3 =	sshll.u32 s1, $0xA;
	s1 =	ssub.s32 $0x2, s1  }
0x6: {  	_ =	strace $0x80000047;
	[dreg:$0x6] =	wrdreg s30;
	s2 =	sor.u32 s3, s2  }
0x7: {  	s28 =	sshrl.u32 s1, $0x1;
	s29 =	sshll.u32 s2, $0x8;
	s2 =	sshll.u32 s2, $0xB  }
0x8: {  	s1 =	ssub.s32 s1, s28;
	s0 =	sadd.s32 s0, s29;
	[dreg:$0x5] =	wrdreg s2  }
0x9: {  	s31 =	smax.u32 s1, $0x1;
	[dreg:$0x4] =	wrdreg s0  }
0xa: {  	s11 =	simm.s32 $0x800;
	s0 =	sadd.s32 $0x2000, s0;
	[dreg:$0x8] =	wrdreg s31  }
0xb: {  	s13 =	simm.s32 $0x8800;
	s2 =	simm.s32 $0x0;
	[dreg:$0x7] =	wrdreg s0  }
.LBB2_1:
0xc: {  	[dreg:$0x9] =	wrdreg s2  }
0xd: {  	s0 =	rddreg [dreg:$0x1];
	s1 =	simm.s32 $0x0;
	s30 =	simm.s32 $0x5  }
0xe: {  	[tilespmem:s1], [sflag:$0x5] =	stream.linear.gather [hbm4b:s0+s1], $0x800, $0x38;
	[tilespmem:$0x18800] =	vst v63  }
0xf: {  	_ =	swait.ge [sflag:s30], $0x800  }
0x10: {  	[sflag:s30] =	ssyncset.done $0x0  }
0x11: {  	s2 =	simm.s32 $0x0;
	s31 =	rddreg [dreg:$0x4];
	[sflag:s30] =	ssyncadd.s32 $0xFFFFF800  }
0x12: {  	[tilespmem:s11], [sflag:$0x1] =	stream.linear.gather [hbm4b:s31+s1], $0x8000, $0x38;
	[tilespmem:$0x18800] =	vst v63  }
.LBB2_2:
0x13: {  	s1 =	simm.s32 $0x1;
	s0 =	sshllo.u32 s2, $0x1  }
0x14: {  	s22 =	simm.s32 $0x0;
	_ =	swait.ge [sflag:s1], $0x8000;
	[dreg:$0xb] =	wrdreg s0  }
0x15: {  	p0 =	seq.s32 s2, $0x0;
	s23 =	simm.s32 $0x0;
	[dreg:$0xa] =	wrdreg s2  }
0x16: {  	s0 =	sshll.u32 s0, $0xC;
	[sflag:s1] =	ssyncset.done $0x0;
	s21 =	rddreg [dreg:$0x4]  }
0x17: {  	[sflag:s1] =	ssyncadd.s32 $0xFFFF8000;
	s0 =	sadd.s32 s0, s21;
	s1 =	simm.s32 @!p0 $0x3  }
0x18: {  	[tilespmem:s13], [sflag:$0x2] =	stream.linear.gather [hbm4b:s0+s22], $0x8000, $0x38;
	[tilespmem:$0x18800] =	vst v63  }
0x19: {  	s21 =	sand.u32 $0x60, s23;
	_ =	swait.ge @!p0 [sflag:s1], $0x4000  }
0x1a: {  	s10 =	sand.u32 $0x380, s23;
	s4 =	sor.u32 $0x10, s21;
	[sflag:s1] =	ssyncset.done @!p0 $0x0  }
0x1b: {  	s12 =	sor.u32 s4, s10;
	[sflag:s1] =	ssyncadd.s32 @!p0 $0xFFFFC000  }
0x1c: {  	v0 =	vld [tilespmem:s12+$0x0];
	_ =	sdelay $0x2  }
0x1d: {  	v1 =	vld [tilespmem:s23+$0x0];
	_ =	sdelay $0x1  }
0x1e: {  	v2 =	vshll.u32 v0, $0x3  }
0x1f: {  	v0 =	vand.u32 $0x7F, v0;
	v2 =	vand.u32 $0xFFFFFC00, v2  }
0x20: {  	v7 =	vor.u32 v0, v2  }
0x21: {  	v0 =	vshll.u32 v1, $0x3  }
0x22: {  	v1 =	vand.u32 $0x7F, v1;
	v0 =	vand.u32 $0xFFFFFC00, v0  }
0x23: {  	v2 =	vor.u32 v1, v0;
	_ =	sdelay $0x1  }
0x24: {  	v0 =	vld.idx.msk [tilespmem:v7+s11+$0x0], $0xffff  }
0x25: {  	v1 =	vor.u32 $0x80, v7  }
0x26: {  	s3 =	sand.u32 $0x1C00, s23  }
0x27: {  	s14 =	sadd.s32 $0x10800, s3;
	v3 =	vld.idx.msk [tilespmem:v2+s11+$0x0], $0xffff  }
0x28: {  	s5 =	sor.u32 s4, s14;
	v4 =	vor.u32 $0x80, v2  }
0x29: {  	[tilespmem:s5+$0x0] =	vst v0  }
0x2a: {  	v0 =	vld.idx.msk [tilespmem:v1+s11+$0x0], $0xffff  }
0x2b: {  	s1 =	sor.u32 s21, s14;
	v1 =	vor.u32 $0x100, v7  }
0x2c: {  	[tilespmem:s1+$0x0] =	vst v3  }
0x2d: {  	v3 =	vld.idx.msk [tilespmem:v4+s11+$0x0], $0xffff  }
0x2e: {  	v4 =	vor.u32 $0x100, v2  }
0x2f: {  	[tilespmem:s5+$0x80] =	vst v0  }
0x30: {  	v0 =	vld.idx.msk [tilespmem:v1+s11+$0x0], $0xffff  }
0x31: {  	s2 =	simm.s32 $0x20;
	v1 =	vor.u32 $0x180, v7  }
0x32: {  	s25 =	sand.u32 $0x60, s2;
	[tilespmem:s1+$0x80] =	vst v3  }
0x33: {  	s6 =	sand.u32 $0x380, s2;
	s24 =	sor.u32 $0x10, s25;
	v3 =	vld.idx.msk [tilespmem:v4+s11+$0x0], $0xffff  }
0x34: {  	s6 =	sor.u32 s24, s6;
	v4 =	vor.u32 $0x180, v2  }
0x35: {  	v5 =	vld [tilespmem:s6+$0x0];
	[tilespmem:s5+$0x100] =	vst v0  }
0x36: {  	v0 =	vld.idx.msk [tilespmem:v1+s11+$0x0], $0xffff  }
0x37: {  	v1 =	vor.u32 $0x200, v7  }
0x38: {  	v6 =	vld [tilespmem:s2+$0x0];
	[tilespmem:s1+$0x100] =	vst v3  }
0x39: {  	v3 =	vld.idx.msk [tilespmem:v4+s11+$0x0], $0xffff  }
0x3a: {  	v8 =	vor.u32 $0x200, v2;
	v4 =	vshll.u32 v5, $0x3  }
0x3b: {  	v4 =	vand.u32 $0xFFFFFC00, v4;
	[tilespmem:s5+$0x180] =	vst v0;
	v0 =	vand.u32 $0x7F, v5  }
0x3c: {  	v5 =	vld.idx.msk [tilespmem:v1+s11+$0x0], $0xffff;
	v0 =	vor.u32 v0, v4  }
0x3d: {  	v1 =	vshll.u32 v6, $0x3;
	v4 =	vor.u32 $0x280, v7  }
0x3e: {  	v6 =	vand.u32 $0x7F, v6;
	v1 =	vand.u32 $0xFFFFFC00, v1;
	[tilespmem:s1+$0x180] =	vst v3  }
0x3f: {  	v1 =	vor.u32 v6, v1;
	v3 =	vld.idx.msk [tilespmem:v8+s11+$0x0], $0xffff  }
0x40: {  	v6 =	vor.u32 $0x280, v2  }
0x41: {  	v8 =	vld.idx.msk [tilespmem:v0+s11+$0x0], $0xffff;
	[tilespmem:s5+$0x200] =	vst v5  }
0x42: {  	s8 =	simm.s32 $0x100;
	v5 =	vor.u32 $0x80, v0;
	v4 =	vld.idx.msk [tilespmem:v4+s11+$0x0], $0xffff  }
0x43: {  	s26 =	sand.u32 $0x1C00, s8;
	v9 =	vor.u32 $0x300, v7  }
0x44: {  	s15 =	sadd.s32 $0x10800, s26;
	v10 =	vld.idx.msk [tilespmem:v1+s11+$0x0], $0xffff;
	[tilespmem:s1+$0x200] =	vst v3  }
0x45: {  	s9 =	sor.u32 s24, s15;
	v3 =	vld.idx.msk [tilespmem:v6+s11+$0x0], $0xffff;
	v6 =	vor.u32 $0x80, v1  }
0x46: {  	[tilespmem:s9+$0x0] =	vst v8;
	v8 =	vor.u32 $0x300, v2  }
0x47: {  	v5 =	vld.idx.msk [tilespmem:v5+s11+$0x0], $0xffff;
	[tilespmem:s5+$0x280] =	vst v4  }
0x48: {  	s16 =	sand.u32 $0x3, s23;
	s7 =	sor.u32 s25, s15;
	v4 =	vld.idx.msk [tilespmem:v9+s11+$0x0], $0xffff;
	v9 =	vor.u32 $0x100, v0  }
0x49: {  	s5 =	sshll.u32 s16, $0x5;
	[tilespmem:s7+$0x0] =	vst v10;
	v10 =	vor.u32 $0x380, v7  }
0x4a: {  	s17 =	sadd.s32 $0x0, s5;
	v6 =	vld.idx.msk [tilespmem:v6+s11+$0x0], $0xffff;
	[tilespmem:s1+$0x280] =	vst v3  }
0x4b: {  	s18 =	sadd.s32 $0x10, s17;
	v3 =	vld.idx.msk [tilespmem:v8+s11+$0x0], $0xffff;
	v8 =	vor.u32 $0x100, v1  }
0x4c: {  	s19 =	sor.u32 $0x300, s18;
	[tilespmem:s9+$0x80] =	vst v5;
	v5 =	vor.u32 $0x380, v2  }
0x4d: {  	v9 =	vld.idx.msk [tilespmem:v9+s11+$0x0], $0xffff;
	[tilespmem:s19+$0x10800] =	vst v4  }
0x4e: {  	s5 =	simm.s32 $0x40;
	v4 =	vld.idx.msk [tilespmem:v10+s11+$0x0], $0xffff;
	v10 =	vor.u32 $0x180, v0  }
0x4f: {  	s1 =	sor.u32 $0x300, s17;
	s28 =	sand.u32 $0x60, s5;
	[tilespmem:s7+$0x80] =	vst v6;
	v6 =	vadd.s32 $0x4000, v7  }
0x50: {  	s10 =	sand.u32 $0x380, s5;
	s29 =	sor.u32 $0x10, s28;
	v8 =	vld.idx.msk [tilespmem:v8+s11+$0x0], $0xffff;
	[tilespmem:s1+$0x10800] =	vst v3  }
0x51: {  	s20 =	sor.u32 s29, s10;
	v3 =	vld.idx.msk [tilespmem:v5+s11+$0x0], $0xffff;
	v5 =	vor.u32 $0x180, v1  }
0x52: {  	s22 =	sor.u32 $0x380, s18;
	v11 =	vld [tilespmem:s20+$0x0];
	[tilespmem:s9+$0x100] =	vst v9;
	v9 =	vadd.s32 $0x4000, v2  }
0x53: {  	v10 =	vld.idx.msk [tilespmem:v10+s11+$0x0], $0xffff;
	[tilespmem:s22+$0x10800] =	vst v4  }
0x54: {  	s0 =	sor.u32 s23, s23;
	v4 =	vld.idx.msk [tilespmem:v6+s11+$0x0], $0xffff;
	v6 =	vor.u32 $0x200, v0  }
0x55: {  	s0 =	sor.u32 $0x380, s0;
	v12 =	vld [tilespmem:s5+$0x0];
	[tilespmem:s7+$0x100] =	vst v8;
	v8 =	vadd.s32 $0x4080, v7  }
0x56: {  	v5 =	vld.idx.msk [tilespmem:v5+s11+$0x0], $0xffff;
	[tilespmem:s0+$0x10800] =	vst v3  }
0x57: {  	s23 =	sadd.s32 $0x12800, s3;
	v13 =	vor.u32 $0x200, v1;
	v3 =	vshll.u32 v11, $0x3;
	v9 =	vld.idx.msk [tilespmem:v9+s11+$0x0], $0xffff  }
0x58: {  	s6 =	sor.u32 s4, s23;
	v3 =	vand.u32 $0xFFFFFC00, v3;
	[tilespmem:s9+$0x180] =	vst v10;
	v10 =	vand.u32 $0x7F, v11;
	v11 =	vadd.s32 $0x4080, v2  }
0x59: {  	v6 =	vld.idx.msk [tilespmem:v6+s11+$0x0], $0xffff;
	[tilespmem:s6+$0x0] =	vst v4;
	v3 =	vor.u32 v10, v3  }
0x5a: {  	v4 =	vshll.u32 v12, $0x3;
	v10 =	vor.u32 $0x280, v0;
	v8 =	vld.idx.msk [tilespmem:v8+s11+$0x0], $0xffff  }
0x5b: {  	s0 =	sor.u32 s21, s23;
	v12 =	vand.u32 $0x7F, v12;
	v4 =	vand.u32 $0xFFFFFC00, v4;
	[tilespmem:s7+$0x180] =	vst v5;
	v5 =	vadd.s32 $0x4100, v7  }
0x5c: {  	v4 =	vor.u32 v12, v4;
	v12 =	vld.idx.msk [tilespmem:v13+s11+$0x0], $0xffff;
	[tilespmem:s0+$0x0] =	vst v9  }
0x5d: {  	s10 =	sadd.s32 $0x12880, s3;
	v9 =	vld.idx.msk [tilespmem:v11+s11+$0x0], $0xffff;
	v11 =	vor.u32 $0x280, v1  }
0x5e: {  	s12 =	sor.u32 s4, s10;
	v13 =	vld.idx.msk [tilespmem:v3+s11+$0x0], $0xffff;
	[tilespmem:s9+$0x200] =	vst v6;
	v6 =	vadd.s32 $0x4100, v2  }
0x5f: {  	s1 =	simm.s32 $0x200;
	v10 =	vld.idx.msk [tilespmem:v10+s11+$0x0], $0xffff;
	[tilespmem:s12+$0x0] =	vst v8;
	v8 =	vor.u32 $0x80, v3  }
0x60: {  	v14 =	vor.u32 $0x300, v0;
	s30 =	sand.u32 $0x1C00, s1;
	v5 =	vld.idx.msk [tilespmem:v5+s11+$0x0], $0xffff  }
0x61: {  	s14 =	sadd.s32 $0x10800, s30;
	s0 =	sor.u32 s21, s10;
	v15 =	vld.idx.msk [tilespmem:v4+s11+$0x0], $0xffff;
	[tilespmem:s7+$0x200] =	vst v12  }
0x62: {  	s6 =	sor.u32 s29, s14;
	v12 =	vadd.s32 $0x4180, v7;
	v11 =	vld.idx.msk [tilespmem:v11+s11+$0x0], $0xffff;
	[tilespmem:s0+$0x0] =	vst v9  }
0x63: {  	v9 =	vor.u32 $0x80, v4;
	[tilespmem:s6+$0x0] =	vst v13;
	v6 =	vld.idx.msk [tilespmem:v6+s11+$0x0], $0xffff  }
0x64: {  	s15 =	sadd.s32 $0x12900, s3;
	v13 =	vor.u32 $0x300, v1;
	v8 =	vld.idx.msk [tilespmem:v8+s11+$0x0], $0xffff;
	[tilespmem:s9+$0x280] =	vst v10  }
0x65: {  	s16 =	sor.u32 s4, s15;
	s12 =	simm.s32 $0x1;
	s9 =	simm.s32 $0x60;
	v10 =	vld.idx.msk [tilespmem:v14+s11+$0x0], $0xffff;
	v14 =	vadd.s32 $0x4180, v2  }
0x66: {  	s10 =	sor.u32 s28, s14;
	s12 =	sand.u32 $0x3, s12;
	[tilespmem:s16+$0x0] =	vst v5;
	v5 =	vor.u32 $0x100, v3;
	v16 =	vld [tilespmem:s9+$0x0]  }
0x67: {  	s12 =	sshll.u32 s12, $0x5;
	[tilespmem:s10+$0x0] =	vst v15;
	v15 =	vor.u32 $0x380, v0;
	v12 =	vld.idx.msk [tilespmem:v12+s11+$0x0], $0xffff  }
0x68: {  	s0 =	sor.u32 s21, s15;
	s17 =	sadd.s32 $0x100, s12;
	v9 =	vld.idx.msk [tilespmem:v9+s11+$0x0], $0xffff;
	[tilespmem:s7+$0x280] =	vst v11;
	v11 =	vadd.s32 $0x4200, v7  }
0x69: {  	s12 =	sadd.s32 $0x10, s17;
	v13 =	vld.idx.msk [tilespmem:v13+s11+$0x0], $0xffff;
	[tilespmem:s0+$0x0] =	vst v6  }
0x6a: {  	s14 =	sadd.s32 $0x12980, s3;
	s18 =	sor.u32 $0x300, s12;
	v6 =	vor.u32 $0x100, v4;
	[tilespmem:s6+$0x80] =	vst v8;
	v8 =	vld.idx.msk [tilespmem:v14+s11+$0x0], $0xffff  }
0x6b: {  	s19 =	sor.u32 s4, s14;
	s0 =	sand.u32 $0x60, s9;
	v14 =	vor.u32 $0x380, v1;
	v5 =	vld.idx.msk [tilespmem:v5+s11+$0x0], $0xffff;
	[tilespmem:s18+$0x10800] =	vst v10  }
0x6c: {  	s15 =	sand.u32 $0x380, s9;
	s31 =	sor.u32 $0x10, s0;
	v10 =	vld.idx.msk [tilespmem:v15+s11+$0x0], $0xffff;
	[tilespmem:s19+$0x0] =	vst v12;
	v12 =	vor.u32 $0x180, v3  }
0x6d: {  	s7 =	sor.u32 $0x300, s17;
	s20 =	sor.u32 s31, s15;
	v11 =	vld.idx.msk [tilespmem:v11+s11+$0x0], $0xffff;
	[tilespmem:s10+$0x80] =	vst v9;
	v9 =	vadd.s32 $0x4000, v0  }
0x6e: {  	v18 =	vld [tilespmem:s20+$0x0];
	[tilespmem:s7+$0x10800] =	vst v13;
	v13 =	vadd.s32 $0x4280, v7  }
0x6f: {  	v17 =	vadd.s32 $0x4200, v2;
	v15 =	vld.idx.msk [tilespmem:v6+s11+$0x0], $0xffff  }
0x70: {  	s23 =	sadd.s32 $0x12A00, s3;
	v19 =	vor.u32 $0x180, v4;
	s22 =	sor.u32 $0x380, s12;
	v6 =	vshll.u32 v16, $0x3;
	v14 =	vld.idx.msk [tilespmem:v14+s11+$0x0], $0xffff;
	[tilespmem:s6+$0x100] =	vst v5  }
0x71: {  	s15 =	sor.u32 s4, s23;
	v6 =	vand.u32 $0xFFFFFC00, v6;
	v5 =	vand.u32 $0x7F, v16;
	v16 =	vadd.s32 $0x4000, v1;
	v12 =	vld.idx.msk [tilespmem:v12+s11+$0x0], $0xffff;
	[tilespmem:s22+$0x10800] =	vst v10  }
0x72: {  	s14 =	sor.u32 s21, s14;
	v6 =	vor.u32 v5, v6;
	v5 =	vld.idx.msk [tilespmem:v9+s11+$0x0], $0xffff;
	[tilespmem:s15+$0x0] =	vst v11  }
0x73: {  	s2 =	sor.u32 s8, s2;
	[tilespmem:s14+$0x0] =	vst v8;
	v9 =	vor.u32 $0x200, v3;
	v10 =	vld.idx.msk [tilespmem:v13+s11+$0x0], $0xffff  }
0x74: {  	s2 =	sor.u32 $0x380, s2;
	v11 =	vadd.s32 $0x4080, v0;
	[tilespmem:s10+$0x100] =	vst v15;
	v13 =	vld.idx.msk [tilespmem:v17+s11+$0x0], $0xffff  }
0x75: {  	v15 =	vld.idx.msk [tilespmem:v19+s11+$0x0], $0xffff;
	[tilespmem:s2+$0x10800] =	vst v14;
	v14 =	vadd.s32 $0x4300, v7  }
0x76: {  	s16 =	sadd.s32 $0x12800, s26;
	v17 =	vadd.s32 $0x4280, v2;
	v16 =	vld.idx.msk [tilespmem:v16+s11+$0x0], $0xffff  }
0x77: {  	v20 =	vor.u32 $0x200, v4;
	s17 =	sor.u32 s24, s16;
	s18 =	sadd.s32 $0x12A80, s3;
	v19 =	vshll.u32 v18, $0x3;
	v8 =	vld.idx.msk [tilespmem:v6+s11+$0x0], $0xffff;
	[tilespmem:s6+$0x180] =	vst v12  }
0x78: {  	s19 =	sor.u32 s4, s18;
	v12 =	vand.u32 $0x7F, v18;
	v18 =	vand.u32 $0xFFFFFC00, v19;
	v19 =	vadd.s32 $0x4080, v1;
	v9 =	vld.idx.msk [tilespmem:v9+s11+$0x0], $0xffff;
	[tilespmem:s17+$0x0] =	vst v5  }
0x79: {  	s12 =	sor.u32 s21, s23;
	v5 =	vor.u32 v12, v18;
	v11 =	vld.idx.msk [tilespmem:v11+s11+$0x0], $0xffff;
	[tilespmem:s19+$0x0] =	vst v10  }
0x7a: {  	v10 =	vor.u32 $0x280, v3;
	[tilespmem:s12+$0x0] =	vst v13;
	v12 =	vld.idx.msk [tilespmem:v14+s11+$0x0], $0xffff  }
0x7b: {  	s2 =	sor.u32 s25, s16;
	v13 =	vadd.s32 $0x4100, v0;
	[tilespmem:s10+$0x180] =	vst v15;
	v14 =	vld.idx.msk [tilespmem:v17+s11+$0x0], $0xffff  }
0x7c: {  	v7 =	vadd.s32 $0x4380, v7;
	v15 =	vld.idx.msk [tilespmem:v20+s11+$0x0], $0xffff;
	[tilespmem:s2+$0x0] =	vst v16  }
0x7d: {  	s20 =	sadd.s32 $0x12880, s26;
	v17 =	vadd.s32 $0x4300, v2;
	v16 =	vld.idx.msk [tilespmem:v19+s11+$0x0], $0xffff  }
0x7e: {  	s23 =	sadd.s32 $0x12B00, s3;
	s22 =	sor.u32 s24, s20;
	v18 =	vld.idx.msk [tilespmem:v5+s11+$0x0], $0xffff;
	v19 =	vor.u32 $0x280, v4;
	[tilespmem:s6+$0x200] =	vst v9  }
0x7f: {  	s12 =	sor.u32 s4, s23;
	v9 =	vld.idx.msk [tilespmem:v10+s11+$0x0], $0xffff;
	v10 =	vadd.s32 $0x4100, v1;
	[tilespmem:s22+$0x0] =	vst v11  }
0x80: {  	s8 =	sor.u32 s21, s18;
	s16 =	simm.s32 $0x300;
	v63 =	vor.u32 $0x80, v5;
	v21 =	vld.idx.msk [tilespmem:v13+s11+$0x0], $0xffff;
	[tilespmem:s12+$0x0] =	vst v12  }
0x81: {  	s5 =	sor.u32 s1, s5;
	s2 =	sand.u32 $0x1C00, s16;
	v12 =	vor.u32 $0x300, v3;
	[tilespmem:s8+$0x0] =	vst v14;
	v22 =	vld.idx.msk [tilespmem:v7+s11+$0x0], $0xffff  }
0x82: {  	v23 =	vadd.s32 $0x4180, v0;
	s3 =	sadd.s32 $0x12B80, s3;
	s15 =	sor.u32 s25, s20;
	s17 =	sadd.s32 $0x10800, s2;
	[tilespmem:s10+$0x200] =	vst v15;
	v7 =	vld.idx.msk [tilespmem:v17+s11+$0x0], $0xffff  }
0x83: {  	s18 =	sor.u32 s16, s9;
	s19 =	sadd.s32 $0x12900, s26;
	s20 =	sor.u32 s31, s17;
	v13 =	vld.idx.msk [tilespmem:v19+s11+$0x0], $0xffff;
	[tilespmem:s15+$0x0] =	vst v16  }
0x84: {  	s18 =	sor.u32 $0x380, s18;
	s7 =	sor.u32 s25, s19;
	s14 =	sor.u32 s0, s17;
	[tilespmem:s20+$0x0] =	vst v18;
	v16 =	vor.u32 $0x80, v6;
	v11 =	vld.idx.msk [tilespmem:v10+s11+$0x0], $0xffff  }
0x85: {  	s22 =	sor.u32 s24, s19;
	s17 =	simm.s32 $0x2;
	s8 =	sor.u32 $0x380, s5;
	v14 =	vor.u32 $0x300, v4;
	v15 =	vld.idx.msk [tilespmem:v63+s11+$0x0], $0xffff;
	[tilespmem:s6+$0x280] =	vst v9  }
0x86: {  	s12 =	simm.s32 $0x6;
	s5 =	sor.u32 s21, s23;
	s23 =	sor.u32 s4, s3;
	v9 =	vadd.s32 $0x4180, v1;
	[tilespmem:s22+$0x0] =	vst v21;
	v12 =	vld.idx.msk [tilespmem:v12+s11+$0x0], $0xffff  }
0x87: {  	s3 =	sor.u32 s21, s3;
	s4 =	simm.s32 $0x80;
	v17 =	vor.u32 $0x100, v5;
	s6 =	sand.u32 $0x3, s17;
	v10 =	vld.idx.msk [tilespmem:v23+s11+$0x0], $0xffff;
	[tilespmem:s23+$0x0] =	vst v22  }
.LBB2_3:
0x88: {  	v18 =	vld [tilespmem:s4+$0x0];
	[tilespmem:s14+$0x0] =	vst v8;
	s6 =	sshll.u32 s6, $0x5;
	v8 =	vor.u32 $0x380, v3;
	s21 =	smov.u32 s28;
	s28 =	smov.u32 s0  }
0x89: {  	s19 =	smov.u32 s24;
	s24 =	smov.u32 s29;
	v16 =	vld.idx.msk [tilespmem:v16+s11+$0x0], $0xffff;
	[tilespmem:s10+$0x280] =	vst v13;
	s0 =	sadd.s32 s6, s1;
	v13 =	vadd.s32 $0x4200, v0  }
0x8a: {  	s29 =	smov.u32 s31;
	v14 =	vld.idx.msk [tilespmem:v14+s11+$0x0], $0xffff;
	s15 =	sor.u32 $0x300, s0;
	s23 =	sadd.s32 $0x10, s0;
	[tilespmem:s7+$0x0] =	vst v11;
	v11 =	vadd.s32 $0x4380, v2;
	v2 =	vmovc v1;
	v1 =	vmov v4;
	v4 =	vmov v6  }
0x8b: {  	s6 =	sadd.s32 $0x12980, s26;
	s1 =	smov.u32 s16;
	v6 =	vor.u32 $0x100, v4;
	[tilespmem:s20+$0x80] =	vst v15;
	s0 =	sor.u32 $0x300, s23;
	v9 =	vld.idx.msk [tilespmem:v9+s11+$0x0], $0xffff  }
0x8c: {  	s22 =	sor.u32 s25, s6;
	v15 =	vld.idx.msk [tilespmem:v17+s11+$0x0], $0xffff;
	v17 =	vor.u32 $0x380, v1;
	[tilespmem:s0+$0x10800] =	vst v12;
	s0 =	sor.u32 s19, s6;
	s6 =	smov.u32 s26  }
0x8d: {  	s10 =	smov.u32 s14;
	s26 =	smov.u32 s30;
	s30 =	smov.u32 s2;
	v8 =	vld.idx.msk [tilespmem:v8+s11+$0x0], $0xffff;
	[tilespmem:s0+$0x0] =	vst v10  }
0x8e: {  	s9 =	sadd.s32 $0x20, s9;
	s7 =	smov.u32 s20;
	v10 =	vor.u32 $0x180, v5;
	v12 =	vld.idx.msk [tilespmem:v13+s11+$0x0], $0xffff;
	[tilespmem:s5+$0x0] =	vst v7  }
0x8f: {  	s0 =	sand.u32 $0x60, s9;
	v7 =	vadd.s32 $0x4000, v3;
	[tilespmem:s10+$0x80] =	vst v16;
	v11 =	vld.idx.msk [tilespmem:v11+s11+$0x0], $0xffff  }
0x90: {  	s2 =	sand.u32 $0x380, s9;
	s31 =	sor.u32 $0x10, s0;
	v13 =	vld.idx.msk [tilespmem:v6+s11+$0x0], $0xffff;
	[tilespmem:s15+$0x10800] =	vst v14;
	v14 =	vadd.s32 $0x4280, v0  }
0x91: {  	s12 =	sadd.s32 $0x2, s12;
	s2 =	sor.u32 s31, s2;
	v16 =	vld.idx.msk [tilespmem:v17+s11+$0x0], $0xffff;
	[tilespmem:s22+$0x0] =	vst v9;
	v9 =	vadd.s32 $0x4200, v2  }
0x92: {  	p1 =	slt.u32 s12, $0x3E;
	v19 =	vor.u32 $0x180, v4;
	s5 =	sadd.s32 $0x12A00, s6;
	v6 =	vshll.u32 v18, $0x3;
	v17 =	vld [tilespmem:s2+$0x0];
	[tilespmem:s7+$0x100] =	vst v15;
	s2 =	sor.u32 $0x380, s23  }
0x93: {  	v6 =	vand.u32 $0xFFFFFC00, v6;
	v15 =	vand.u32 $0x7F, v18;
	v18 =	vadd.s32 $0x4000, v1;
	v10 =	vld.idx.msk [tilespmem:v10+s11+$0x0], $0xffff;
	[tilespmem:s2+$0x10800] =	vst v8;
	s2 =	sor.u32 s25, s5;
	s5 =	sor.u32 s19, s5  }
0x94: {  	v6 =	vor.u32 v15, v6;
	v7 =	vld.idx.msk [tilespmem:v7+s11+$0x0], $0xffff;
	[tilespmem:s5+$0x0] =	vst v12  }
0x95: {  	v12 =	vor.u32 $0x200, v5;
	v14 =	vld.idx.msk [tilespmem:v14+s11+$0x0], $0xffff;
	[tilespmem:s3+$0x0] =	vst v11  }
0x96: {  	v11 =	vadd.s32 $0x4080, v3;
	[tilespmem:s10+$0x100] =	vst v13;
	v9 =	vld.idx.msk [tilespmem:v9+s11+$0x0], $0xffff  }
0x97: {  	v15 =	vadd.s32 $0x4300, v0;
	v13 =	vld.idx.msk [tilespmem:v19+s11+$0x0], $0xffff;
	[tilespmem:s8+$0x10800] =	vst v16;
	s8 =	smov.u32 s18  }
0x98: {  	s3 =	sadd.s32 $0x12800, s26;
	v16 =	vld.idx.msk [tilespmem:v18+s11+$0x0], $0xffff;
	v18 =	vadd.s32 $0x4280, v2  }
0x99: {  	v20 =	vor.u32 $0x200, v4;
	s14 =	sadd.s32 $0x12A80, s6;
	s5 =	sor.u32 s21, s3;
	s3 =	sor.u32 s24, s3;
	v19 =	vshll.u32 v17, $0x3;
	v8 =	vld.idx.msk [tilespmem:v6+s11+$0x0], $0xffff;
	[tilespmem:s7+$0x180] =	vst v10  }
0x9a: {  	v10 =	vand.u32 $0x7F, v17;
	v17 =	vand.u32 $0xFFFFFC00, v19;
	v19 =	vadd.s32 $0x4080, v1;
	v12 =	vld.idx.msk [tilespmem:v12+s11+$0x0], $0xffff;
	[tilespmem:s3+$0x0] =	vst v7;
	s3 =	sor.u32 s25, s14;
	s14 =	sor.u32 s19, s14  }
0x9b: {  	v7 =	vor.u32 v10, v17;
	v10 =	vld.idx.msk [tilespmem:v11+s11+$0x0], $0xffff;
	[tilespmem:s14+$0x0] =	vst v14  }
0x9c: {  	v11 =	vor.u32 $0x280, v5;
	[tilespmem:s2+$0x0] =	vst v9;
	v9 =	vld.idx.msk [tilespmem:v15+s11+$0x0], $0xffff  }
0x9d: {  	[tilespmem:s10+$0x180] =	vst v13;
	v13 =	vadd.s32 $0x4100, v3;
	v14 =	vld.idx.msk [tilespmem:v18+s11+$0x0], $0xffff  }
0x9e: {  	v15 =	vld.idx.msk [tilespmem:v20+s11+$0x0], $0xffff;
	[tilespmem:s5+$0x0] =	vst v16;
	v16 =	vadd.s32 $0x4380, v0;
	v0 =	vmovc v3;
	v3 =	vmov v5;
	v5 =	vmov v7  }
0x9f: {  	s2 =	sadd.s32 $0x12880, s26;
	v18 =	vadd.s32 $0x4300, v2;
	v17 =	vld.idx.msk [tilespmem:v19+s11+$0x0], $0xffff  }
0xa0: {  	s14 =	sadd.s32 $0x12B00, s6;
	s15 =	sor.u32 s21, s2;
	s2 =	sor.u32 s24, s2;
	v20 =	vor.u32 $0x280, v4;
	v19 =	vld.idx.msk [tilespmem:v7+s11+$0x0], $0xffff;
	[tilespmem:s7+$0x200] =	vst v12  }
0xa1: {  	s5 =	sor.u32 s25, s14;
	v12 =	vld.idx.msk [tilespmem:v11+s11+$0x0], $0xffff;
	v11 =	vadd.s32 $0x4100, v1;
	[tilespmem:s2+$0x0] =	vst v10;
	s2 =	sor.u32 s19, s14  }
0xa2: {  	s16 =	sadd.s32 $0x100, s16;
	v10 =	vor.u32 $0x80, v5;
	v21 =	vld.idx.msk [tilespmem:v13+s11+$0x0], $0xffff;
	[tilespmem:s2+$0x0] =	vst v9  }
0xa3: {  	s14 =	sor.u32 s16, s9;
	s2 =	sand.u32 $0x1C00, s16;
	v9 =	vor.u32 $0x300, v3;
	[tilespmem:s3+$0x0] =	vst v14;
	v22 =	vld.idx.msk [tilespmem:v16+s11+$0x0], $0xffff  }
0xa4: {  	v23 =	vadd.s32 $0x4180, v0;
	s18 =	sor.u32 $0x380, s14;
	s3 =	sadd.s32 $0x10800, s2;
	[tilespmem:s10+$0x200] =	vst v15;
	v7 =	vld.idx.msk [tilespmem:v18+s11+$0x0], $0xffff  }
.Ltmp0:
0xa5: {  	s14 =	sor.u32 s0, s3;
	s20 =	sor.u32 s31, s3;
	v13 =	vld.idx.msk [tilespmem:v20+s11+$0x0], $0xffff;
	[tilespmem:s15+$0x0] =	vst v17;
	(pc) =	sbr.rel @p1 .LBB2_3-.Ltmp0, $4  }
0xa6: {  	v16 =	vor.u32 $0x80, v6;
	s3 =	sadd.s32 $0x12900, s26;
	[tilespmem:s20+$0x0] =	vst v19;
	v11 =	vld.idx.msk [tilespmem:v11+s11+$0x0], $0xffff  }
0xa7: {  	s6 =	sadd.s32 $0x12B80, s6;
	v14 =	vor.u32 $0x300, v4;
	v15 =	vld.idx.msk [tilespmem:v10+s11+$0x0], $0xffff;
	[tilespmem:s7+$0x280] =	vst v12;
	s7 =	sor.u32 s21, s3;
	s3 =	sor.u32 s24, s3  }
0xa8: {  	s17 =	sadd.s32 $0x1, s17;
	s15 =	sor.u32 s19, s6;
	v12 =	vld.idx.msk [tilespmem:v9+s11+$0x0], $0xffff;
	v9 =	vadd.s32 $0x4180, v1;
	[tilespmem:s3+$0x0] =	vst v21;
	s3 =	sor.u32 s25, s6  }
0xa9: {  	s4 =	sadd.s32 $0x20, s4;
	v17 =	vor.u32 $0x100, v5;
	s6 =	sand.u32 $0x3, s17;
	s25 =	smov.u32 s21;
	v10 =	vld.idx.msk [tilespmem:v23+s11+$0x0], $0xffff;
	[tilespmem:s15+$0x0] =	vst v22  }
0xaa: {  	_ =	sdelay $0x2  }
0xab: {  	[tilespmem:s14+$0x0] =	vst v8  }
0xac: {  	v8 =	vld.idx.msk [tilespmem:v16+s11+$0x0], $0xffff  }
0xad: {  	v16 =	vor.u32 $0x100, v6;
	_ =	sdelay $0x1  }
0xae: {  	[tilespmem:s20+$0x80] =	vst v15  }
0xaf: {  	v15 =	vld.idx.msk [tilespmem:v17+s11+$0x0], $0xffff  }
0xb0: {  	[tilespmem:s14+$0x80] =	vst v8;
	v8 =	vor.u32 $0x180, v5  }
0xb1: {  	v16 =	vld.idx.msk [tilespmem:v16+s11+$0x0], $0xffff  }
0xb2: {  	v17 =	vor.u32 $0x180, v6;
	_ =	sdelay $0x1  }
0xb3: {  	[tilespmem:s20+$0x100] =	vst v15  }
0xb4: {  	v8 =	vld.idx.msk [tilespmem:v8+s11+$0x0], $0xffff  }
0xb5: {  	v15 =	vor.u32 $0x200, v5;
	[tilespmem:s14+$0x100] =	vst v16  }
0xb6: {  	v16 =	vld.idx.msk [tilespmem:v17+s11+$0x0], $0xffff  }
0xb7: {  	v17 =	vor.u32 $0x200, v6;
	_ =	sdelay $0x1  }
0xb8: {  	[tilespmem:s20+$0x180] =	vst v8  }
0xb9: {  	v8 =	vld.idx.msk [tilespmem:v15+s11+$0x0], $0xffff  }
0xba: {  	v15 =	vor.u32 $0x280, v5;
	[tilespmem:s14+$0x180] =	vst v16  }
0xbb: {  	v16 =	vld.idx.msk [tilespmem:v17+s11+$0x0], $0xffff  }
0xbc: {  	v17 =	vor.u32 $0x280, v6;
	_ =	sdelay $0x1  }
0xbd: {  	[tilespmem:s20+$0x200] =	vst v8  }
0xbe: {  	v8 =	vld.idx.msk [tilespmem:v15+s11+$0x0], $0xffff  }
0xbf: {  	v15 =	vor.u32 $0x300, v5;
	[tilespmem:s14+$0x200] =	vst v16  }
0xc0: {  	v16 =	vld.idx.msk [tilespmem:v17+s11+$0x0], $0xffff  }
0xc1: {  	v17 =	vor.u32 $0x300, v6  }
0xc2: {  	[tilespmem:s10+$0x280] =	vst v13;
	s4 =	sshll.u32 s6, $0x5;
	v13 =	vor.u32 $0x380, v3  }
0xc3: {  	s19 =	sadd.s32 $0x1, s17;
	v14 =	vld.idx.msk [tilespmem:v14+s11+$0x0], $0xffff;
	s1 =	sadd.s32 s4, s1;
	[tilespmem:s20+$0x280] =	vst v8  }
0xc4: {  	s21 =	sadd.s32 $0x10, s1;
	v8 =	vor.u32 $0x380, v4;
	s20 =	sand.u32 $0x3, s19;
	v15 =	vld.idx.msk [tilespmem:v15+s11+$0x0], $0xffff  }
0xc5: {  	s9 =	sor.u32 $0x300, s21;
	s4 =	sshll.u32 s20, $0x5;
	[tilespmem:s14+$0x280] =	vst v16;
	v16 =	vor.u32 $0x380, v5  }
0xc6: {  	[tilespmem:s9+$0x10800] =	vst v12;
	s4 =	sadd.s32 s4, s16;
	v17 =	vld.idx.msk [tilespmem:v17+s11+$0x0], $0xffff  }
0xc7: {  	v18 =	vor.u32 $0x380, v6;
	s1 =	sor.u32 $0x300, s1;
	v12 =	vld.idx.msk [tilespmem:v13+s11+$0x0], $0xffff;
	s22 =	sadd.s32 $0x10, s4  }
0xc8: {  	v13 =	vadd.s32 $0x4000, v3;
	[tilespmem:s1+$0x10800] =	vst v14;
	s23 =	sor.u32 $0x300, s22  }
0xc9: {  	v8 =	vld.idx.msk [tilespmem:v8+s11+$0x0], $0xffff;
	[tilespmem:s23+$0x10800] =	vst v15  }
0xca: {  	v14 =	vadd.s32 $0x4000, v4;
	s4 =	sor.u32 $0x300, s4;
	v15 =	vld.idx.msk [tilespmem:v16+s11+$0x0], $0xffff  }
0xcb: {  	s6 =	sor.u32 $0x380, s21;
	v16 =	vadd.s32 $0x4000, v5;
	[tilespmem:s4+$0x10800] =	vst v17  }
0xcc: {  	[tilespmem:s6+$0x10800] =	vst v12;
	v17 =	vld.idx.msk [tilespmem:v18+s11+$0x0], $0xffff  }
0xcd: {  	v12 =	vld.idx.msk [tilespmem:v13+s11+$0x0], $0xffff;
	v18 =	vadd.s32 $0x4000, v6  }
0xce: {  	[tilespmem:s8+$0x10800] =	vst v8;
	s8 =	sor.u32 $0x380, s22;
	v8 =	vadd.s32 $0x4080, v3  }
0xcf: {  	v13 =	vld.idx.msk [tilespmem:v14+s11+$0x0], $0xffff;
	[tilespmem:s8+$0x10800] =	vst v15  }
0xd0: {  	s9 =	sadd.s32 $0x12800, s30;
	v14 =	vadd.s32 $0x4080, v4;
	v15 =	vld.idx.msk [tilespmem:v16+s11+$0x0], $0xffff  }
0xd1: {  	s10 =	sor.u32 s29, s9;
	v16 =	vadd.s32 $0x4080, v5;
	[tilespmem:s18+$0x10800] =	vst v17  }
0xd2: {  	[tilespmem:s10+$0x0] =	vst v12;
	v17 =	vld.idx.msk [tilespmem:v18+s11+$0x0], $0xffff  }
0xd3: {  	s12 =	sadd.s32 $0x12800, s2;
	s1 =	sor.u32 s28, s9;
	v18 =	vadd.s32 $0x4080, v6;
	v8 =	vld.idx.msk [tilespmem:v8+s11+$0x0], $0xffff  }
0xd4: {  	v12 =	vadd.s32 $0x4100, v3;
	s14 =	sor.u32 s31, s12;
	[tilespmem:s1+$0x0] =	vst v13  }
0xd5: {  	v2 =	vadd.s32 $0x4380, v2;
	v13 =	vld.idx.msk [tilespmem:v14+s11+$0x0], $0xffff;
	[tilespmem:s14+$0x0] =	vst v15  }
0xd6: {  	s15 =	sadd.s32 $0x12880, s30;
	[tilespmem:s5+$0x0] =	vst v7;
	s4 =	sor.u32 s0, s12;
	v14 =	vadd.s32 $0x4100, v4;
	v15 =	vld.idx.msk [tilespmem:v16+s11+$0x0], $0xffff  }
0xd7: {  	s16 =	sor.u32 s29, s15;
	v16 =	vadd.s32 $0x4100, v5;
	[tilespmem:s4+$0x0] =	vst v17  }
0xd8: {  	[tilespmem:s16+$0x0] =	vst v8;
	v17 =	vld.idx.msk [tilespmem:v18+s11+$0x0], $0xffff  }
0xd9: {  	s17 =	sadd.s32 $0x12880, s2;
	[tilespmem:s7+$0x0] =	vst v11;
	v11 =	vadd.s32 $0x4100, v6;
	s1 =	sor.u32 s28, s15;
	v12 =	vld.idx.msk [tilespmem:v12+s11+$0x0], $0xffff  }
0xda: {  	v2 =	vld.idx.msk [tilespmem:v2+s11+$0x0], $0xffff;
	s19 =	sadd.s32 $0x12980, s26;
	s18 =	sor.u32 s31, s17;
	[tilespmem:s1+$0x0] =	vst v13;
	v13 =	vadd.s32 $0x4180, v3  }
0xdb: {  	s20 =	sor.u32 s24, s19;
	v8 =	vadd.s32 $0x4200, v0;
	v14 =	vld.idx.msk [tilespmem:v14+s11+$0x0], $0xffff;
	[tilespmem:s18+$0x0] =	vst v15  }
0xdc: {  	s21 =	sadd.s32 $0x12900, s30;
	[tilespmem:s20+$0x0] =	vst v10;
	s4 =	sor.u32 s0, s17;
	v15 =	vadd.s32 $0x4180, v4;
	v16 =	vld.idx.msk [tilespmem:v16+s11+$0x0], $0xffff  }
0xdd: {  	v9 =	vld.idx.msk [tilespmem:v9+s11+$0x0], $0xffff;
	v10 =	vadd.s32 $0x4180, v5;
	s22 =	sor.u32 s29, s21;
	[tilespmem:s4+$0x0] =	vst v17  }
0xde: {  	[tilespmem:s22+$0x0] =	vst v12;
	v12 =	vadd.s32 $0x4200, v1;
	v11 =	vld.idx.msk [tilespmem:v11+s11+$0x0], $0xffff  }
0xdf: {  	v7 =	vadd.s32 $0x4180, v6;
	[tilespmem:s3+$0x0] =	vst v2;
	s23 =	sadd.s32 $0x12900, s2;
	s1 =	sor.u32 s28, s21;
	v13 =	vld.idx.msk [tilespmem:v13+s11+$0x0], $0xffff  }
0xe0: {  	s5 =	sor.u32 s31, s23;
	v8 =	vld.idx.msk [tilespmem:v8+s11+$0x0], $0xffff;
	[tilespmem:s1+$0x0] =	vst v14;
	v14 =	vadd.s32 $0x4200, v3  }
0xe1: {  	s7 =	sor.u32 s25, s19;
	v15 =	vld.idx.msk [tilespmem:v15+s11+$0x0], $0xffff;
	[tilespmem:s5+$0x0] =	vst v16  }
0xe2: {  	s10 =	sadd.s32 $0x12980, s30;
	[tilespmem:s7+$0x0] =	vst v9;
	s4 =	sor.u32 s0, s23;
	v16 =	vadd.s32 $0x4200, v4;
	v10 =	vld.idx.msk [tilespmem:v10+s11+$0x0], $0xffff  }
0xe3: {  	v9 =	vadd.s32 $0x4200, v5;
	s12 =	sor.u32 s29, s10;
	s8 =	sadd.s32 $0x12A00, s26;
	v12 =	vld.idx.msk [tilespmem:v12+s11+$0x0], $0xffff;
	[tilespmem:s4+$0x0] =	vst v11  }
0xe4: {  	s9 =	sor.u32 s24, s8;
	[tilespmem:s12+$0x0] =	vst v13;
	v13 =	vadd.s32 $0x4280, v1;
	v7 =	vld.idx.msk [tilespmem:v7+s11+$0x0], $0xffff  }
0xe5: {  	s14 =	sadd.s32 $0x12980, s2;
	[tilespmem:s9+$0x0] =	vst v8;
	v8 =	vadd.s32 $0x4200, v6;
	s4 =	sor.u32 s28, s10;
	v14 =	vld.idx.msk [tilespmem:v14+s11+$0x0], $0xffff  }
0xe6: {  	s15 =	sor.u32 s31, s14;
	v11 =	vadd.s32 $0x4280, v0;
	[tilespmem:s4+$0x0] =	vst v15  }
0xe7: {  	s16 =	sor.u32 s25, s8;
	v15 =	vadd.s32 $0x4280, v3;
	v16 =	vld.idx.msk [tilespmem:v16+s11+$0x0], $0xffff;
	[tilespmem:s15+$0x0] =	vst v10  }
0xe8: {  	s17 =	sadd.s32 $0x12A00, s30;
	s1 =	sor.u32 s0, s14;
	v10 =	vadd.s32 $0x4280, v4;
	[tilespmem:s16+$0x0] =	vst v12;
	v9 =	vld.idx.msk [tilespmem:v9+s11+$0x0], $0xffff  }
0xe9: {  	v2 =	vadd.s32 $0x4280, v5;
	s18 =	sor.u32 s29, s17;
	v13 =	vld.idx.msk [tilespmem:v13+s11+$0x0], $0xffff;
	[tilespmem:s1+$0x0] =	vst v7  }
0xea: {  	[tilespmem:s18+$0x0] =	vst v14;
	v14 =	vadd.s32 $0x4300, v1;
	v7 =	vld.idx.msk [tilespmem:v8+s11+$0x0], $0xffff  }
0xeb: {  	s19 =	sadd.s32 $0x12A00, s2;
	s3 =	sor.u32 s28, s17;
	v8 =	vld.idx.msk [tilespmem:v11+s11+$0x0], $0xffff;
	v11 =	vadd.s32 $0x4280, v6  }
0xec: {  	s20 =	sor.u32 s31, s19;
	s21 =	sadd.s32 $0x12A80, s26;
	v12 =	vadd.s32 $0x4300, v0;
	v15 =	vld.idx.msk [tilespmem:v15+s11+$0x0], $0xffff;
	[tilespmem:s3+$0x0] =	vst v16  }
0xed: {  	s23 =	sor.u32 s25, s21;
	v16 =	vadd.s32 $0x4300, v3;
	v10 =	vld.idx.msk [tilespmem:v10+s11+$0x0], $0xffff;
	[tilespmem:s20+$0x0] =	vst v9  }
0xee: {  	s1 =	sor.u32 s0, s19;
	v9 =	vadd.s32 $0x4300, v4;
	[tilespmem:s23+$0x0] =	vst v13;
	v2 =	vld.idx.msk [tilespmem:v2+s11+$0x0], $0xffff  }
0xef: {  	s22 =	sor.u32 s24, s21;
	s4 =	sadd.s32 $0x12A80, s30;
	v13 =	vld.idx.msk [tilespmem:v14+s11+$0x0], $0xffff;
	[tilespmem:s1+$0x0] =	vst v7;
	v7 =	vadd.s32 $0x4300, v5  }
0xf0: {  	s5 =	sor.u32 s29, s4;
	v1 =	vadd.s32 $0x4380, v1;
	[tilespmem:s22+$0x0] =	vst v8;
	v8 =	vld.idx.msk [tilespmem:v11+s11+$0x0], $0xffff  }
0xf1: {  	s6 =	sadd.s32 $0x12A80, s2;
	s3 =	sor.u32 s28, s4;
	[tilespmem:s5+$0x0] =	vst v15;
	v11 =	vld.idx.msk [tilespmem:v12+s11+$0x0], $0xffff;
	v12 =	vadd.s32 $0x4300, v6  }
0xf2: {  	s7 =	sor.u32 s31, s6;
	s8 =	sadd.s32 $0x12B00, s26;
	v0 =	vadd.s32 $0x4380, v0;
	v14 =	vld.idx.msk [tilespmem:v16+s11+$0x0], $0xffff;
	[tilespmem:s3+$0x0] =	vst v10  }
0xf3: {  	s10 =	sor.u32 s25, s8;
	v3 =	vadd.s32 $0x4380, v3;
	v9 =	vld.idx.msk [tilespmem:v9+s11+$0x0], $0xffff;
	[tilespmem:s7+$0x0] =	vst v2  }
0xf4: {  	s1 =	sor.u32 s0, s6;
	v2 =	vadd.s32 $0x4380, v4;
	[tilespmem:s10+$0x0] =	vst v13;
	v4 =	vld.idx.msk [tilespmem:v7+s11+$0x0], $0xffff  }
0xf5: {  	s9 =	sor.u32 s24, s8;
	s12 =	sadd.s32 $0x12B00, s30;
	v1 =	vld.idx.msk [tilespmem:v1+s11+$0x0], $0xffff;
	[tilespmem:s1+$0x0] =	vst v8  }
0xf6: {  	s14 =	sor.u32 s29, s12;
	[tilespmem:s9+$0x0] =	vst v11;
	v7 =	vld.idx.msk [tilespmem:v12+s11+$0x0], $0xffff  }
0xf7: {  	s15 =	sadd.s32 $0x12B00, s2;
	v5 =	vadd.s32 $0x4380, v5;
	s3 =	sor.u32 s28, s12;
	[tilespmem:s14+$0x0] =	vst v14;
	v0 =	vld.idx.msk [tilespmem:v0+s11+$0x0], $0xffff  }
0xf8: {  	s17 =	sadd.s32 $0x12B80, s26;
	s16 =	sor.u32 s31, s15;
	v6 =	vadd.s32 $0x4380, v6;
	v3 =	vld.idx.msk [tilespmem:v3+s11+$0x0], $0xffff;
	[tilespmem:s3+$0x0] =	vst v9  }
0xf9: {  	s19 =	sor.u32 s25, s17;
	v2 =	vld.idx.msk [tilespmem:v2+s11+$0x0], $0xffff;
	[tilespmem:s16+$0x0] =	vst v4  }
0xfa: {  	s1 =	sor.u32 s0, s15;
	[tilespmem:s19+$0x0] =	vst v1  }
0xfb: {  	s18 =	sor.u32 s24, s17;
	s20 =	sadd.s32 $0x12B80, s30;
	[tilespmem:s1+$0x0] =	vst v7  }
0xfc: {  	s21 =	sor.u32 s29, s20;
	v4 =	vld.idx.msk [tilespmem:v5+s11+$0x0], $0xffff;
	[tilespmem:s18+$0x0] =	vst v0  }
0xfd: {  	s3 =	sor.u32 s28, s20;
	[tilespmem:s21+$0x0] =	vst v3;
	v0 =	vld.idx.msk [tilespmem:v6+s11+$0x0], $0xffff  }
0xfe: {  	s23 =	rddreg [dreg:$0xa];
	[tilespmem:s3+$0x0] =	vst v2  }
0xff: {  	s22 =	sadd.s32 $0x12B80, s2;
	s24 =	sshll.u32 s23, $0x10;
	s26 =	rddreg [dreg:$0x5]  }
0x100: {  	s4 =	simm.s32 $0x2000;
	s25 =	sor.u32 s31, s22;
	s2 =	sadd.s32 s26, s24  }
0x101: {  	s1 =	sor.u32 s0, s22;
	s3 =	rddreg [dreg:$0x2];
	[tilespmem:s25+$0x0] =	vst v4;
	s24 =	sshrl.u32 s2, $0x3  }
0x102: {  	s5 =	simm.s32 $0x4000;
	s6 =	simm.s32 $0x10800;
	[tilespmem:s1+$0x0] =	vst v0;
	s0 =	sadd.s32 s3, s24  }
0x103: {  	[hbm4b:s0+s4] =	stream.strided.scatter [tilespmem:s6], [sflag:$0x3], $0x4000, s5, s4, $0x38;
	[tilespmem:$0x18800] =	vst v63  }
0x104: {  	s0 =	simm.s32 @!p0 $0x4  }
0x105: {  	_ =	swait.ge @!p0 [sflag:s0], $0x4000  }
0x106: {  	s1 =	simm.s32 $0x0;
	[sflag:s0] =	ssyncset.done @!p0 $0x0  }
0x107: {  	s7 =	sand.u32 $0x3E0, s1;
	[sflag:s0] =	ssyncadd.s32 @!p0 $0xFFFFC000  }
0x108: {  	v0 =	vld [tilespmem:s7+$0x400];
	_ =	sdelay $0x1  }
0x109: {  	s8 =	simm.s32 $0x410  }
0x10a: {  	v1 =	vld [tilespmem:s8+$0x0];
	_ =	sdelay $0x1  }
0x10b: {  	v2 =	vshll.u32 v0, $0x3  }
0x10c: {  	v0 =	vand.u32 $0x7F, v0;
	v2 =	vand.u32 $0xFFFFFC00, v2  }
0x10d: {  	v7 =	vor.u32 v0, v2  }
0x10e: {  	v0 =	vshll.u32 v1, $0x3  }
0x10f: {  	v1 =	vand.u32 $0x7F, v1;
	v0 =	vand.u32 $0xFFFFFC00, v0  }
0x110: {  	v2 =	vor.u32 v1, v0;
	_ =	sdelay $0x1  }
0x111: {  	v0 =	vld.idx.msk [tilespmem:v7+s11+$0x0], $0xffff  }
0x112: {  	v1 =	vor.u32 $0x80, v7  }
0x113: {  	s16 =	sand.u32 $0x1C00, s1  }
0x114: {  	s9 =	sadd.s32 $0x14800, s16;
	s8 =	sand.u32 $0x60, s1;
	v3 =	vld.idx.msk [tilespmem:v2+s11+$0x0], $0xffff  }
0x115: {  	s10 =	sor.u32 s8, s9;
	v4 =	vor.u32 $0x80, v2  }
0x116: {  	[tilespmem:s10+$0x0] =	vst v0  }
0x117: {  	s17 =	sor.u32 $0x10, s8;
	v0 =	vld.idx.msk [tilespmem:v1+s11+$0x0], $0xffff  }
0x118: {  	s0 =	sor.u32 s17, s9;
	v1 =	vor.u32 $0x100, v7  }
0x119: {  	[tilespmem:s0+$0x0] =	vst v3  }
0x11a: {  	v3 =	vld.idx.msk [tilespmem:v4+s11+$0x0], $0xffff  }
0x11b: {  	v4 =	vor.u32 $0x100, v2  }
0x11c: {  	[tilespmem:s10+$0x80] =	vst v0  }
0x11d: {  	v0 =	vld.idx.msk [tilespmem:v1+s11+$0x0], $0xffff  }
0x11e: {  	v1 =	vor.u32 $0x180, v7  }
0x11f: {  	[tilespmem:s0+$0x80] =	vst v3  }
0x120: {  	s2 =	simm.s32 $0x20;
	v3 =	vld.idx.msk [tilespmem:v4+s11+$0x0], $0xffff  }
0x121: {  	s12 =	sand.u32 $0x3E0, s2;
	v4 =	vor.u32 $0x180, v2  }
0x122: {  	v5 =	vld [tilespmem:s12+$0x400];
	[tilespmem:s10+$0x100] =	vst v0  }
0x123: {  	v0 =	vld.idx.msk [tilespmem:v1+s11+$0x0], $0xffff  }
0x124: {  	s14 =	simm.s32 $0x430;
	v1 =	vor.u32 $0x200, v7  }
0x125: {  	v6 =	vld [tilespmem:s14+$0x0];
	[tilespmem:s0+$0x100] =	vst v3  }
0x126: {  	v3 =	vld.idx.msk [tilespmem:v4+s11+$0x0], $0xffff  }
0x127: {  	v8 =	vor.u32 $0x200, v2;
	v4 =	vshll.u32 v5, $0x3  }
0x128: {  	v4 =	vand.u32 $0xFFFFFC00, v4;
	[tilespmem:s10+$0x180] =	vst v0;
	v0 =	vand.u32 $0x7F, v5  }
0x129: {  	v5 =	vld.idx.msk [tilespmem:v1+s11+$0x0], $0xffff;
	v0 =	vor.u32 v0, v4  }
0x12a: {  	v1 =	vshll.u32 v6, $0x3;
	v4 =	vor.u32 $0x280, v7  }
0x12b: {  	v6 =	vand.u32 $0x7F, v6;
	v1 =	vand.u32 $0xFFFFFC00, v1;
	[tilespmem:s0+$0x180] =	vst v3  }
0x12c: {  	v1 =	vor.u32 v6, v1;
	v3 =	vld.idx.msk [tilespmem:v8+s11+$0x0], $0xffff  }
0x12d: {  	v6 =	vor.u32 $0x280, v2  }
0x12e: {  	v8 =	vld.idx.msk [tilespmem:v0+s11+$0x0], $0xffff;
	[tilespmem:s10+$0x200] =	vst v5  }
0x12f: {  	s3 =	simm.s32 $0x100;
	v5 =	vor.u32 $0x80, v0;
	v4 =	vld.idx.msk [tilespmem:v4+s11+$0x0], $0xffff  }
0x130: {  	s26 =	sand.u32 $0x1C00, s3;
	v9 =	vor.u32 $0x300, v7  }
0x131: {  	s25 =	sand.u32 $0x60, s2;
	s15 =	sadd.s32 $0x14800, s26;
	v10 =	vld.idx.msk [tilespmem:v1+s11+$0x0], $0xffff;
	[tilespmem:s0+$0x200] =	vst v3  }
0x132: {  	s5 =	sor.u32 s25, s15;
	v3 =	vld.idx.msk [tilespmem:v6+s11+$0x0], $0xffff;
	v6 =	vor.u32 $0x80, v1  }
0x133: {  	[tilespmem:s5+$0x0] =	vst v8;
	v8 =	vor.u32 $0x300, v2  }
0x134: {  	s28 =	sor.u32 $0x10, s25;
	v5 =	vld.idx.msk [tilespmem:v5+s11+$0x0], $0xffff;
	[tilespmem:s10+$0x280] =	vst v4  }
0x135: {  	s4 =	sor.u32 s28, s15;
	v4 =	vld.idx.msk [tilespmem:v9+s11+$0x0], $0xffff;
	v9 =	vor.u32 $0x100, v0  }
0x136: {  	s18 =	sand.u32 $0x3, s1;
	[tilespmem:s4+$0x0] =	vst v10;
	v10 =	vor.u32 $0x380, v7  }
0x137: {  	s6 =	sshll.u32 s18, $0x5;
	v6 =	vld.idx.msk [tilespmem:v6+s11+$0x0], $0xffff;
	[tilespmem:s0+$0x280] =	vst v3  }
0x138: {  	s19 =	sadd.s32 $0x0, s6;
	v3 =	vld.idx.msk [tilespmem:v8+s11+$0x0], $0xffff;
	v8 =	vor.u32 $0x100, v1  }
0x139: {  	s6 =	sor.u32 $0x300, s19;
	[tilespmem:s5+$0x80] =	vst v5;
	v5 =	vor.u32 $0x380, v2  }
0x13a: {  	v9 =	vld.idx.msk [tilespmem:v9+s11+$0x0], $0xffff;
	[tilespmem:s6+$0x14800] =	vst v4  }
0x13b: {  	s20 =	sadd.s32 $0x10, s19;
	v4 =	vld.idx.msk [tilespmem:v10+s11+$0x0], $0xffff;
	v10 =	vor.u32 $0x180, v0  }
0x13c: {  	s21 =	sor.u32 $0x300, s20;
	[tilespmem:s4+$0x80] =	vst v6;
	v6 =	vadd.s32 $0x4000, v7  }
0x13d: {  	s0 =	simm.s32 $0x40;
	v8 =	vld.idx.msk [tilespmem:v8+s11+$0x0], $0xffff;
	[tilespmem:s21+$0x14800] =	vst v3  }
0x13e: {  	s1 =	sor.u32 s1, s1;
	s22 =	sand.u32 $0x3E0, s0;
	v3 =	vld.idx.msk [tilespmem:v5+s11+$0x0], $0xffff;
	v5 =	vor.u32 $0x180, v1  }
0x13f: {  	s1 =	sor.u32 $0x380, s1;
	v11 =	vld [tilespmem:s22+$0x400];
	[tilespmem:s5+$0x100] =	vst v9;
	v9 =	vadd.s32 $0x4000, v2  }
0x140: {  	v10 =	vld.idx.msk [tilespmem:v10+s11+$0x0], $0xffff;
	[tilespmem:s1+$0x14800] =	vst v4  }
0x141: {  	s9 =	simm.s32 $0x450;
	v4 =	vld.idx.msk [tilespmem:v6+s11+$0x0], $0xffff;
	v6 =	vor.u32 $0x200, v0  }
0x142: {  	v12 =	vld [tilespmem:s9+$0x0];
	s10 =	sor.u32 $0x380, s20;
	[tilespmem:s4+$0x100] =	vst v8;
	v8 =	vadd.s32 $0x4080, v7  }
0x143: {  	v5 =	vld.idx.msk [tilespmem:v5+s11+$0x0], $0xffff;
	[tilespmem:s10+$0x14800] =	vst v3  }
0x144: {  	s12 =	sadd.s32 $0x16800, s16;
	v13 =	vor.u32 $0x200, v1;
	v3 =	vshll.u32 v11, $0x3;
	v9 =	vld.idx.msk [tilespmem:v9+s11+$0x0], $0xffff  }
0x145: {  	s14 =	sor.u32 s8, s12;
	v3 =	vand.u32 $0xFFFFFC00, v3;
	[tilespmem:s5+$0x180] =	vst v10;
	v10 =	vand.u32 $0x7F, v11;
	v11 =	vadd.s32 $0x4080, v2  }
0x146: {  	v6 =	vld.idx.msk [tilespmem:v6+s11+$0x0], $0xffff;
	[tilespmem:s14+$0x0] =	vst v4;
	v3 =	vor.u32 v10, v3  }
0x147: {  	v4 =	vshll.u32 v12, $0x3;
	v10 =	vor.u32 $0x280, v0;
	v8 =	vld.idx.msk [tilespmem:v8+s11+$0x0], $0xffff  }
0x148: {  	s1 =	sor.u32 s17, s12;
	v12 =	vand.u32 $0x7F, v12;
	v4 =	vand.u32 $0xFFFFFC00, v4;
	[tilespmem:s4+$0x180] =	vst v5;
	v5 =	vadd.s32 $0x4100, v7  }
0x149: {  	v4 =	vor.u32 v12, v4;
	v12 =	vld.idx.msk [tilespmem:v13+s11+$0x0], $0xffff;
	[tilespmem:s1+$0x0] =	vst v9  }
0x14a: {  	s15 =	sadd.s32 $0x16880, s16;
	v9 =	vld.idx.msk [tilespmem:v11+s11+$0x0], $0xffff;
	v11 =	vor.u32 $0x280, v1  }
0x14b: {  	s18 =	sor.u32 s8, s15;
	v13 =	vld.idx.msk [tilespmem:v3+s11+$0x0], $0xffff;
	[tilespmem:s5+$0x200] =	vst v6;
	v6 =	vadd.s32 $0x4100, v2  }
0x14c: {  	s1 =	simm.s32 $0x200;
	v10 =	vld.idx.msk [tilespmem:v10+s11+$0x0], $0xffff;
	[tilespmem:s18+$0x0] =	vst v8;
	v8 =	vor.u32 $0x80, v3  }
0x14d: {  	v14 =	vor.u32 $0x300, v0;
	s30 =	sand.u32 $0x1C00, s1;
	v5 =	vld.idx.msk [tilespmem:v5+s11+$0x0], $0xffff  }
0x14e: {  	s19 =	sor.u32 s17, s15;
	s29 =	sand.u32 $0x60, s0;
	s20 =	sadd.s32 $0x14800, s30;
	v15 =	vld.idx.msk [tilespmem:v4+s11+$0x0], $0xffff;
	[tilespmem:s4+$0x200] =	vst v12  }
0x14f: {  	s6 =	sor.u32 s29, s20;
	v12 =	vadd.s32 $0x4180, v7;
	v11 =	vld.idx.msk [tilespmem:v11+s11+$0x0], $0xffff;
	[tilespmem:s19+$0x0] =	vst v9  }
0x150: {  	s21 =	sadd.s32 $0x16900, s16;
	v9 =	vor.u32 $0x80, v4;
	[tilespmem:s6+$0x0] =	vst v13;
	v6 =	vld.idx.msk [tilespmem:v6+s11+$0x0], $0xffff  }
0x151: {  	s31 =	sor.u32 $0x10, s29;
	s22 =	sor.u32 s8, s21;
	v8 =	vld.idx.msk [tilespmem:v8+s11+$0x0], $0xffff;
	[tilespmem:s5+$0x280] =	vst v10;
	v10 =	vor.u32 $0x300, v1  }
0x152: {  	s10 =	simm.s32 $0x470;
	s9 =	sor.u32 s31, s20;
	v13 =	vld.idx.msk [tilespmem:v14+s11+$0x0], $0xffff;
	[tilespmem:s22+$0x0] =	vst v5;
	v14 =	vor.u32 $0x100, v3  }
0x153: {  	s12 =	simm.s32 $0x1;
	v16 =	vld [tilespmem:s10+$0x0];
	v5 =	vadd.s32 $0x4180, v2;
	[tilespmem:s9+$0x0] =	vst v15  }
0x154: {  	s7 =	sor.u32 s17, s21;
	s14 =	sand.u32 $0x3, s12;
	v15 =	vor.u32 $0x380, v0;
	v12 =	vld.idx.msk [tilespmem:v12+s11+$0x0], $0xffff;
	[tilespmem:s4+$0x280] =	vst v11  }
0x155: {  	s5 =	sshll.u32 s14, $0x5;
	v9 =	vld.idx.msk [tilespmem:v9+s11+$0x0], $0xffff;
	v11 =	vadd.s32 $0x4200, v7;
	[tilespmem:s7+$0x0] =	vst v6  }
0x156: {  	s15 =	sadd.s32 $0x100, s5;
	v6 =	vor.u32 $0x100, v4;
	v10 =	vld.idx.msk [tilespmem:v10+s11+$0x0], $0xffff;
	[tilespmem:s6+$0x80] =	vst v8  }
0x157: {  	s18 =	sadd.s32 $0x16980, s16;
	s5 =	sor.u32 $0x300, s15;
	v14 =	vld.idx.msk [tilespmem:v14+s11+$0x0], $0xffff  }
0x158: {  	s19 =	sor.u32 s8, s18;
	v8 =	vor.u32 $0x380, v1;
	v5 =	vld.idx.msk [tilespmem:v5+s11+$0x0], $0xffff;
	[tilespmem:s5+$0x14800] =	vst v13  }
0x159: {  	s20 =	sadd.s32 $0x10, s15;
	v13 =	vld.idx.msk [tilespmem:v15+s11+$0x0], $0xffff;
	[tilespmem:s19+$0x0] =	vst v12;
	v12 =	vor.u32 $0x180, v3  }
0x15a: {  	s21 =	sor.u32 $0x300, s20;
	s4 =	simm.s32 $0x60;
	v11 =	vld.idx.msk [tilespmem:v11+s11+$0x0], $0xffff;
	[tilespmem:s9+$0x80] =	vst v9;
	v9 =	vadd.s32 $0x4000, v0  }
0x15b: {  	v17 =	vadd.s32 $0x4200, v2;
	s22 =	sand.u32 $0x3E0, s4;
	v15 =	vld.idx.msk [tilespmem:v6+s11+$0x0], $0xffff;
	[tilespmem:s21+$0x14800] =	vst v10  }
0x15c: {  	s2 =	sor.u32 s3, s2;
	s15 =	sor.u32 s17, s18;
	v18 =	vld [tilespmem:s22+$0x400];
	v6 =	vshll.u32 v16, $0x3;
	v10 =	vadd.s32 $0x4280, v7;
	[tilespmem:s6+$0x100] =	vst v14  }
0x15d: {  	s2 =	sor.u32 $0x380, s2;
	s12 =	sadd.s32 $0x16A00, s16;
	v16 =	vand.u32 $0x7F, v16;
	v6 =	vand.u32 $0xFFFFFC00, v6;
	v8 =	vld.idx.msk [tilespmem:v8+s11+$0x0], $0xffff;
	v14 =	vor.u32 $0x180, v4;
	[tilespmem:s15+$0x0] =	vst v5  }
0x15e: {  	s14 =	sor.u32 s8, s12;
	v6 =	vor.u32 v16, v6;
	v12 =	vld.idx.msk [tilespmem:v12+s11+$0x0], $0xffff;
	[tilespmem:s2+$0x14800] =	vst v13  }
0x15f: {  	v13 =	vadd.s32 $0x4000, v1;
	v9 =	vld.idx.msk [tilespmem:v9+s11+$0x0], $0xffff;
	[tilespmem:s14+$0x0] =	vst v11  }
0x160: {  	v5 =	vor.u32 $0x200, v3;
	[tilespmem:s9+$0x100] =	vst v15;
	v15 =	vld.idx.msk [tilespmem:v17+s11+$0x0], $0xffff  }
0x161: {  	v11 =	vadd.s32 $0x4080, v0;
	v10 =	vld.idx.msk [tilespmem:v10+s11+$0x0], $0xffff  }
0x162: {  	s18 =	sor.u32 $0x380, s20;
	v17 =	vadd.s32 $0x4280, v2;
	v14 =	vld.idx.msk [tilespmem:v14+s11+$0x0], $0xffff  }
0x163: {  	s19 =	sadd.s32 $0x16800, s26;
	v16 =	vadd.s32 $0x4300, v7;
	[tilespmem:s18+$0x14800] =	vst v8;
	v8 =	vld.idx.msk [tilespmem:v6+s11+$0x0], $0xffff  }
0x164: {  	s20 =	sor.u32 s25, s19;
	v19 =	vshll.u32 v18, $0x3;
	v13 =	vld.idx.msk [tilespmem:v13+s11+$0x0], $0xffff;
	[tilespmem:s6+$0x180] =	vst v12;
	v12 =	vor.u32 $0x200, v4  }
0x165: {  	s3 =	sor.u32 s17, s12;
	s21 =	sadd.s32 $0x16A80, s16;
	v18 =	vand.u32 $0x7F, v18;
	v19 =	vand.u32 $0xFFFFFC00, v19;
	v20 =	vld.idx.msk [tilespmem:v5+s11+$0x0], $0xffff;
	[tilespmem:s20+$0x0] =	vst v9;
	v9 =	vadd.s32 $0x4080, v1  }
0x166: {  	s22 =	sor.u32 s8, s21;
	v5 =	vor.u32 v18, v19;
	v11 =	vld.idx.msk [tilespmem:v11+s11+$0x0], $0xffff;
	[tilespmem:s3+$0x0] =	vst v15  }
0x167: {  	[tilespmem:s22+$0x0] =	vst v10;
	v10 =	vor.u32 $0x280, v3;
	v15 =	vld.idx.msk [tilespmem:v17+s11+$0x0], $0xffff  }
0x168: {  	s2 =	sor.u32 s28, s19;
	v16 =	vld.idx.msk [tilespmem:v16+s11+$0x0], $0xffff;
	[tilespmem:s9+$0x180] =	vst v14;
	v14 =	vadd.s32 $0x4100, v0  }
0x169: {  	s5 =	sadd.s32 $0x16880, s26;
	v7 =	vadd.s32 $0x4380, v7;
	v12 =	vld.idx.msk [tilespmem:v12+s11+$0x0], $0xffff;
	[tilespmem:s2+$0x0] =	vst v13  }
0x16a: {  	s12 =	sor.u32 s25, s5;
	v13 =	vadd.s32 $0x4300, v2;
	v9 =	vld.idx.msk [tilespmem:v9+s11+$0x0], $0xffff;
	[tilespmem:s6+$0x200] =	vst v20  }
0x16b: {  	s7 =	sor.u32 s17, s21;
	s14 =	sadd.s32 $0x16B00, s16;
	v18 =	vor.u32 $0x280, v4;
	v17 =	vld.idx.msk [tilespmem:v5+s11+$0x0], $0xffff;
	[tilespmem:s12+$0x0] =	vst v11  }
0x16c: {  	s15 =	sor.u32 s8, s14;
	s3 =	simm.s32 $0x300;
	v11 =	vadd.s32 $0x4100, v1;
	v10 =	vld.idx.msk [tilespmem:v10+s11+$0x0], $0xffff;
	[tilespmem:s7+$0x0] =	vst v15  }
0x16d: {  	v19 =	vor.u32 $0x80, v5;
	s10 =	sand.u32 $0x1C00, s3;
	v14 =	vld.idx.msk [tilespmem:v14+s11+$0x0], $0xffff;
	[tilespmem:s15+$0x0] =	vst v16  }
0x16e: {  	s21 =	sand.u32 $0x60, s4;
	s18 =	sadd.s32 $0x14800, s10;
	s2 =	sor.u32 s28, s5;
	v16 =	vor.u32 $0x300, v3;
	v63 =	vld.idx.msk [tilespmem:v7+s11+$0x0], $0xffff;
	[tilespmem:s9+$0x200] =	vst v12  }
0x16f: {  	v21 =	vadd.s32 $0x4180, v0;
	s15 =	sor.u32 s21, s18;
	v7 =	vld.idx.msk [tilespmem:v13+s11+$0x0], $0xffff;
	[tilespmem:s2+$0x0] =	vst v9  }
0x170: {  	s19 =	sadd.s32 $0x16900, s26;
	s16 =	sadd.s32 $0x16B80, s16;
	v13 =	vld.idx.msk [tilespmem:v18+s11+$0x0], $0xffff;
	[tilespmem:s15+$0x0] =	vst v17  }
0x171: {  	s20 =	sor.u32 s25, s19;
	s22 =	sor.u32 s8, s16;
	v17 =	vor.u32 $0x80, v6;
	v11 =	vld.idx.msk [tilespmem:v11+s11+$0x0], $0xffff;
	[tilespmem:s6+$0x280] =	vst v10  }
0x172: {  	s8 =	sor.u32 s17, s16;
	s16 =	simm.s32 $0x60;
	s5 =	sor.u32 s17, s14;
	v15 =	vld.idx.msk [tilespmem:v19+s11+$0x0], $0xffff;
	[tilespmem:s20+$0x0] =	vst v14;
	v14 =	vor.u32 $0x300, v4  }
0x173: {  	s17 =	simm.s32 $0x2;
	s12 =	simm.s32 $0x6;
	s2 =	sor.u32 $0x10, s21;
	v9 =	vadd.s32 $0x4180, v1;
	v12 =	vld.idx.msk [tilespmem:v16+s11+$0x0], $0xffff  }
0x174: {  	s7 =	sor.u32 s28, s19;
	s14 =	sor.u32 s2, s18;
	s18 =	simm.s32 $0x490;
	v16 =	vor.u32 $0x100, v5;
	v10 =	vld.idx.msk [tilespmem:v21+s11+$0x0], $0xffff;
	[tilespmem:s22+$0x0] =	vst v63  }
.LBB2_5:
0x175: {  	v18 =	vld [tilespmem:s18+$0x0];
	[tilespmem:s14+$0x0] =	vst v8;
	s6 =	sand.u32 $0x3, s17;
	v8 =	vor.u32 $0x380, v3;
	s19 =	smov.u32 s10;
	s20 =	smov.u32 s25  }
0x176: {  	s25 =	smov.u32 s29;
	s29 =	smov.u32 s21;
	v17 =	vld.idx.msk [tilespmem:v17+s11+$0x0], $0xffff;
	s6 =	sshll.u32 s6, $0x5;
	[tilespmem:s9+$0x280] =	vst v13;
	v13 =	vadd.s32 $0x4200, v0  }
0x177: {  	s9 =	sadd.s32 s6, s1;
	v14 =	vld.idx.msk [tilespmem:v14+s11+$0x0], $0xffff;
	[tilespmem:s7+$0x0] =	vst v11;
	v11 =	vadd.s32 $0x4380, v2;
	v2 =	vmovc v1;
	v1 =	vmov v4;
	v4 =	vmov v6;
	s7 =	smov.u32 s15;
	s6 =	smov.u32 s28  }
0x178: {  	s15 =	sadd.s32 $0x16980, s26;
	[tilespmem:s7+$0x80] =	vst v15;
	v6 =	vor.u32 $0x100, v4;
	s10 =	sor.u32 $0x300, s9;
	s9 =	sadd.s32 $0x10, s9;
	v9 =	vld.idx.msk [tilespmem:v9+s11+$0x0], $0xffff  }
0x179: {  	v15 =	vld.idx.msk [tilespmem:v16+s11+$0x0], $0xffff;
	[tilespmem:s10+$0x14800] =	vst v12;
	s10 =	sor.u32 $0x300, s9;
	v12 =	vor.u32 $0x380, v1;
	s21 =	sor.u32 $0x380, s9;
	s9 =	sor.u32 s20, s15  }
0x17a: {  	s28 =	smov.u32 s31;
	s31 =	smov.u32 s2;
	s15 =	sor.u32 s6, s15;
	v8 =	vld.idx.msk [tilespmem:v8+s11+$0x0], $0xffff;
	[tilespmem:s9+$0x0] =	vst v10  }
0x17b: {  	v10 =	vor.u32 $0x180, v5;
	s9 =	smov.u32 s14;
	v13 =	vld.idx.msk [tilespmem:v13+s11+$0x0], $0xffff;
	[tilespmem:s5+$0x0] =	vst v7  }
0x17c: {  	v7 =	vadd.s32 $0x4000, v3;
	[tilespmem:s9+$0x80] =	vst v17;
	v11 =	vld.idx.msk [tilespmem:v11+s11+$0x0], $0xffff  }
0x17d: {  	s4 =	sadd.s32 $0x20, s4;
	v16 =	vld.idx.msk [tilespmem:v6+s11+$0x0], $0xffff;
	[tilespmem:s10+$0x14800] =	vst v14;
	v14 =	vadd.s32 $0x4280, v0  }
0x17e: {  	s2 =	sand.u32 $0x3E0, s4;
	s1 =	sor.u32 s1, s0;
	s0 =	smov.u32 s16;
	v12 =	vld.idx.msk [tilespmem:v12+s11+$0x0], $0xffff;
	[tilespmem:s15+$0x0] =	vst v9;
	v9 =	vadd.s32 $0x4200, v2  }
0x17f: {  	s16 =	smov.u32 s4;
	s1 =	sor.u32 $0x380, s1;
	v6 =	vshll.u32 v18, $0x3;
	v17 =	vld [tilespmem:s2+$0x400];
	[tilespmem:s7+$0x100] =	vst v15;
	v15 =	vor.u32 $0x180, v4;
	s2 =	sadd.s32 $0x16A00, s26  }
0x180: {  	s12 =	sadd.s32 $0x2, s12;
	v18 =	vand.u32 $0x7F, v18;
	v6 =	vand.u32 $0xFFFFFC00, v6;
	v10 =	vld.idx.msk [tilespmem:v10+s11+$0x0], $0xffff;
	[tilespmem:s1+$0x14800] =	vst v8;
	v8 =	vadd.s32 $0x4000, v1;
	s1 =	sor.u32 s20, s2;
	s2 =	sor.u32 s6, s2  }
0x181: {  	p0 =	slt.u32 s12, $0x3E;
	v6 =	vor.u32 v18, v6;
	v7 =	vld.idx.msk [tilespmem:v7+s11+$0x0], $0xffff;
	[tilespmem:s1+$0x0] =	vst v13;
	s1 =	smov.u32 s3  }
0x182: {  	v13 =	vor.u32 $0x200, v5;
	v14 =	vld.idx.msk [tilespmem:v14+s11+$0x0], $0xffff;
	[tilespmem:s8+$0x0] =	vst v11  }
0x183: {  	v11 =	vadd.s32 $0x4080, v3;
	[tilespmem:s9+$0x100] =	vst v16;
	v9 =	vld.idx.msk [tilespmem:v9+s11+$0x0], $0xffff  }
0x184: {  	v15 =	vld.idx.msk [tilespmem:v15+s11+$0x0], $0xffff;
	[tilespmem:s21+$0x14800] =	vst v12;
	v12 =	vadd.s32 $0x4300, v0  }
0x185: {  	s5 =	sadd.s32 $0x16800, s30;
	v18 =	vadd.s32 $0x4280, v2;
	v16 =	vld.idx.msk [tilespmem:v8+s11+$0x0], $0xffff  }
0x186: {  	s10 =	sadd.s32 $0x16A80, s26;
	s8 =	sor.u32 s25, s5;
	s5 =	sor.u32 s28, s5;
	v19 =	vshll.u32 v17, $0x3;
	v8 =	vld.idx.msk [tilespmem:v6+s11+$0x0], $0xffff;
	[tilespmem:s7+$0x180] =	vst v10;
	v10 =	vor.u32 $0x200, v4  }
0x187: {  	s14 =	sor.u32 s6, s10;
	v17 =	vand.u32 $0x7F, v17;
	v19 =	vand.u32 $0xFFFFFC00, v19;
	v13 =	vld.idx.msk [tilespmem:v13+s11+$0x0], $0xffff;
	[tilespmem:s8+$0x0] =	vst v7;
	v7 =	vadd.s32 $0x4080, v1;
	s8 =	sor.u32 s20, s10  }
0x188: {  	v17 =	vor.u32 v17, v19;
	v11 =	vld.idx.msk [tilespmem:v11+s11+$0x0], $0xffff;
	[tilespmem:s8+$0x0] =	vst v14  }
0x189: {  	v14 =	vor.u32 $0x280, v5;
	v12 =	vld.idx.msk [tilespmem:v12+s11+$0x0], $0xffff;
	[tilespmem:s2+$0x0] =	vst v9  }
0x18a: {  	v9 =	vadd.s32 $0x4100, v3;
	[tilespmem:s9+$0x180] =	vst v15;
	v15 =	vld.idx.msk [tilespmem:v18+s11+$0x0], $0xffff  }
0x18b: {  	v10 =	vld.idx.msk [tilespmem:v10+s11+$0x0], $0xffff;
	[tilespmem:s5+$0x0] =	vst v16;
	v16 =	vadd.s32 $0x4380, v0;
	v0 =	vmovc v3;
	v3 =	vmov v5;
	v5 =	vmov v17  }
0x18c: {  	s2 =	sadd.s32 $0x16880, s30;
	v18 =	vld.idx.msk [tilespmem:v7+s11+$0x0], $0xffff;
	v7 =	vadd.s32 $0x4300, v2  }
0x18d: {  	s8 =	sor.u32 s28, s2;
	s5 =	sor.u32 s25, s2;
	s2 =	sadd.s32 $0x16B00, s26;
	v17 =	vld.idx.msk [tilespmem:v17+s11+$0x0], $0xffff;
	[tilespmem:s7+$0x200] =	vst v13;
	v13 =	vor.u32 $0x280, v4  }
0x18e: {  	s10 =	sor.u32 s20, s2;
	v14 =	vld.idx.msk [tilespmem:v14+s11+$0x0], $0xffff;
	[tilespmem:s5+$0x0] =	vst v11;
	v11 =	vadd.s32 $0x4100, v1;
	s5 =	sor.u32 s6, s2  }
0x18f: {  	s3 =	sadd.s32 $0x100, s3;
	v19 =	vor.u32 $0x80, v5;
	v9 =	vld.idx.msk [tilespmem:v9+s11+$0x0], $0xffff;
	[tilespmem:s10+$0x0] =	vst v12  }
0x190: {  	s10 =	sand.u32 $0x1C00, s3;
	v12 =	vor.u32 $0x300, v3;
	v20 =	vld.idx.msk [tilespmem:v16+s11+$0x0], $0xffff;
	[tilespmem:s14+$0x0] =	vst v15  }
0x191: {  	s21 =	sand.u32 $0x60, s4;
	s14 =	sadd.s32 $0x14800, s10;
	[tilespmem:s9+$0x200] =	vst v10;
	v10 =	vadd.s32 $0x4180, v0;
	v7 =	vld.idx.msk [tilespmem:v7+s11+$0x0], $0xffff  }
.Ltmp1:
0x192: {  	s2 =	sor.u32 $0x10, s21;
	s15 =	sor.u32 s21, s14;
	v13 =	vld.idx.msk [tilespmem:v13+s11+$0x0], $0xffff;
	[tilespmem:s8+$0x0] =	vst v18;
	(pc) =	sbr.rel @p0 .LBB2_5-.Ltmp1, $4  }
0x193: {  	s14 =	sor.u32 s2, s14;
	s8 =	sadd.s32 $0x16900, s30;
	[tilespmem:s15+$0x0] =	vst v17;
	v17 =	vor.u32 $0x80, v6;
	v11 =	vld.idx.msk [tilespmem:v11+s11+$0x0], $0xffff  }
0x194: {  	s22 =	sor.u32 s25, s8;
	v15 =	vld.idx.msk [tilespmem:v19+s11+$0x0], $0xffff;
	[tilespmem:s7+$0x280] =	vst v14;
	v14 =	vor.u32 $0x300, v4;
	s7 =	sor.u32 s28, s8;
	s8 =	sadd.s32 $0x16B80, s26  }
0x195: {  	s26 =	smov.u32 s30;
	v12 =	vld.idx.msk [tilespmem:v12+s11+$0x0], $0xffff;
	[tilespmem:s22+$0x0] =	vst v9;
	v9 =	vadd.s32 $0x4180, v1;
	s20 =	sor.u32 s20, s8;
	s8 =	sor.u32 s6, s8  }
0x196: {  	s18 =	sadd.s32 $0x20, s18;
	s17 =	sadd.s32 $0x1, s17;
	v16 =	vor.u32 $0x100, v5;
	s30 =	smov.u32 s19;
	v10 =	vld.idx.msk [tilespmem:v10+s11+$0x0], $0xffff;
	[tilespmem:s20+$0x0] =	vst v20  }
0x197: {  	_ =	sdelay $0x2  }
0x198: {  	[tilespmem:s14+$0x0] =	vst v8  }
0x199: {  	v8 =	vld.idx.msk [tilespmem:v17+s11+$0x0], $0xffff  }
0x19a: {  	v17 =	vor.u32 $0x100, v6;
	_ =	sdelay $0x2  }
0x19b: {  	[tilespmem:s15+$0x80] =	vst v15  }
0x19c: {  	v15 =	vld.idx.msk [tilespmem:v16+s11+$0x0], $0xffff;
	[tilespmem:s14+$0x80] =	vst v8  }
0x19d: {  	v8 =	vor.u32 $0x180, v5;
	v16 =	vld.idx.msk [tilespmem:v17+s11+$0x0], $0xffff  }
0x19e: {  	v17 =	vor.u32 $0x180, v6;
	_ =	sdelay $0x2  }
0x19f: {  	[tilespmem:s15+$0x100] =	vst v15  }
0x1a0: {  	v8 =	vld.idx.msk [tilespmem:v8+s11+$0x0], $0xffff;
	[tilespmem:s14+$0x100] =	vst v16  }
0x1a1: {  	v15 =	vor.u32 $0x200, v5;
	v16 =	vld.idx.msk [tilespmem:v17+s11+$0x0], $0xffff  }
0x1a2: {  	v17 =	vor.u32 $0x200, v6;
	_ =	sdelay $0x2  }
0x1a3: {  	[tilespmem:s15+$0x180] =	vst v8  }
0x1a4: {  	v8 =	vld.idx.msk [tilespmem:v15+s11+$0x0], $0xffff;
	[tilespmem:s14+$0x180] =	vst v16  }
0x1a5: {  	v15 =	vor.u32 $0x280, v5;
	v16 =	vld.idx.msk [tilespmem:v17+s11+$0x0], $0xffff  }
0x1a6: {  	v17 =	vor.u32 $0x280, v6;
	_ =	sdelay $0x2  }
0x1a7: {  	[tilespmem:s15+$0x200] =	vst v8  }
0x1a8: {  	v8 =	vld.idx.msk [tilespmem:v15+s11+$0x0], $0xffff;
	[tilespmem:s14+$0x200] =	vst v16  }
0x1a9: {  	v15 =	vor.u32 $0x300, v5;
	v16 =	vld.idx.msk [tilespmem:v17+s11+$0x0], $0xffff  }
0x1aa: {  	v17 =	vor.u32 $0x300, v6;
	_ =	sdelay $0x1  }
0x1ab: {  	[tilespmem:s9+$0x280] =	vst v13  }
0x1ac: {  	s4 =	sand.u32 $0x3, s17;
	v13 =	vor.u32 $0x380, v3;
	v14 =	vld.idx.msk [tilespmem:v14+s11+$0x0], $0xffff;
	[tilespmem:s15+$0x280] =	vst v8  }
0x1ad: {  	s6 =	sadd.s32 $0x1, s17;
	s4 =	sshll.u32 s4, $0x5;
	v8 =	vor.u32 $0x380, v4;
	v15 =	vld.idx.msk [tilespmem:v15+s11+$0x0], $0xffff;
	[tilespmem:s14+$0x280] =	vst v16  }
0x1ae: {  	s6 =	sand.u32 $0x3, s6;
	s4 =	sadd.s32 s4, s1;
	v16 =	vor.u32 $0x380, v5;
	v17 =	vld.idx.msk [tilespmem:v17+s11+$0x0], $0xffff  }
0x1af: {  	v18 =	vor.u32 $0x380, v6;
	s6 =	sshll.u32 s6, $0x5;
	s22 =	sor.u32 $0x300, s4;
	s4 =	sadd.s32 $0x10, s4  }
0x1b0: {  	s6 =	sadd.s32 s6, s3;
	[tilespmem:s22+$0x14800] =	vst v12;
	s12 =	sor.u32 $0x300, s4  }
0x1b1: {  	v12 =	vld.idx.msk [tilespmem:v13+s11+$0x0], $0xffff;
	[tilespmem:s12+$0x14800] =	vst v14;
	s14 =	sor.u32 $0x300, s6;
	s6 =	sadd.s32 $0x10, s6  }
0x1b2: {  	v13 =	vadd.s32 $0x4000, v3;
	s15 =	sor.u32 $0x300, s6;
	v8 =	vld.idx.msk [tilespmem:v8+s11+$0x0], $0xffff;
	[tilespmem:s14+$0x14800] =	vst v15  }
0x1b3: {  	v14 =	vadd.s32 $0x4000, v4;
	v15 =	vld.idx.msk [tilespmem:v16+s11+$0x0], $0xffff;
	[tilespmem:s15+$0x14800] =	vst v17  }
0x1b4: {  	s0 =	sor.u32 s1, s0;
	v16 =	vadd.s32 $0x4000, v5;
	v17 =	vld.idx.msk [tilespmem:v18+s11+$0x0], $0xffff  }
0x1b5: {  	s0 =	sor.u32 $0x380, s0;
	v18 =	vadd.s32 $0x4000, v6  }
0x1b6: {  	s18 =	sor.u32 s3, s16;
	s17 =	sor.u32 $0x380, s4;
	[tilespmem:s0+$0x14800] =	vst v12  }
0x1b7: {  	s0 =	sor.u32 $0x380, s18;
	v12 =	vld.idx.msk [tilespmem:v13+s11+$0x0], $0xffff;
	[tilespmem:s17+$0x14800] =	vst v8  }
0x1b8: {  	s19 =	sor.u32 $0x380, s6;
	v8 =	vadd.s32 $0x4080, v3;
	v13 =	vld.idx.msk [tilespmem:v14+s11+$0x0], $0xffff;
	[tilespmem:s0+$0x14800] =	vst v15  }
0x1b9: {  	v14 =	vadd.s32 $0x4080, v4;
	v15 =	vld.idx.msk [tilespmem:v16+s11+$0x0], $0xffff;
	[tilespmem:s19+$0x14800] =	vst v17  }
0x1ba: {  	s20 =	sadd.s32 $0x16800, s30;
	v16 =	vadd.s32 $0x4080, v5;
	v17 =	vld.idx.msk [tilespmem:v18+s11+$0x0], $0xffff  }
0x1bb: {  	s22 =	sor.u32 s29, s20;
	v18 =	vadd.s32 $0x4080, v6  }
0x1bc: {  	s3 =	sadd.s32 $0x16800, s10;
	[tilespmem:s22+$0x0] =	vst v12;
	s0 =	sor.u32 s31, s20  }
0x1bd: {  	s4 =	sor.u32 s21, s3;
	v8 =	vld.idx.msk [tilespmem:v8+s11+$0x0], $0xffff;
	[tilespmem:s0+$0x0] =	vst v13  }
0x1be: {  	s1 =	sor.u32 s2, s3;
	v12 =	vadd.s32 $0x4100, v3;
	v13 =	vld.idx.msk [tilespmem:v14+s11+$0x0], $0xffff;
	[tilespmem:s4+$0x0] =	vst v15  }
0x1bf: {  	v14 =	vadd.s32 $0x4100, v4;
	v15 =	vld.idx.msk [tilespmem:v16+s11+$0x0], $0xffff;
	[tilespmem:s1+$0x0] =	vst v17  }
0x1c0: {  	s6 =	sadd.s32 $0x16880, s30;
	v16 =	vadd.s32 $0x4100, v5;
	v17 =	vld.idx.msk [tilespmem:v18+s11+$0x0], $0xffff  }
0x1c1: {  	[tilespmem:s7+$0x0] =	vst v11;
	v11 =	vadd.s32 $0x4100, v6;
	s7 =	sor.u32 s29, s6  }
0x1c2: {  	s9 =	sadd.s32 $0x16880, s10;
	s0 =	sor.u32 s31, s6;
	[tilespmem:s7+$0x0] =	vst v8  }
0x1c3: {  	s12 =	sor.u32 s21, s9;
	v8 =	vadd.s32 $0x4200, v0;
	v12 =	vld.idx.msk [tilespmem:v12+s11+$0x0], $0xffff;
	[tilespmem:s0+$0x0] =	vst v13  }
0x1c4: {  	s14 =	sadd.s32 $0x16980, s26;
	s1 =	sor.u32 s2, s9;
	v13 =	vadd.s32 $0x4180, v3;
	v14 =	vld.idx.msk [tilespmem:v14+s11+$0x0], $0xffff;
	[tilespmem:s12+$0x0] =	vst v15  }
0x1c5: {  	s15 =	sor.u32 s25, s14;
	v15 =	vadd.s32 $0x4180, v4;
	v16 =	vld.idx.msk [tilespmem:v16+s11+$0x0], $0xffff;
	[tilespmem:s1+$0x0] =	vst v17  }
0x1c6: {  	s16 =	sadd.s32 $0x16900, s30;
	[tilespmem:s15+$0x0] =	vst v10;
	v10 =	vadd.s32 $0x4180, v5;
	v11 =	vld.idx.msk [tilespmem:v11+s11+$0x0], $0xffff  }
0x1c7: {  	[tilespmem:s5+$0x0] =	vst v7;
	v7 =	vadd.s32 $0x4180, v6;
	v9 =	vld.idx.msk [tilespmem:v9+s11+$0x0], $0xffff;
	s17 =	sor.u32 s29, s16  }
0x1c8: {  	v2 =	vadd.s32 $0x4380, v2;
	s18 =	sadd.s32 $0x16900, s10;
	s0 =	sor.u32 s31, s16;
	v8 =	vld.idx.msk [tilespmem:v8+s11+$0x0], $0xffff;
	[tilespmem:s17+$0x0] =	vst v12  }
0x1c9: {  	s19 =	sor.u32 s21, s18;
	v12 =	vadd.s32 $0x4200, v1;
	v13 =	vld.idx.msk [tilespmem:v13+s11+$0x0], $0xffff;
	[tilespmem:s0+$0x0] =	vst v14  }
0x1ca: {  	s1 =	sor.u32 s2, s18;
	v14 =	vadd.s32 $0x4200, v3;
	v15 =	vld.idx.msk [tilespmem:v15+s11+$0x0], $0xffff;
	[tilespmem:s19+$0x0] =	vst v16  }
0x1cb: {  	s22 =	sadd.s32 $0x16A00, s26;
	s20 =	sor.u32 s28, s14;
	v16 =	vadd.s32 $0x4200, v4;
	v10 =	vld.idx.msk [tilespmem:v10+s11+$0x0], $0xffff;
	[tilespmem:s1+$0x0] =	vst v11  }
0x1cc: {  	s5 =	sadd.s32 $0x16980, s30;
	[tilespmem:s20+$0x0] =	vst v9;
	v9 =	vadd.s32 $0x4200, v5;
	s4 =	sor.u32 s25, s22;
	v7 =	vld.idx.msk [tilespmem:v7+s11+$0x0], $0xffff  }
0x1cd: {  	v2 =	vld.idx.msk [tilespmem:v2+s11+$0x0], $0xffff;
	s6 =	sor.u32 s29, s5;
	[tilespmem:s4+$0x0] =	vst v8;
	v8 =	vadd.s32 $0x4200, v6  }
0x1ce: {  	s7 =	sor.u32 s31, s5;
	s9 =	sadd.s32 $0x16980, s10;
	v12 =	vld.idx.msk [tilespmem:v12+s11+$0x0], $0xffff;
	v11 =	vadd.s32 $0x4280, v0;
	[tilespmem:s6+$0x0] =	vst v13  }
0x1cf: {  	s12 =	sor.u32 s21, s9;
	v13 =	vadd.s32 $0x4280, v1;
	v14 =	vld.idx.msk [tilespmem:v14+s11+$0x0], $0xffff;
	[tilespmem:s7+$0x0] =	vst v15  }
0x1d0: {  	s14 =	sor.u32 s2, s9;
	v15 =	vadd.s32 $0x4280, v3;
	v16 =	vld.idx.msk [tilespmem:v16+s11+$0x0], $0xffff;
	[tilespmem:s12+$0x0] =	vst v10  }
0x1d1: {  	v10 =	vadd.s32 $0x4280, v4;
	v9 =	vld.idx.msk [tilespmem:v9+s11+$0x0], $0xffff;
	[tilespmem:s14+$0x0] =	vst v7  }
0x1d2: {  	[tilespmem:s8+$0x0] =	vst v2;
	v2 =	vadd.s32 $0x4280, v5;
	s15 =	sor.u32 s28, s22;
	s16 =	sadd.s32 $0x16A00, s30;
	v7 =	vld.idx.msk [tilespmem:v8+s11+$0x0], $0xffff  }
0x1d3: {  	s17 =	sor.u32 s29, s16;
	[tilespmem:s15+$0x0] =	vst v12;
	v8 =	vld.idx.msk [tilespmem:v11+s11+$0x0], $0xffff;
	v11 =	vadd.s32 $0x4280, v6  }
0x1d4: {  	s18 =	sadd.s32 $0x16A00, s10;
	s1 =	sor.u32 s31, s16;
	v12 =	vadd.s32 $0x4300, v0;
	v13 =	vld.idx.msk [tilespmem:v13+s11+$0x0], $0xffff;
	[tilespmem:s17+$0x0] =	vst v14  }
0x1d5: {  	s19 =	sor.u32 s21, s18;
	v14 =	vadd.s32 $0x4300, v1;
	v15 =	vld.idx.msk [tilespmem:v15+s11+$0x0], $0xffff;
	[tilespmem:s1+$0x0] =	vst v16  }
0x1d6: {  	s20 =	sadd.s32 $0x16A80, s26;
	s0 =	sor.u32 s2, s18;
	v16 =	vadd.s32 $0x4300, v3;
	v10 =	vld.idx.msk [tilespmem:v10+s11+$0x0], $0xffff;
	[tilespmem:s19+$0x0] =	vst v9  }
0x1d7: {  	s22 =	sor.u32 s25, s20;
	v9 =	vadd.s32 $0x4300, v4;
	v2 =	vld.idx.msk [tilespmem:v2+s11+$0x0], $0xffff;
	[tilespmem:s0+$0x0] =	vst v7  }
0x1d8: {  	s3 =	sor.u32 s28, s20;
	s4 =	sadd.s32 $0x16A80, s30;
	[tilespmem:s22+$0x0] =	vst v8;
	v7 =	vadd.s32 $0x4300, v5;
	v8 =	vld.idx.msk [tilespmem:v11+s11+$0x0], $0xffff  }
0x1d9: {  	s5 =	sor.u32 s29, s4;
	[tilespmem:s3+$0x0] =	vst v13;
	v11 =	vld.idx.msk [tilespmem:v12+s11+$0x0], $0xffff;
	v12 =	vadd.s32 $0x4300, v6  }
0x1da: {  	s6 =	sadd.s32 $0x16A80, s10;
	v0 =	vadd.s32 $0x4380, v0;
	s1 =	sor.u32 s31, s4;
	v13 =	vld.idx.msk [tilespmem:v14+s11+$0x0], $0xffff;
	[tilespmem:s5+$0x0] =	vst v15  }
0x1db: {  	s7 =	sor.u32 s21, s6;
	v1 =	vadd.s32 $0x4380, v1;
	v14 =	vld.idx.msk [tilespmem:v16+s11+$0x0], $0xffff;
	[tilespmem:s1+$0x0] =	vst v10  }
0x1dc: {  	s8 =	sadd.s32 $0x16B00, s26;
	v3 =	vadd.s32 $0x4380, v3;
	s0 =	sor.u32 s2, s6;
	v9 =	vld.idx.msk [tilespmem:v9+s11+$0x0], $0xffff;
	[tilespmem:s7+$0x0] =	vst v2  }
0x1dd: {  	s9 =	sor.u32 s25, s8;
	v2 =	vadd.s32 $0x4380, v4;
	v4 =	vld.idx.msk [tilespmem:v7+s11+$0x0], $0xffff;
	[tilespmem:s0+$0x0] =	vst v8  }
0x1de: {  	s12 =	sor.u32 s28, s8;
	s14 =	sadd.s32 $0x16B00, s30;
	v5 =	vadd.s32 $0x4380, v5;
	[tilespmem:s9+$0x0] =	vst v11;
	v7 =	vld.idx.msk [tilespmem:v12+s11+$0x0], $0xffff  }
0x1df: {  	s15 =	sor.u32 s29, s14;
	v6 =	vadd.s32 $0x4380, v6;
	[tilespmem:s12+$0x0] =	vst v13;
	v0 =	vld.idx.msk [tilespmem:v0+s11+$0x0], $0xffff  }
0x1e0: {  	s16 =	sadd.s32 $0x16B00, s10;
	s1 =	sor.u32 s31, s14;
	v1 =	vld.idx.msk [tilespmem:v1+s11+$0x0], $0xffff;
	[tilespmem:s15+$0x0] =	vst v14  }
0x1e1: {  	s17 =	sor.u32 s21, s16;
	v3 =	vld.idx.msk [tilespmem:v3+s11+$0x0], $0xffff;
	[tilespmem:s1+$0x0] =	vst v9  }
0x1e2: {  	s18 =	sadd.s32 $0x16B80, s26;
	s0 =	sor.u32 s2, s16;
	v2 =	vld.idx.msk [tilespmem:v2+s11+$0x0], $0xffff;
	[tilespmem:s17+$0x0] =	vst v4  }
0x1e3: {  	s19 =	sor.u32 s25, s18;
	v4 =	vld.idx.msk [tilespmem:v5+s11+$0x0], $0xffff;
	[tilespmem:s0+$0x0] =	vst v7  }
0x1e4: {  	s20 =	sor.u32 s28, s18;
	s22 =	sadd.s32 $0x16B80, s30;
	[tilespmem:s19+$0x0] =	vst v0;
	v0 =	vld.idx.msk [tilespmem:v6+s11+$0x0], $0xffff  }
0x1e5: {  	s25 =	sor.u32 s29, s22;
	[tilespmem:s20+$0x0] =	vst v1  }
0x1e6: {  	s26 =	sadd.s32 $0x16B80, s10;
	s1 =	sor.u32 s31, s22;
	[tilespmem:s25+$0x0] =	vst v3  }
0x1e7: {  	s3 =	sor.u32 s21, s26;
	[tilespmem:s1+$0x0] =	vst v2  }
0x1e8: {  	s0 =	sor.u32 s2, s26;
	[tilespmem:s3+$0x0] =	vst v4  }
0x1e9: {  	p0 =	seq.s32 s23, $0x1F;
	[tilespmem:s0+$0x0] =	vst v0  }
0x1ea: {  	s4 =	simm.s32 $0x2000;
	s5 =	simm.s32 $0x4000;
	s0 =	rddreg [dreg:$0x6]  }
0x1eb: {  	s6 =	simm.s32 $0x14800;
	s7 =	simm.s32 $0x2;
	s0 =	sadd.s32 s24, s0  }
0x1ec: {  	[hbm4b:s0+s4] =	stream.strided.scatter [tilespmem:s6], [sflag:$0x4], $0x4000, s5, s4, $0x38;
	[tilespmem:$0x18800] =	vst v63  }
0x1ed: {  	s2 =	simm.s32 @!p0 $0x800;
	_ =	swait.ge [sflag:s7], $0x8000  }
0x1ee: {  	s0 =	sshll.u32 @!p0 s23, $0xD;
	[sflag:s7] =	ssyncset.done $0x0;
	s1 =	rddreg [dreg:$0x7]  }
0x1ef: {  	[sflag:s7] =	ssyncadd.s32 $0xFFFF8000;
	s0 =	sadd.s32 @!p0 s0, s1;
	s1 =	simm.s32 @!p0 $0x0  }
0x1f0: {  	[tilespmem:s2], [sflag:$0x1] =	stream.linear.gather @!p0 [hbm4b:s0+s1], $0x8000, $0x38;
	[tilespmem:$0x18800] =	vst v63  }
0x1f1: {  	s8 =	simm.s32 $0x3;
	s0 =	simm.s32 $0x0  }
0x1f2: {  	_ =	swait.ge [sflag:s8], $0x4000;
	s21 =	sand.u32 $0x60, s0  }
0x1f3: {  	s9 =	sand.u32 $0x380, s0;
	[sflag:s8] =	ssyncset.done $0x0;
	s4 =	sor.u32 $0x10, s21  }
0x1f4: {  	[sflag:s8] =	ssyncadd.s32 $0xFFFFC000;
	s1 =	sor.u32 s4, s9  }
0x1f5: {  	v0 =	vld [tilespmem:s1+$0x0];
	_ =	sdelay $0x2  }
0x1f6: {  	v1 =	vld [tilespmem:s0+$0x0];
	_ =	sdelay $0x1  }
0x1f7: {  	v2 =	vshll.u32 v0, $0x3  }
0x1f8: {  	v0 =	vand.u32 $0x7F, v0;
	v2 =	vand.u32 $0xFFFFFC00, v2  }
0x1f9: {  	v7 =	vor.u32 v0, v2  }
0x1fa: {  	v0 =	vshll.u32 v1, $0x3  }
0x1fb: {  	v1 =	vand.u32 $0x7F, v1;
	v0 =	vand.u32 $0xFFFFFC00, v0  }
0x1fc: {  	v2 =	vor.u32 v1, v0;
	_ =	sdelay $0x1  }
0x1fd: {  	v0 =	vld.idx.msk [tilespmem:v7+s13+$0x0], $0xffff  }
0x1fe: {  	v1 =	vor.u32 $0x80, v7  }
0x1ff: {  	s3 =	sand.u32 $0x1C00, s0  }
0x200: {  	s10 =	sadd.s32 $0x10800, s3;
	v3 =	vld.idx.msk [tilespmem:v2+s13+$0x0], $0xffff  }
0x201: {  	s12 =	sor.u32 s4, s10;
	v4 =	vor.u32 $0x80, v2  }
0x202: {  	[tilespmem:s12+$0x0] =	vst v0  }
0x203: {  	v0 =	vld.idx.msk [tilespmem:v1+s13+$0x0], $0xffff  }
0x204: {  	s1 =	sor.u32 s21, s10;
	v1 =	vor.u32 $0x100, v7  }
0x205: {  	[tilespmem:s1+$0x0] =	vst v3  }
0x206: {  	v3 =	vld.idx.msk [tilespmem:v4+s13+$0x0], $0xffff  }
0x207: {  	v4 =	vor.u32 $0x100, v2  }
0x208: {  	[tilespmem:s12+$0x80] =	vst v0  }
0x209: {  	v0 =	vld.idx.msk [tilespmem:v1+s13+$0x0], $0xffff  }
0x20a: {  	s2 =	simm.s32 $0x20;
	v1 =	vor.u32 $0x180, v7  }
0x20b: {  	s25 =	sand.u32 $0x60, s2;
	[tilespmem:s1+$0x80] =	vst v3  }
0x20c: {  	s14 =	sand.u32 $0x380, s2;
	s24 =	sor.u32 $0x10, s25;
	v3 =	vld.idx.msk [tilespmem:v4+s13+$0x0], $0xffff  }
0x20d: {  	s6 =	sor.u32 s24, s14;
	v4 =	vor.u32 $0x180, v2  }
0x20e: {  	v5 =	vld [tilespmem:s6+$0x0];
	[tilespmem:s12+$0x100] =	vst v0  }
0x20f: {  	v0 =	vld.idx.msk [tilespmem:v1+s13+$0x0], $0xffff  }
0x210: {  	v1 =	vor.u32 $0x200, v7  }
0x211: {  	v6 =	vld [tilespmem:s2+$0x0];
	[tilespmem:s1+$0x100] =	vst v3  }
0x212: {  	v3 =	vld.idx.msk [tilespmem:v4+s13+$0x0], $0xffff  }
0x213: {  	v8 =	vor.u32 $0x200, v2;
	v4 =	vshll.u32 v5, $0x3  }
0x214: {  	v4 =	vand.u32 $0xFFFFFC00, v4;
	[tilespmem:s12+$0x180] =	vst v0;
	v0 =	vand.u32 $0x7F, v5  }
0x215: {  	v5 =	vld.idx.msk [tilespmem:v1+s13+$0x0], $0xffff;
	v0 =	vor.u32 v0, v4  }
0x216: {  	v1 =	vshll.u32 v6, $0x3;
	v4 =	vor.u32 $0x280, v7  }
0x217: {  	v6 =	vand.u32 $0x7F, v6;
	v1 =	vand.u32 $0xFFFFFC00, v1;
	[tilespmem:s1+$0x180] =	vst v3  }
0x218: {  	v1 =	vor.u32 v6, v1;
	v3 =	vld.idx.msk [tilespmem:v8+s13+$0x0], $0xffff  }
0x219: {  	v6 =	vor.u32 $0x280, v2  }
0x21a: {  	v8 =	vld.idx.msk [tilespmem:v0+s13+$0x0], $0xffff;
	[tilespmem:s12+$0x200] =	vst v5  }
0x21b: {  	s8 =	simm.s32 $0x100;
	v5 =	vor.u32 $0x80, v0;
	v4 =	vld.idx.msk [tilespmem:v4+s13+$0x0], $0xffff  }
0x21c: {  	s26 =	sand.u32 $0x1C00, s8;
	v9 =	vor.u32 $0x300, v7  }
0x21d: {  	s15 =	sadd.s32 $0x10800, s26;
	v10 =	vld.idx.msk [tilespmem:v1+s13+$0x0], $0xffff;
	[tilespmem:s1+$0x200] =	vst v3  }
0x21e: {  	s9 =	sor.u32 s24, s15;
	v3 =	vld.idx.msk [tilespmem:v6+s13+$0x0], $0xffff;
	v6 =	vor.u32 $0x80, v1  }
0x21f: {  	[tilespmem:s9+$0x0] =	vst v8;
	v8 =	vor.u32 $0x300, v2  }
0x220: {  	v5 =	vld.idx.msk [tilespmem:v5+s13+$0x0], $0xffff;
	[tilespmem:s12+$0x280] =	vst v4  }
0x221: {  	s16 =	sand.u32 $0x3, s0;
	s7 =	sor.u32 s25, s15;
	v4 =	vld.idx.msk [tilespmem:v9+s13+$0x0], $0xffff;
	v9 =	vor.u32 $0x100, v0  }
0x222: {  	s5 =	sshll.u32 s16, $0x5;
	[tilespmem:s7+$0x0] =	vst v10;
	v10 =	vor.u32 $0x380, v7  }
0x223: {  	s17 =	sadd.s32 $0x0, s5;
	v6 =	vld.idx.msk [tilespmem:v6+s13+$0x0], $0xffff;
	[tilespmem:s1+$0x280] =	vst v3  }
0x224: {  	s18 =	sadd.s32 $0x10, s17;
	v3 =	vld.idx.msk [tilespmem:v8+s13+$0x0], $0xffff;
	v8 =	vor.u32 $0x100, v1  }
0x225: {  	s19 =	sor.u32 $0x300, s18;
	[tilespmem:s9+$0x80] =	vst v5;
	v5 =	vor.u32 $0x380, v2  }
0x226: {  	v9 =	vld.idx.msk [tilespmem:v9+s13+$0x0], $0xffff;
	[tilespmem:s19+$0x10800] =	vst v4  }
0x227: {  	s5 =	simm.s32 $0x40;
	v4 =	vld.idx.msk [tilespmem:v10+s13+$0x0], $0xffff;
	v10 =	vor.u32 $0x180, v0  }
0x228: {  	s28 =	sand.u32 $0x60, s5;
	s1 =	sor.u32 $0x300, s17;
	[tilespmem:s7+$0x80] =	vst v6;
	v6 =	vadd.s32 $0x4000, v7  }
0x229: {  	s20 =	sand.u32 $0x380, s5;
	s29 =	sor.u32 $0x10, s28;
	v8 =	vld.idx.msk [tilespmem:v8+s13+$0x0], $0xffff;
	[tilespmem:s1+$0x10800] =	vst v3  }
0x22a: {  	s22 =	sor.u32 s29, s20;
	v3 =	vld.idx.msk [tilespmem:v5+s13+$0x0], $0xffff;
	v5 =	vor.u32 $0x180, v1  }
0x22b: {  	s23 =	sor.u32 $0x380, s18;
	v11 =	vld [tilespmem:s22+$0x0];
	[tilespmem:s9+$0x100] =	vst v9;
	v9 =	vadd.s32 $0x4000, v2  }
0x22c: {  	v10 =	vld.idx.msk [tilespmem:v10+s13+$0x0], $0xffff;
	[tilespmem:s23+$0x10800] =	vst v4  }
0x22d: {  	s0 =	sor.u32 s0, s0;
	v4 =	vld.idx.msk [tilespmem:v6+s13+$0x0], $0xffff;
	v6 =	vor.u32 $0x200, v0  }
0x22e: {  	v12 =	vld [tilespmem:s5+$0x0];
	s0 =	sor.u32 $0x380, s0;
	[tilespmem:s7+$0x100] =	vst v8;
	v8 =	vadd.s32 $0x4080, v7  }
0x22f: {  	v5 =	vld.idx.msk [tilespmem:v5+s13+$0x0], $0xffff;
	[tilespmem:s0+$0x10800] =	vst v3  }
0x230: {  	s6 =	sadd.s32 $0x12800, s3;
	v13 =	vor.u32 $0x200, v1;
	v3 =	vshll.u32 v11, $0x3;
	v9 =	vld.idx.msk [tilespmem:v9+s13+$0x0], $0xffff  }
0x231: {  	s10 =	sor.u32 s4, s6;
	v3 =	vand.u32 $0xFFFFFC00, v3;
	[tilespmem:s9+$0x180] =	vst v10;
	v10 =	vand.u32 $0x7F, v11;
	v11 =	vadd.s32 $0x4080, v2  }
0x232: {  	v6 =	vld.idx.msk [tilespmem:v6+s13+$0x0], $0xffff;
	[tilespmem:s10+$0x0] =	vst v4;
	v3 =	vor.u32 v10, v3  }
0x233: {  	v4 =	vshll.u32 v12, $0x3;
	v10 =	vor.u32 $0x280, v0;
	v8 =	vld.idx.msk [tilespmem:v8+s13+$0x0], $0xffff  }
0x234: {  	s0 =	sor.u32 s21, s6;
	v12 =	vand.u32 $0x7F, v12;
	v4 =	vand.u32 $0xFFFFFC00, v4;
	[tilespmem:s7+$0x180] =	vst v5;
	v5 =	vadd.s32 $0x4100, v7  }
0x235: {  	v4 =	vor.u32 v12, v4;
	v12 =	vld.idx.msk [tilespmem:v13+s13+$0x0], $0xffff;
	[tilespmem:s0+$0x0] =	vst v9  }
0x236: {  	s12 =	sadd.s32 $0x12880, s3;
	v9 =	vld.idx.msk [tilespmem:v11+s13+$0x0], $0xffff;
	v11 =	vor.u32 $0x280, v1  }
0x237: {  	s14 =	sor.u32 s4, s12;
	v13 =	vld.idx.msk [tilespmem:v3+s13+$0x0], $0xffff;
	[tilespmem:s9+$0x200] =	vst v6;
	v6 =	vadd.s32 $0x4100, v2  }
0x238: {  	s1 =	simm.s32 $0x200;
	v10 =	vld.idx.msk [tilespmem:v10+s13+$0x0], $0xffff;
	[tilespmem:s14+$0x0] =	vst v8;
	v8 =	vor.u32 $0x80, v3  }
0x239: {  	v14 =	vor.u32 $0x300, v0;
	s30 =	sand.u32 $0x1C00, s1;
	v5 =	vld.idx.msk [tilespmem:v5+s13+$0x0], $0xffff  }
0x23a: {  	s15 =	sadd.s32 $0x10800, s30;
	s0 =	sor.u32 s21, s12;
	v15 =	vld.idx.msk [tilespmem:v4+s13+$0x0], $0xffff;
	[tilespmem:s7+$0x200] =	vst v12  }
0x23b: {  	s6 =	sor.u32 s29, s15;
	v12 =	vadd.s32 $0x4180, v7;
	v11 =	vld.idx.msk [tilespmem:v11+s13+$0x0], $0xffff;
	[tilespmem:s0+$0x0] =	vst v9  }
0x23c: {  	v9 =	vor.u32 $0x80, v4;
	[tilespmem:s6+$0x0] =	vst v13;
	v6 =	vld.idx.msk [tilespmem:v6+s13+$0x0], $0xffff  }
0x23d: {  	s16 =	sadd.s32 $0x12900, s3;
	v13 =	vor.u32 $0x300, v1;
	v8 =	vld.idx.msk [tilespmem:v8+s13+$0x0], $0xffff;
	[tilespmem:s9+$0x280] =	vst v10  }
0x23e: {  	s17 =	sor.u32 s4, s16;
	s12 =	simm.s32 $0x1;
	s9 =	simm.s32 $0x60;
	v10 =	vld.idx.msk [tilespmem:v14+s13+$0x0], $0xffff;
	v14 =	vadd.s32 $0x4180, v2  }
0x23f: {  	s10 =	sor.u32 s28, s15;
	s12 =	sand.u32 $0x3, s12;
	[tilespmem:s17+$0x0] =	vst v5;
	v5 =	vor.u32 $0x100, v3;
	v16 =	vld [tilespmem:s9+$0x0]  }
0x240: {  	s12 =	sshll.u32 s12, $0x5;
	[tilespmem:s10+$0x0] =	vst v15;
	v15 =	vor.u32 $0x380, v0;
	v12 =	vld.idx.msk [tilespmem:v12+s13+$0x0], $0xffff  }
0x241: {  	s18 =	sadd.s32 $0x100, s12;
	s0 =	sor.u32 s21, s16;
	v9 =	vld.idx.msk [tilespmem:v9+s13+$0x0], $0xffff;
	[tilespmem:s7+$0x280] =	vst v11;
	v11 =	vadd.s32 $0x4200, v7  }
0x242: {  	s12 =	sadd.s32 $0x10, s18;
	v13 =	vld.idx.msk [tilespmem:v13+s13+$0x0], $0xffff;
	[tilespmem:s0+$0x0] =	vst v6  }
0x243: {  	s20 =	sadd.s32 $0x12980, s3;
	s19 =	sor.u32 $0x300, s12;
	v6 =	vor.u32 $0x100, v4;
	[tilespmem:s6+$0x80] =	vst v8;
	v8 =	vld.idx.msk [tilespmem:v14+s13+$0x0], $0xffff  }
0x244: {  	s22 =	sor.u32 s4, s20;
	s0 =	sand.u32 $0x60, s9;
	v14 =	vor.u32 $0x380, v1;
	v5 =	vld.idx.msk [tilespmem:v5+s13+$0x0], $0xffff;
	[tilespmem:s19+$0x10800] =	vst v10  }
0x245: {  	s23 =	sand.u32 $0x380, s9;
	s31 =	sor.u32 $0x10, s0;
	v10 =	vld.idx.msk [tilespmem:v15+s13+$0x0], $0xffff;
	[tilespmem:s22+$0x0] =	vst v12;
	v12 =	vor.u32 $0x180, v3  }
0x246: {  	s7 =	sor.u32 $0x300, s18;
	s16 =	sor.u32 s31, s23;
	v11 =	vld.idx.msk [tilespmem:v11+s13+$0x0], $0xffff;
	[tilespmem:s10+$0x80] =	vst v9;
	v9 =	vadd.s32 $0x4000, v0  }
0x247: {  	v18 =	vld [tilespmem:s16+$0x0];
	[tilespmem:s7+$0x10800] =	vst v13;
	v13 =	vadd.s32 $0x4280, v7  }
0x248: {  	v17 =	vadd.s32 $0x4200, v2;
	v15 =	vld.idx.msk [tilespmem:v6+s13+$0x0], $0xffff  }
0x249: {  	v19 =	vor.u32 $0x180, v4;
	s17 =	sor.u32 $0x380, s12;
	s18 =	sadd.s32 $0x12A00, s3;
	v6 =	vshll.u32 v16, $0x3;
	v14 =	vld.idx.msk [tilespmem:v14+s13+$0x0], $0xffff;
	[tilespmem:s6+$0x100] =	vst v5  }
0x24a: {  	s19 =	sor.u32 s4, s18;
	v6 =	vand.u32 $0xFFFFFC00, v6;
	v5 =	vand.u32 $0x7F, v16;
	v16 =	vadd.s32 $0x4000, v1;
	v12 =	vld.idx.msk [tilespmem:v12+s13+$0x0], $0xffff;
	[tilespmem:s17+$0x10800] =	vst v10  }
0x24b: {  	s14 =	sor.u32 s21, s20;
	v6 =	vor.u32 v5, v6;
	v5 =	vld.idx.msk [tilespmem:v9+s13+$0x0], $0xffff;
	[tilespmem:s19+$0x0] =	vst v11  }
0x24c: {  	s2 =	sor.u32 s8, s2;
	[tilespmem:s14+$0x0] =	vst v8;
	v9 =	vor.u32 $0x200, v3;
	v10 =	vld.idx.msk [tilespmem:v13+s13+$0x0], $0xffff  }
0x24d: {  	s2 =	sor.u32 $0x380, s2;
	v11 =	vadd.s32 $0x4080, v0;
	[tilespmem:s10+$0x100] =	vst v15;
	v13 =	vld.idx.msk [tilespmem:v17+s13+$0x0], $0xffff  }
0x24e: {  	v15 =	vld.idx.msk [tilespmem:v19+s13+$0x0], $0xffff;
	[tilespmem:s2+$0x10800] =	vst v14;
	v14 =	vadd.s32 $0x4300, v7  }
0x24f: {  	s20 =	sadd.s32 $0x12800, s26;
	v17 =	vadd.s32 $0x4280, v2;
	v16 =	vld.idx.msk [tilespmem:v16+s13+$0x0], $0xffff  }
0x250: {  	v20 =	vor.u32 $0x200, v4;
	s23 =	sadd.s32 $0x12A80, s3;
	s22 =	sor.u32 s24, s20;
	v19 =	vshll.u32 v18, $0x3;
	v8 =	vld.idx.msk [tilespmem:v6+s13+$0x0], $0xffff;
	[tilespmem:s6+$0x180] =	vst v12  }
0x251: {  	s14 =	sor.u32 s4, s23;
	v12 =	vand.u32 $0x7F, v18;
	v18 =	vand.u32 $0xFFFFFC00, v19;
	v19 =	vadd.s32 $0x4080, v1;
	v9 =	vld.idx.msk [tilespmem:v9+s13+$0x0], $0xffff;
	[tilespmem:s22+$0x0] =	vst v5  }
0x252: {  	s12 =	sor.u32 s21, s18;
	v5 =	vor.u32 v12, v18;
	v11 =	vld.idx.msk [tilespmem:v11+s13+$0x0], $0xffff;
	[tilespmem:s14+$0x0] =	vst v10  }
0x253: {  	v10 =	vor.u32 $0x280, v3;
	[tilespmem:s12+$0x0] =	vst v13;
	v12 =	vld.idx.msk [tilespmem:v14+s13+$0x0], $0xffff  }
0x254: {  	s2 =	sor.u32 s25, s20;
	v13 =	vadd.s32 $0x4100, v0;
	[tilespmem:s10+$0x180] =	vst v15;
	v14 =	vld.idx.msk [tilespmem:v17+s13+$0x0], $0xffff  }
0x255: {  	v7 =	vadd.s32 $0x4380, v7;
	v15 =	vld.idx.msk [tilespmem:v20+s13+$0x0], $0xffff;
	[tilespmem:s2+$0x0] =	vst v16  }
0x256: {  	s15 =	sadd.s32 $0x12880, s26;
	v17 =	vadd.s32 $0x4300, v2;
	v16 =	vld.idx.msk [tilespmem:v19+s13+$0x0], $0xffff  }
0x257: {  	s18 =	sadd.s32 $0x12B00, s3;
	s17 =	sor.u32 s24, s15;
	v18 =	vld.idx.msk [tilespmem:v5+s13+$0x0], $0xffff;
	v19 =	vor.u32 $0x280, v4;
	[tilespmem:s6+$0x200] =	vst v9  }
0x258: {  	s20 =	sor.u32 s4, s18;
	v9 =	vld.idx.msk [tilespmem:v10+s13+$0x0], $0xffff;
	v10 =	vadd.s32 $0x4100, v1;
	[tilespmem:s17+$0x0] =	vst v11  }
0x259: {  	s8 =	sor.u32 s21, s23;
	s16 =	simm.s32 $0x300;
	v63 =	vor.u32 $0x80, v5;
	v21 =	vld.idx.msk [tilespmem:v13+s13+$0x0], $0xffff;
	[tilespmem:s20+$0x0] =	vst v12  }
0x25a: {  	s5 =	sor.u32 s1, s5;
	s2 =	sand.u32 $0x1C00, s16;
	v12 =	vor.u32 $0x300, v3;
	[tilespmem:s8+$0x0] =	vst v14;
	v22 =	vld.idx.msk [tilespmem:v7+s13+$0x0], $0xffff  }
0x25b: {  	v23 =	vadd.s32 $0x4180, v0;
	s3 =	sadd.s32 $0x12B80, s3;
	s22 =	sor.u32 s25, s15;
	s23 =	sadd.s32 $0x10800, s2;
	[tilespmem:s10+$0x200] =	vst v15;
	v7 =	vld.idx.msk [tilespmem:v17+s13+$0x0], $0xffff  }
0x25c: {  	s19 =	sor.u32 s16, s9;
	s12 =	simm.s32 $0x6;
	s14 =	sor.u32 s31, s23;
	v13 =	vld.idx.msk [tilespmem:v19+s13+$0x0], $0xffff;
	[tilespmem:s22+$0x0] =	vst v16  }
0x25d: {  	s15 =	sor.u32 s0, s23;
	s17 =	simm.s32 $0x2;
	s20 =	sadd.s32 $0x12900, s26;
	[tilespmem:s14+$0x0] =	vst v18;
	v16 =	vor.u32 $0x80, v6;
	v11 =	vld.idx.msk [tilespmem:v10+s13+$0x0], $0xffff  }
0x25e: {  	s23 =	sor.u32 s4, s3;
	s3 =	sor.u32 s21, s3;
	v14 =	vor.u32 $0x300, v4;
	s22 =	sor.u32 s24, s20;
	v15 =	vld.idx.msk [tilespmem:v63+s13+$0x0], $0xffff;
	[tilespmem:s6+$0x280] =	vst v9  }
0x25f: {  	s4 =	simm.s32 $0x80;
	s8 =	sor.u32 $0x380, s5;
	s5 =	sor.u32 s21, s18;
	v9 =	vadd.s32 $0x4180, v1;
	[tilespmem:s22+$0x0] =	vst v21;
	v12 =	vld.idx.msk [tilespmem:v12+s13+$0x0], $0xffff  }
0x260: {  	s18 =	sor.u32 $0x380, s19;
	s7 =	sor.u32 s25, s20;
	v17 =	vor.u32 $0x100, v5;
	s6 =	sand.u32 $0x3, s17;
	v10 =	vld.idx.msk [tilespmem:v23+s13+$0x0], $0xffff;
	[tilespmem:s23+$0x0] =	vst v22  }
.LBB2_7:
0x261: {  	v18 =	vld [tilespmem:s4+$0x0];
	[tilespmem:s15+$0x0] =	vst v8;
	s6 =	sshll.u32 s6, $0x5;
	v8 =	vor.u32 $0x380, v3;
	s19 =	smov.u32 s28;
	s28 =	smov.u32 s0  }
0x262: {  	s20 =	smov.u32 s24;
	s24 =	smov.u32 s29;
	v16 =	vld.idx.msk [tilespmem:v16+s13+$0x0], $0xffff;
	[tilespmem:s10+$0x280] =	vst v13;
	s0 =	sadd.s32 s6, s1;
	v13 =	vadd.s32 $0x4200, v0  }
0x263: {  	s29 =	smov.u32 s31;
	v14 =	vld.idx.msk [tilespmem:v14+s13+$0x0], $0xffff;
	s21 =	sor.u32 $0x300, s0;
	s22 =	sadd.s32 $0x10, s0;
	[tilespmem:s7+$0x0] =	vst v11;
	v11 =	vadd.s32 $0x4380, v2;
	v2 =	vmovc v1;
	v1 =	vmov v4;
	v4 =	vmov v6  }
0x264: {  	s6 =	sadd.s32 $0x12980, s26;
	s1 =	smov.u32 s16;
	v6 =	vor.u32 $0x100, v4;
	[tilespmem:s14+$0x80] =	vst v15;
	s0 =	sor.u32 $0x300, s22;
	v9 =	vld.idx.msk [tilespmem:v9+s13+$0x0], $0xffff  }
0x265: {  	s23 =	sor.u32 s25, s6;
	v15 =	vld.idx.msk [tilespmem:v17+s13+$0x0], $0xffff;
	v17 =	vor.u32 $0x380, v1;
	[tilespmem:s0+$0x10800] =	vst v12;
	s0 =	sor.u32 s20, s6;
	s6 =	smov.u32 s26  }
0x266: {  	s10 =	smov.u32 s15;
	s26 =	smov.u32 s30;
	s30 =	smov.u32 s2;
	v8 =	vld.idx.msk [tilespmem:v8+s13+$0x0], $0xffff;
	[tilespmem:s0+$0x0] =	vst v10  }
0x267: {  	s9 =	sadd.s32 $0x20, s9;
	s7 =	smov.u32 s14;
	v10 =	vor.u32 $0x180, v5;
	v12 =	vld.idx.msk [tilespmem:v13+s13+$0x0], $0xffff;
	[tilespmem:s5+$0x0] =	vst v7  }
0x268: {  	s0 =	sand.u32 $0x60, s9;
	v7 =	vadd.s32 $0x4000, v3;
	[tilespmem:s10+$0x80] =	vst v16;
	v11 =	vld.idx.msk [tilespmem:v11+s13+$0x0], $0xffff  }
0x269: {  	s2 =	sand.u32 $0x380, s9;
	s31 =	sor.u32 $0x10, s0;
	v13 =	vld.idx.msk [tilespmem:v6+s13+$0x0], $0xffff;
	[tilespmem:s21+$0x10800] =	vst v14;
	v14 =	vadd.s32 $0x4280, v0  }
0x26a: {  	s12 =	sadd.s32 $0x2, s12;
	s2 =	sor.u32 s31, s2;
	v16 =	vld.idx.msk [tilespmem:v17+s13+$0x0], $0xffff;
	[tilespmem:s23+$0x0] =	vst v9;
	v9 =	vadd.s32 $0x4200, v2  }
0x26b: {  	p0 =	slt.u32 s12, $0x3E;
	v19 =	vor.u32 $0x180, v4;
	s5 =	sadd.s32 $0x12A00, s6;
	v6 =	vshll.u32 v18, $0x3;
	v17 =	vld [tilespmem:s2+$0x0];
	[tilespmem:s7+$0x100] =	vst v15;
	s2 =	sor.u32 $0x380, s22  }
0x26c: {  	v6 =	vand.u32 $0xFFFFFC00, v6;
	v15 =	vand.u32 $0x7F, v18;
	v18 =	vadd.s32 $0x4000, v1;
	v10 =	vld.idx.msk [tilespmem:v10+s13+$0x0], $0xffff;
	[tilespmem:s2+$0x10800] =	vst v8;
	s2 =	sor.u32 s25, s5;
	s5 =	sor.u32 s20, s5  }
0x26d: {  	v6 =	vor.u32 v15, v6;
	v7 =	vld.idx.msk [tilespmem:v7+s13+$0x0], $0xffff;
	[tilespmem:s5+$0x0] =	vst v12  }
0x26e: {  	v12 =	vor.u32 $0x200, v5;
	v14 =	vld.idx.msk [tilespmem:v14+s13+$0x0], $0xffff;
	[tilespmem:s3+$0x0] =	vst v11  }
0x26f: {  	v11 =	vadd.s32 $0x4080, v3;
	[tilespmem:s10+$0x100] =	vst v13;
	v9 =	vld.idx.msk [tilespmem:v9+s13+$0x0], $0xffff  }
0x270: {  	v15 =	vadd.s32 $0x4300, v0;
	v13 =	vld.idx.msk [tilespmem:v19+s13+$0x0], $0xffff;
	[tilespmem:s8+$0x10800] =	vst v16;
	s8 =	smov.u32 s18  }
0x271: {  	s3 =	sadd.s32 $0x12800, s26;
	v16 =	vld.idx.msk [tilespmem:v18+s13+$0x0], $0xffff;
	v18 =	vadd.s32 $0x4280, v2  }
0x272: {  	v20 =	vor.u32 $0x200, v4;
	s14 =	sadd.s32 $0x12A80, s6;
	s5 =	sor.u32 s19, s3;
	s3 =	sor.u32 s24, s3;
	v19 =	vshll.u32 v17, $0x3;
	v8 =	vld.idx.msk [tilespmem:v6+s13+$0x0], $0xffff;
	[tilespmem:s7+$0x180] =	vst v10  }
0x273: {  	v10 =	vand.u32 $0x7F, v17;
	v17 =	vand.u32 $0xFFFFFC00, v19;
	v19 =	vadd.s32 $0x4080, v1;
	v12 =	vld.idx.msk [tilespmem:v12+s13+$0x0], $0xffff;
	[tilespmem:s3+$0x0] =	vst v7;
	s3 =	sor.u32 s25, s14;
	s14 =	sor.u32 s20, s14  }
0x274: {  	v7 =	vor.u32 v10, v17;
	v10 =	vld.idx.msk [tilespmem:v11+s13+$0x0], $0xffff;
	[tilespmem:s14+$0x0] =	vst v14  }
0x275: {  	v11 =	vor.u32 $0x280, v5;
	[tilespmem:s2+$0x0] =	vst v9;
	v9 =	vld.idx.msk [tilespmem:v15+s13+$0x0], $0xffff  }
0x276: {  	[tilespmem:s10+$0x180] =	vst v13;
	v13 =	vadd.s32 $0x4100, v3;
	v14 =	vld.idx.msk [tilespmem:v18+s13+$0x0], $0xffff  }
0x277: {  	v15 =	vld.idx.msk [tilespmem:v20+s13+$0x0], $0xffff;
	[tilespmem:s5+$0x0] =	vst v16;
	v16 =	vadd.s32 $0x4380, v0;
	v0 =	vmovc v3;
	v3 =	vmov v5;
	v5 =	vmov v7  }
0x278: {  	s2 =	sadd.s32 $0x12880, s26;
	v18 =	vadd.s32 $0x4300, v2;
	v17 =	vld.idx.msk [tilespmem:v19+s13+$0x0], $0xffff  }
0x279: {  	s14 =	sadd.s32 $0x12B00, s6;
	s21 =	sor.u32 s19, s2;
	s2 =	sor.u32 s24, s2;
	v20 =	vor.u32 $0x280, v4;
	v19 =	vld.idx.msk [tilespmem:v7+s13+$0x0], $0xffff;
	[tilespmem:s7+$0x200] =	vst v12  }
0x27a: {  	s5 =	sor.u32 s25, s14;
	v12 =	vld.idx.msk [tilespmem:v11+s13+$0x0], $0xffff;
	v11 =	vadd.s32 $0x4100, v1;
	[tilespmem:s2+$0x0] =	vst v10;
	s2 =	sor.u32 s20, s14  }
0x27b: {  	s16 =	sadd.s32 $0x100, s16;
	v10 =	vor.u32 $0x80, v5;
	v21 =	vld.idx.msk [tilespmem:v13+s13+$0x0], $0xffff;
	[tilespmem:s2+$0x0] =	vst v9  }
0x27c: {  	s14 =	sor.u32 s16, s9;
	s2 =	sand.u32 $0x1C00, s16;
	v9 =	vor.u32 $0x300, v3;
	[tilespmem:s3+$0x0] =	vst v14;
	v22 =	vld.idx.msk [tilespmem:v16+s13+$0x0], $0xffff  }
0x27d: {  	v23 =	vadd.s32 $0x4180, v0;
	s18 =	sor.u32 $0x380, s14;
	s3 =	sadd.s32 $0x10800, s2;
	[tilespmem:s10+$0x200] =	vst v15;
	v7 =	vld.idx.msk [tilespmem:v18+s13+$0x0], $0xffff  }
.Ltmp2:
0x27e: {  	s15 =	sor.u32 s0, s3;
	s14 =	sor.u32 s31, s3;
	v13 =	vld.idx.msk [tilespmem:v20+s13+$0x0], $0xffff;
	[tilespmem:s21+$0x0] =	vst v17;
	(pc) =	sbr.rel @p0 .LBB2_7-.Ltmp2, $4  }
0x27f: {  	v16 =	vor.u32 $0x80, v6;
	s3 =	sadd.s32 $0x12900, s26;
	[tilespmem:s14+$0x0] =	vst v19;
	v11 =	vld.idx.msk [tilespmem:v11+s13+$0x0], $0xffff  }
0x280: {  	s6 =	sadd.s32 $0x12B80, s6;
	v14 =	vor.u32 $0x300, v4;
	v15 =	vld.idx.msk [tilespmem:v10+s13+$0x0], $0xffff;
	[tilespmem:s7+$0x280] =	vst v12;
	s7 =	sor.u32 s19, s3;
	s3 =	sor.u32 s24, s3  }
0x281: {  	s17 =	sadd.s32 $0x1, s17;
	s20 =	sor.u32 s20, s6;
	v12 =	vld.idx.msk [tilespmem:v9+s13+$0x0], $0xffff;
	v9 =	vadd.s32 $0x4180, v1;
	[tilespmem:s3+$0x0] =	vst v21;
	s3 =	sor.u32 s25, s6  }
0x282: {  	s4 =	sadd.s32 $0x20, s4;
	v17 =	vor.u32 $0x100, v5;
	s6 =	sand.u32 $0x3, s17;
	s25 =	smov.u32 s19;
	v10 =	vld.idx.msk [tilespmem:v23+s13+$0x0], $0xffff;
	[tilespmem:s20+$0x0] =	vst v22  }
0x283: {  	_ =	sdelay $0x2  }
0x284: {  	[tilespmem:s15+$0x0] =	vst v8  }
0x285: {  	v8 =	vld.idx.msk [tilespmem:v16+s13+$0x0], $0xffff  }
0x286: {  	v16 =	vor.u32 $0x100, v6;
	_ =	sdelay $0x1  }
0x287: {  	[tilespmem:s14+$0x80] =	vst v15  }
0x288: {  	v15 =	vld.idx.msk [tilespmem:v17+s13+$0x0], $0xffff  }
0x289: {  	[tilespmem:s15+$0x80] =	vst v8;
	v8 =	vor.u32 $0x180, v5  }
0x28a: {  	v16 =	vld.idx.msk [tilespmem:v16+s13+$0x0], $0xffff  }
0x28b: {  	v17 =	vor.u32 $0x180, v6;
	_ =	sdelay $0x1  }
0x28c: {  	[tilespmem:s14+$0x100] =	vst v15  }
0x28d: {  	v8 =	vld.idx.msk [tilespmem:v8+s13+$0x0], $0xffff  }
0x28e: {  	v15 =	vor.u32 $0x200, v5;
	[tilespmem:s15+$0x100] =	vst v16  }
0x28f: {  	v16 =	vld.idx.msk [tilespmem:v17+s13+$0x0], $0xffff  }
0x290: {  	v17 =	vor.u32 $0x200, v6;
	_ =	sdelay $0x1  }
0x291: {  	[tilespmem:s14+$0x180] =	vst v8  }
0x292: {  	v8 =	vld.idx.msk [tilespmem:v15+s13+$0x0], $0xffff  }
0x293: {  	v15 =	vor.u32 $0x280, v5;
	[tilespmem:s15+$0x180] =	vst v16  }
0x294: {  	v16 =	vld.idx.msk [tilespmem:v17+s13+$0x0], $0xffff  }
0x295: {  	v17 =	vor.u32 $0x280, v6;
	_ =	sdelay $0x1  }
0x296: {  	[tilespmem:s14+$0x200] =	vst v8  }
0x297: {  	v8 =	vld.idx.msk [tilespmem:v15+s13+$0x0], $0xffff  }
0x298: {  	v15 =	vor.u32 $0x300, v5;
	[tilespmem:s15+$0x200] =	vst v16  }
0x299: {  	v16 =	vld.idx.msk [tilespmem:v17+s13+$0x0], $0xffff  }
0x29a: {  	v17 =	vor.u32 $0x300, v6  }
0x29b: {  	[tilespmem:s10+$0x280] =	vst v13;
	s4 =	sshll.u32 s6, $0x5;
	v13 =	vor.u32 $0x380, v3  }
0x29c: {  	s19 =	sadd.s32 $0x1, s17;
	v14 =	vld.idx.msk [tilespmem:v14+s13+$0x0], $0xffff;
	s1 =	sadd.s32 s4, s1;
	[tilespmem:s14+$0x280] =	vst v8  }
0x29d: {  	s20 =	sand.u32 $0x3, s19;
	s21 =	sadd.s32 $0x10, s1;
	v8 =	vor.u32 $0x380, v4;
	v15 =	vld.idx.msk [tilespmem:v15+s13+$0x0], $0xffff  }
0x29e: {  	s4 =	sshll.u32 s20, $0x5;
	s9 =	sor.u32 $0x300, s21;
	[tilespmem:s15+$0x280] =	vst v16;
	v16 =	vor.u32 $0x380, v5  }
0x29f: {  	s4 =	sadd.s32 s4, s16;
	[tilespmem:s9+$0x10800] =	vst v12;
	v17 =	vld.idx.msk [tilespmem:v17+s13+$0x0], $0xffff  }
0x2a0: {  	v18 =	vor.u32 $0x380, v6;
	s1 =	sor.u32 $0x300, s1;
	s22 =	sadd.s32 $0x10, s4;
	v12 =	vld.idx.msk [tilespmem:v13+s13+$0x0], $0xffff  }
0x2a1: {  	s23 =	sor.u32 $0x300, s22;
	v13 =	vadd.s32 $0x4000, v3;
	[tilespmem:s1+$0x10800] =	vst v14  }
0x2a2: {  	v8 =	vld.idx.msk [tilespmem:v8+s13+$0x0], $0xffff;
	[tilespmem:s23+$0x10800] =	vst v15  }
0x2a3: {  	s4 =	sor.u32 $0x300, s4;
	v14 =	vadd.s32 $0x4000, v4;
	v15 =	vld.idx.msk [tilespmem:v16+s13+$0x0], $0xffff  }
0x2a4: {  	s6 =	sor.u32 $0x380, s21;
	v16 =	vadd.s32 $0x4000, v5;
	[tilespmem:s4+$0x10800] =	vst v17  }
0x2a5: {  	[tilespmem:s6+$0x10800] =	vst v12;
	v17 =	vld.idx.msk [tilespmem:v18+s13+$0x0], $0xffff  }
0x2a6: {  	v12 =	vld.idx.msk [tilespmem:v13+s13+$0x0], $0xffff;
	v18 =	vadd.s32 $0x4000, v6  }
0x2a7: {  	s9 =	sor.u32 $0x380, s22;
	[tilespmem:s8+$0x10800] =	vst v8;
	v8 =	vadd.s32 $0x4080, v3  }
0x2a8: {  	v13 =	vld.idx.msk [tilespmem:v14+s13+$0x0], $0xffff;
	[tilespmem:s9+$0x10800] =	vst v15  }
0x2a9: {  	s10 =	sadd.s32 $0x12800, s30;
	v14 =	vadd.s32 $0x4080, v4;
	v15 =	vld.idx.msk [tilespmem:v16+s13+$0x0], $0xffff  }
0x2aa: {  	s12 =	sor.u32 s29, s10;
	v16 =	vadd.s32 $0x4080, v5;
	[tilespmem:s18+$0x10800] =	vst v17  }
0x2ab: {  	[tilespmem:s12+$0x0] =	vst v12;
	v17 =	vld.idx.msk [tilespmem:v18+s13+$0x0], $0xffff  }
0x2ac: {  	s1 =	sor.u32 s28, s10;
	s14 =	sadd.s32 $0x12800, s2;
	v18 =	vadd.s32 $0x4080, v6;
	v8 =	vld.idx.msk [tilespmem:v8+s13+$0x0], $0xffff  }
0x2ad: {  	v12 =	vadd.s32 $0x4100, v3;
	s15 =	sor.u32 s31, s14;
	[tilespmem:s1+$0x0] =	vst v13  }
0x2ae: {  	v2 =	vadd.s32 $0x4380, v2;
	v13 =	vld.idx.msk [tilespmem:v14+s13+$0x0], $0xffff;
	[tilespmem:s15+$0x0] =	vst v15  }
0x2af: {  	[tilespmem:s5+$0x0] =	vst v7;
	s16 =	sadd.s32 $0x12880, s30;
	s4 =	sor.u32 s0, s14;
	v14 =	vadd.s32 $0x4100, v4;
	v15 =	vld.idx.msk [tilespmem:v16+s13+$0x0], $0xffff  }
0x2b0: {  	s17 =	sor.u32 s29, s16;
	v16 =	vadd.s32 $0x4100, v5;
	[tilespmem:s4+$0x0] =	vst v17  }
0x2b1: {  	[tilespmem:s17+$0x0] =	vst v8;
	v17 =	vld.idx.msk [tilespmem:v18+s13+$0x0], $0xffff  }
0x2b2: {  	[tilespmem:s7+$0x0] =	vst v11;
	v11 =	vadd.s32 $0x4100, v6;
	s18 =	sadd.s32 $0x12880, s2;
	s1 =	sor.u32 s28, s16;
	v12 =	vld.idx.msk [tilespmem:v12+s13+$0x0], $0xffff  }
0x2b3: {  	s20 =	sadd.s32 $0x12980, s26;
	v2 =	vld.idx.msk [tilespmem:v2+s13+$0x0], $0xffff;
	s19 =	sor.u32 s31, s18;
	[tilespmem:s1+$0x0] =	vst v13;
	v13 =	vadd.s32 $0x4180, v3  }
0x2b4: {  	s21 =	sor.u32 s24, s20;
	v8 =	vadd.s32 $0x4200, v0;
	v14 =	vld.idx.msk [tilespmem:v14+s13+$0x0], $0xffff;
	[tilespmem:s19+$0x0] =	vst v15  }
0x2b5: {  	[tilespmem:s21+$0x0] =	vst v10;
	s22 =	sadd.s32 $0x12900, s30;
	s4 =	sor.u32 s0, s18;
	v15 =	vadd.s32 $0x4180, v4;
	v16 =	vld.idx.msk [tilespmem:v16+s13+$0x0], $0xffff  }
0x2b6: {  	v9 =	vld.idx.msk [tilespmem:v9+s13+$0x0], $0xffff;
	v10 =	vadd.s32 $0x4180, v5;
	s23 =	sor.u32 s29, s22;
	[tilespmem:s4+$0x0] =	vst v17  }
0x2b7: {  	[tilespmem:s23+$0x0] =	vst v12;
	v12 =	vadd.s32 $0x4200, v1;
	v11 =	vld.idx.msk [tilespmem:v11+s13+$0x0], $0xffff  }
0x2b8: {  	v7 =	vadd.s32 $0x4180, v6;
	s5 =	sadd.s32 $0x12900, s2;
	[tilespmem:s3+$0x0] =	vst v2;
	s1 =	sor.u32 s28, s22;
	v13 =	vld.idx.msk [tilespmem:v13+s13+$0x0], $0xffff  }
0x2b9: {  	s7 =	sor.u32 s31, s5;
	v8 =	vld.idx.msk [tilespmem:v8+s13+$0x0], $0xffff;
	[tilespmem:s1+$0x0] =	vst v14;
	v14 =	vadd.s32 $0x4200, v3  }
0x2ba: {  	s8 =	sor.u32 s25, s20;
	v15 =	vld.idx.msk [tilespmem:v15+s13+$0x0], $0xffff;
	[tilespmem:s7+$0x0] =	vst v16  }
0x2bb: {  	s12 =	sadd.s32 $0x12980, s30;
	[tilespmem:s8+$0x0] =	vst v9;
	s4 =	sor.u32 s0, s5;
	v16 =	vadd.s32 $0x4200, v4;
	v10 =	vld.idx.msk [tilespmem:v10+s13+$0x0], $0xffff  }
0x2bc: {  	s14 =	sor.u32 s29, s12;
	v9 =	vadd.s32 $0x4200, v5;
	s9 =	sadd.s32 $0x12A00, s26;
	v12 =	vld.idx.msk [tilespmem:v12+s13+$0x0], $0xffff;
	[tilespmem:s4+$0x0] =	vst v11  }
0x2bd: {  	s10 =	sor.u32 s24, s9;
	[tilespmem:s14+$0x0] =	vst v13;
	v13 =	vadd.s32 $0x4280, v1;
	v7 =	vld.idx.msk [tilespmem:v7+s13+$0x0], $0xffff  }
0x2be: {  	s15 =	sadd.s32 $0x12980, s2;
	[tilespmem:s10+$0x0] =	vst v8;
	v8 =	vadd.s32 $0x4200, v6;
	s4 =	sor.u32 s28, s12;
	v14 =	vld.idx.msk [tilespmem:v14+s13+$0x0], $0xffff  }
0x2bf: {  	s16 =	sor.u32 s31, s15;
	v11 =	vadd.s32 $0x4280, v0;
	[tilespmem:s4+$0x0] =	vst v15  }
0x2c0: {  	s17 =	sor.u32 s25, s9;
	v15 =	vadd.s32 $0x4280, v3;
	v16 =	vld.idx.msk [tilespmem:v16+s13+$0x0], $0xffff;
	[tilespmem:s16+$0x0] =	vst v10  }
0x2c1: {  	s18 =	sadd.s32 $0x12A00, s30;
	s1 =	sor.u32 s0, s15;
	v10 =	vadd.s32 $0x4280, v4;
	[tilespmem:s17+$0x0] =	vst v12;
	v9 =	vld.idx.msk [tilespmem:v9+s13+$0x0], $0xffff  }
0x2c2: {  	v2 =	vadd.s32 $0x4280, v5;
	s19 =	sor.u32 s29, s18;
	v13 =	vld.idx.msk [tilespmem:v13+s13+$0x0], $0xffff;
	[tilespmem:s1+$0x0] =	vst v7  }
0x2c3: {  	[tilespmem:s19+$0x0] =	vst v14;
	v14 =	vadd.s32 $0x4300, v1;
	v7 =	vld.idx.msk [tilespmem:v8+s13+$0x0], $0xffff  }
0x2c4: {  	s20 =	sadd.s32 $0x12A00, s2;
	s3 =	sor.u32 s28, s18;
	v8 =	vld.idx.msk [tilespmem:v11+s13+$0x0], $0xffff;
	v11 =	vadd.s32 $0x4280, v6  }
0x2c5: {  	s21 =	sor.u32 s31, s20;
	s22 =	sadd.s32 $0x12A80, s26;
	v12 =	vadd.s32 $0x4300, v0;
	v15 =	vld.idx.msk [tilespmem:v15+s13+$0x0], $0xffff;
	[tilespmem:s3+$0x0] =	vst v16  }
0x2c6: {  	s4 =	sor.u32 s25, s22;
	v16 =	vadd.s32 $0x4300, v3;
	v10 =	vld.idx.msk [tilespmem:v10+s13+$0x0], $0xffff;
	[tilespmem:s21+$0x0] =	vst v9  }
0x2c7: {  	s1 =	sor.u32 s0, s20;
	v9 =	vadd.s32 $0x4300, v4;
	[tilespmem:s4+$0x0] =	vst v13;
	v2 =	vld.idx.msk [tilespmem:v2+s13+$0x0], $0xffff  }
0x2c8: {  	s23 =	sor.u32 s24, s22;
	s5 =	sadd.s32 $0x12A80, s30;
	v13 =	vld.idx.msk [tilespmem:v14+s13+$0x0], $0xffff;
	[tilespmem:s1+$0x0] =	vst v7;
	v7 =	vadd.s32 $0x4300, v5  }
0x2c9: {  	s6 =	sor.u32 s29, s5;
	v1 =	vadd.s32 $0x4380, v1;
	[tilespmem:s23+$0x0] =	vst v8;
	v8 =	vld.idx.msk [tilespmem:v11+s13+$0x0], $0xffff  }
0x2ca: {  	s7 =	sadd.s32 $0x12A80, s2;
	s3 =	sor.u32 s28, s5;
	[tilespmem:s6+$0x0] =	vst v15;
	v11 =	vld.idx.msk [tilespmem:v12+s13+$0x0], $0xffff;
	v12 =	vadd.s32 $0x4300, v6  }
0x2cb: {  	s9 =	sadd.s32 $0x12B00, s26;
	s8 =	sor.u32 s31, s7;
	v0 =	vadd.s32 $0x4380, v0;
	v14 =	vld.idx.msk [tilespmem:v16+s13+$0x0], $0xffff;
	[tilespmem:s3+$0x0] =	vst v10  }
0x2cc: {  	s12 =	sor.u32 s25, s9;
	v3 =	vadd.s32 $0x4380, v3;
	v9 =	vld.idx.msk [tilespmem:v9+s13+$0x0], $0xffff;
	[tilespmem:s8+$0x0] =	vst v2  }
0x2cd: {  	s1 =	sor.u32 s0, s7;
	v2 =	vadd.s32 $0x4380, v4;
	[tilespmem:s12+$0x0] =	vst v13;
	v4 =	vld.idx.msk [tilespmem:v7+s13+$0x0], $0xffff  }
0x2ce: {  	s10 =	sor.u32 s24, s9;
	s14 =	sadd.s32 $0x12B00, s30;
	v1 =	vld.idx.msk [tilespmem:v1+s13+$0x0], $0xffff;
	[tilespmem:s1+$0x0] =	vst v8  }
0x2cf: {  	s15 =	sor.u32 s29, s14;
	[tilespmem:s10+$0x0] =	vst v11;
	v7 =	vld.idx.msk [tilespmem:v12+s13+$0x0], $0xffff  }
0x2d0: {  	s16 =	sadd.s32 $0x12B00, s2;
	v5 =	vadd.s32 $0x4380, v5;
	s3 =	sor.u32 s28, s14;
	[tilespmem:s15+$0x0] =	vst v14;
	v0 =	vld.idx.msk [tilespmem:v0+s13+$0x0], $0xffff  }
0x2d1: {  	s18 =	sadd.s32 $0x12B80, s26;
	s17 =	sor.u32 s31, s16;
	v6 =	vadd.s32 $0x4380, v6;
	v3 =	vld.idx.msk [tilespmem:v3+s13+$0x0], $0xffff;
	[tilespmem:s3+$0x0] =	vst v9  }
0x2d2: {  	s20 =	sor.u32 s25, s18;
	v2 =	vld.idx.msk [tilespmem:v2+s13+$0x0], $0xffff;
	[tilespmem:s17+$0x0] =	vst v4  }
0x2d3: {  	s1 =	sor.u32 s0, s16;
	[tilespmem:s20+$0x0] =	vst v1  }
0x2d4: {  	s19 =	sor.u32 s24, s18;
	s21 =	sadd.s32 $0x12B80, s30;
	[tilespmem:s1+$0x0] =	vst v7  }
0x2d5: {  	s22 =	sor.u32 s29, s21;
	v4 =	vld.idx.msk [tilespmem:v5+s13+$0x0], $0xffff;
	[tilespmem:s19+$0x0] =	vst v0  }
0x2d6: {  	s3 =	sor.u32 s28, s21;
	[tilespmem:s22+$0x0] =	vst v3;
	v0 =	vld.idx.msk [tilespmem:v6+s13+$0x0], $0xffff  }
0x2d7: {  	s5 =	simm.s32 $0x10800;
	s24 =	rddreg [dreg:$0xb];
	[tilespmem:s3+$0x0] =	vst v2  }
0x2d8: {  	s23 =	sadd.s32 $0x12B80, s2;
	s2 =	sshll.u32 s24, $0xF;
	s26 =	rddreg [dreg:$0x5]  }
0x2d9: {  	s4 =	simm.s32 $0x4000;
	s25 =	sor.u32 s31, s23;
	s2 =	sadd.s32 s26, s2  }
0x2da: {  	s1 =	sor.u32 s0, s23;
	[tilespmem:s25+$0x0] =	vst v4;
	s23 =	sshrl.u32 s2, $0x3;
	s2 =	rddreg [dreg:$0x2]  }
0x2db: {  	s6 =	simm.s32 $0x4;
	s3 =	simm.s32 $0x2000;
	[tilespmem:s1+$0x0] =	vst v0;
	s0 =	sadd.s32 s2, s23  }
0x2dc: {  	[hbm4b:s0+s3] =	stream.strided.scatter [tilespmem:s5], [sflag:$0x3], $0x4000, s4, s3, $0x38;
	[tilespmem:$0x18800] =	vst v63  }
0x2dd: {  	_ =	swait.ge [sflag:s6], $0x4000  }
0x2de: {  	s1 =	simm.s32 $0x0;
	[sflag:s6] =	ssyncset.done $0x0  }
0x2df: {  	s7 =	sand.u32 $0x3E0, s1;
	[sflag:s6] =	ssyncadd.s32 $0xFFFFC000  }
0x2e0: {  	v0 =	vld [tilespmem:s7+$0x400];
	_ =	sdelay $0x1  }
0x2e1: {  	s8 =	simm.s32 $0x410  }
0x2e2: {  	v1 =	vld [tilespmem:s8+$0x0];
	_ =	sdelay $0x1  }
0x2e3: {  	v2 =	vshll.u32 v0, $0x3  }
0x2e4: {  	v0 =	vand.u32 $0x7F, v0;
	v2 =	vand.u32 $0xFFFFFC00, v2  }
0x2e5: {  	v7 =	vor.u32 v0, v2  }
0x2e6: {  	v0 =	vshll.u32 v1, $0x3  }
0x2e7: {  	v1 =	vand.u32 $0x7F, v1;
	v0 =	vand.u32 $0xFFFFFC00, v0  }
0x2e8: {  	v2 =	vor.u32 v1, v0;
	_ =	sdelay $0x1  }
0x2e9: {  	v0 =	vld.idx.msk [tilespmem:v7+s13+$0x0], $0xffff  }
0x2ea: {  	v1 =	vor.u32 $0x80, v7  }
0x2eb: {  	s16 =	sand.u32 $0x1C00, s1  }
0x2ec: {  	s9 =	sadd.s32 $0x14800, s16;
	s8 =	sand.u32 $0x60, s1;
	v3 =	vld.idx.msk [tilespmem:v2+s13+$0x0], $0xffff  }
0x2ed: {  	s10 =	sor.u32 s8, s9;
	v4 =	vor.u32 $0x80, v2  }
0x2ee: {  	[tilespmem:s10+$0x0] =	vst v0  }
0x2ef: {  	s17 =	sor.u32 $0x10, s8;
	v0 =	vld.idx.msk [tilespmem:v1+s13+$0x0], $0xffff  }
0x2f0: {  	s0 =	sor.u32 s17, s9;
	v1 =	vor.u32 $0x100, v7  }
0x2f1: {  	[tilespmem:s0+$0x0] =	vst v3  }
0x2f2: {  	v3 =	vld.idx.msk [tilespmem:v4+s13+$0x0], $0xffff  }
0x2f3: {  	v4 =	vor.u32 $0x100, v2  }
0x2f4: {  	[tilespmem:s10+$0x80] =	vst v0  }
0x2f5: {  	v0 =	vld.idx.msk [tilespmem:v1+s13+$0x0], $0xffff  }
0x2f6: {  	v1 =	vor.u32 $0x180, v7  }
0x2f7: {  	[tilespmem:s0+$0x80] =	vst v3  }
0x2f8: {  	s2 =	simm.s32 $0x20;
	v3 =	vld.idx.msk [tilespmem:v4+s13+$0x0], $0xffff  }
0x2f9: {  	s12 =	sand.u32 $0x3E0, s2;
	v4 =	vor.u32 $0x180, v2  }
0x2fa: {  	v5 =	vld [tilespmem:s12+$0x400];
	[tilespmem:s10+$0x100] =	vst v0  }
0x2fb: {  	v0 =	vld.idx.msk [tilespmem:v1+s13+$0x0], $0xffff  }
0x2fc: {  	s14 =	simm.s32 $0x430;
	v1 =	vor.u32 $0x200, v7  }
0x2fd: {  	v6 =	vld [tilespmem:s14+$0x0];
	[tilespmem:s0+$0x100] =	vst v3  }
0x2fe: {  	v3 =	vld.idx.msk [tilespmem:v4+s13+$0x0], $0xffff  }
0x2ff: {  	v8 =	vor.u32 $0x200, v2;
	v4 =	vshll.u32 v5, $0x3  }
0x300: {  	v4 =	vand.u32 $0xFFFFFC00, v4;
	[tilespmem:s10+$0x180] =	vst v0;
	v0 =	vand.u32 $0x7F, v5  }
0x301: {  	v5 =	vld.idx.msk [tilespmem:v1+s13+$0x0], $0xffff;
	v0 =	vor.u32 v0, v4  }
0x302: {  	v1 =	vshll.u32 v6, $0x3;
	v4 =	vor.u32 $0x280, v7  }
0x303: {  	v6 =	vand.u32 $0x7F, v6;
	v1 =	vand.u32 $0xFFFFFC00, v1;
	[tilespmem:s0+$0x180] =	vst v3  }
0x304: {  	v1 =	vor.u32 v6, v1;
	v3 =	vld.idx.msk [tilespmem:v8+s13+$0x0], $0xffff  }
0x305: {  	v6 =	vor.u32 $0x280, v2  }
0x306: {  	v8 =	vld.idx.msk [tilespmem:v0+s13+$0x0], $0xffff;
	[tilespmem:s10+$0x200] =	vst v5  }
0x307: {  	s3 =	simm.s32 $0x100;
	v5 =	vor.u32 $0x80, v0;
	v4 =	vld.idx.msk [tilespmem:v4+s13+$0x0], $0xffff  }
0x308: {  	s25 =	sand.u32 $0x1C00, s3;
	v9 =	vor.u32 $0x300, v7  }
0x309: {  	s24 =	sand.u32 $0x60, s2;
	s15 =	sadd.s32 $0x14800, s25;
	v10 =	vld.idx.msk [tilespmem:v1+s13+$0x0], $0xffff;
	[tilespmem:s0+$0x200] =	vst v3  }
0x30a: {  	s6 =	sor.u32 s24, s15;
	v3 =	vld.idx.msk [tilespmem:v6+s13+$0x0], $0xffff;
	v6 =	vor.u32 $0x80, v1  }
0x30b: {  	[tilespmem:s6+$0x0] =	vst v8;
	v8 =	vor.u32 $0x300, v2  }
0x30c: {  	s26 =	sor.u32 $0x10, s24;
	v5 =	vld.idx.msk [tilespmem:v5+s13+$0x0], $0xffff;
	[tilespmem:s10+$0x280] =	vst v4  }
0x30d: {  	s4 =	sor.u32 s26, s15;
	v4 =	vld.idx.msk [tilespmem:v9+s13+$0x0], $0xffff;
	v9 =	vor.u32 $0x100, v0  }
0x30e: {  	s18 =	sand.u32 $0x3, s1;
	[tilespmem:s4+$0x0] =	vst v10;
	v10 =	vor.u32 $0x380, v7  }
0x30f: {  	s5 =	sshll.u32 s18, $0x5;
	v6 =	vld.idx.msk [tilespmem:v6+s13+$0x0], $0xffff;
	[tilespmem:s0+$0x280] =	vst v3  }
0x310: {  	s19 =	sadd.s32 $0x0, s5;
	v3 =	vld.idx.msk [tilespmem:v8+s13+$0x0], $0xffff;
	v8 =	vor.u32 $0x100, v1  }
0x311: {  	s5 =	sor.u32 $0x300, s19;
	[tilespmem:s6+$0x80] =	vst v5;
	v5 =	vor.u32 $0x380, v2  }
0x312: {  	v9 =	vld.idx.msk [tilespmem:v9+s13+$0x0], $0xffff;
	[tilespmem:s5+$0x14800] =	vst v4  }
0x313: {  	s20 =	sadd.s32 $0x10, s19;
	v4 =	vld.idx.msk [tilespmem:v10+s13+$0x0], $0xffff;
	v10 =	vor.u32 $0x180, v0  }
0x314: {  	s21 =	sor.u32 $0x300, s20;
	[tilespmem:s4+$0x80] =	vst v6;
	v6 =	vadd.s32 $0x4000, v7  }
0x315: {  	s0 =	simm.s32 $0x40;
	v8 =	vld.idx.msk [tilespmem:v8+s13+$0x0], $0xffff;
	[tilespmem:s21+$0x14800] =	vst v3  }
0x316: {  	s1 =	sor.u32 s1, s1;
	s22 =	sand.u32 $0x3E0, s0;
	v3 =	vld.idx.msk [tilespmem:v5+s13+$0x0], $0xffff;
	v5 =	vor.u32 $0x180, v1  }
0x317: {  	s1 =	sor.u32 $0x380, s1;
	v11 =	vld [tilespmem:s22+$0x400];
	[tilespmem:s6+$0x100] =	vst v9;
	v9 =	vadd.s32 $0x4000, v2  }
0x318: {  	v10 =	vld.idx.msk [tilespmem:v10+s13+$0x0], $0xffff;
	[tilespmem:s1+$0x14800] =	vst v4  }
0x319: {  	s9 =	simm.s32 $0x450;
	v4 =	vld.idx.msk [tilespmem:v6+s13+$0x0], $0xffff;
	v6 =	vor.u32 $0x200, v0  }
0x31a: {  	v12 =	vld [tilespmem:s9+$0x0];
	s10 =	sor.u32 $0x380, s20;
	[tilespmem:s4+$0x100] =	vst v8;
	v8 =	vadd.s32 $0x4080, v7  }
0x31b: {  	v5 =	vld.idx.msk [tilespmem:v5+s13+$0x0], $0xffff;
	[tilespmem:s10+$0x14800] =	vst v3  }
0x31c: {  	s12 =	sadd.s32 $0x16800, s16;
	v13 =	vor.u32 $0x200, v1;
	v3 =	vshll.u32 v11, $0x3;
	v9 =	vld.idx.msk [tilespmem:v9+s13+$0x0], $0xffff  }
0x31d: {  	s14 =	sor.u32 s8, s12;
	v3 =	vand.u32 $0xFFFFFC00, v3;
	[tilespmem:s6+$0x180] =	vst v10;
	v10 =	vand.u32 $0x7F, v11;
	v11 =	vadd.s32 $0x4080, v2  }
0x31e: {  	v6 =	vld.idx.msk [tilespmem:v6+s13+$0x0], $0xffff;
	[tilespmem:s14+$0x0] =	vst v4;
	v3 =	vor.u32 v10, v3  }
0x31f: {  	v4 =	vshll.u32 v12, $0x3;
	v10 =	vor.u32 $0x280, v0;
	v8 =	vld.idx.msk [tilespmem:v8+s13+$0x0], $0xffff  }
0x320: {  	s1 =	sor.u32 s17, s12;
	v12 =	vand.u32 $0x7F, v12;
	v4 =	vand.u32 $0xFFFFFC00, v4;
	[tilespmem:s4+$0x180] =	vst v5;
	v5 =	vadd.s32 $0x4100, v7  }
0x321: {  	v4 =	vor.u32 v12, v4;
	v12 =	vld.idx.msk [tilespmem:v13+s13+$0x0], $0xffff;
	[tilespmem:s1+$0x0] =	vst v9  }
0x322: {  	s15 =	sadd.s32 $0x16880, s16;
	v9 =	vld.idx.msk [tilespmem:v11+s13+$0x0], $0xffff;
	v11 =	vor.u32 $0x280, v1  }
0x323: {  	s18 =	sor.u32 s8, s15;
	v13 =	vld.idx.msk [tilespmem:v3+s13+$0x0], $0xffff;
	[tilespmem:s6+$0x200] =	vst v6;
	v6 =	vadd.s32 $0x4100, v2  }
0x324: {  	s1 =	simm.s32 $0x200;
	v10 =	vld.idx.msk [tilespmem:v10+s13+$0x0], $0xffff;
	[tilespmem:s18+$0x0] =	vst v8;
	v8 =	vor.u32 $0x80, v3  }
0x325: {  	v14 =	vor.u32 $0x300, v0;
	s29 =	sand.u32 $0x1C00, s1;
	v5 =	vld.idx.msk [tilespmem:v5+s13+$0x0], $0xffff  }
0x326: {  	s19 =	sor.u32 s17, s15;
	s28 =	sand.u32 $0x60, s0;
	s20 =	sadd.s32 $0x14800, s29;
	v15 =	vld.idx.msk [tilespmem:v4+s13+$0x0], $0xffff;
	[tilespmem:s4+$0x200] =	vst v12  }
0x327: {  	s5 =	sor.u32 s28, s20;
	v12 =	vadd.s32 $0x4180, v7;
	v11 =	vld.idx.msk [tilespmem:v11+s13+$0x0], $0xffff;
	[tilespmem:s19+$0x0] =	vst v9  }
0x328: {  	s21 =	sadd.s32 $0x16900, s16;
	v9 =	vor.u32 $0x80, v4;
	[tilespmem:s5+$0x0] =	vst v13;
	v6 =	vld.idx.msk [tilespmem:v6+s13+$0x0], $0xffff  }
0x329: {  	s30 =	sor.u32 $0x10, s28;
	s22 =	sor.u32 s8, s21;
	v8 =	vld.idx.msk [tilespmem:v8+s13+$0x0], $0xffff;
	[tilespmem:s6+$0x280] =	vst v10;
	v10 =	vor.u32 $0x300, v1  }
0x32a: {  	s10 =	simm.s32 $0x470;
	s9 =	sor.u32 s30, s20;
	v13 =	vld.idx.msk [tilespmem:v14+s13+$0x0], $0xffff;
	[tilespmem:s22+$0x0] =	vst v5;
	v14 =	vor.u32 $0x100, v3  }
0x32b: {  	s12 =	simm.s32 $0x1;
	v16 =	vld [tilespmem:s10+$0x0];
	v5 =	vadd.s32 $0x4180, v2;
	[tilespmem:s9+$0x0] =	vst v15  }
0x32c: {  	s7 =	sor.u32 s17, s21;
	s14 =	sand.u32 $0x3, s12;
	v15 =	vor.u32 $0x380, v0;
	v12 =	vld.idx.msk [tilespmem:v12+s13+$0x0], $0xffff;
	[tilespmem:s4+$0x280] =	vst v11  }
0x32d: {  	s6 =	sshll.u32 s14, $0x5;
	v9 =	vld.idx.msk [tilespmem:v9+s13+$0x0], $0xffff;
	v11 =	vadd.s32 $0x4200, v7;
	[tilespmem:s7+$0x0] =	vst v6  }
0x32e: {  	s15 =	sadd.s32 $0x100, s6;
	v6 =	vor.u32 $0x100, v4;
	v10 =	vld.idx.msk [tilespmem:v10+s13+$0x0], $0xffff;
	[tilespmem:s5+$0x80] =	vst v8  }
0x32f: {  	s18 =	sadd.s32 $0x16980, s16;
	s6 =	sor.u32 $0x300, s15;
	v14 =	vld.idx.msk [tilespmem:v14+s13+$0x0], $0xffff  }
0x330: {  	s19 =	sor.u32 s8, s18;
	v8 =	vor.u32 $0x380, v1;
	v5 =	vld.idx.msk [tilespmem:v5+s13+$0x0], $0xffff;
	[tilespmem:s6+$0x14800] =	vst v13  }
0x331: {  	s20 =	sadd.s32 $0x10, s15;
	v13 =	vld.idx.msk [tilespmem:v15+s13+$0x0], $0xffff;
	[tilespmem:s19+$0x0] =	vst v12;
	v12 =	vor.u32 $0x180, v3  }
0x332: {  	s21 =	sor.u32 $0x300, s20;
	s4 =	simm.s32 $0x60;
	v11 =	vld.idx.msk [tilespmem:v11+s13+$0x0], $0xffff;
	[tilespmem:s9+$0x80] =	vst v9;
	v9 =	vadd.s32 $0x4000, v0  }
0x333: {  	v17 =	vadd.s32 $0x4200, v2;
	s22 =	sand.u32 $0x3E0, s4;
	v15 =	vld.idx.msk [tilespmem:v6+s13+$0x0], $0xffff;
	[tilespmem:s21+$0x14800] =	vst v10  }
0x334: {  	s2 =	sor.u32 s3, s2;
	s15 =	sor.u32 s17, s18;
	v18 =	vld [tilespmem:s22+$0x400];
	v6 =	vshll.u32 v16, $0x3;
	v10 =	vadd.s32 $0x4280, v7;
	[tilespmem:s5+$0x100] =	vst v14  }
0x335: {  	s2 =	sor.u32 $0x380, s2;
	s12 =	sadd.s32 $0x16A00, s16;
	v16 =	vand.u32 $0x7F, v16;
	v6 =	vand.u32 $0xFFFFFC00, v6;
	v8 =	vld.idx.msk [tilespmem:v8+s13+$0x0], $0xffff;
	v14 =	vor.u32 $0x180, v4;
	[tilespmem:s15+$0x0] =	vst v5  }
0x336: {  	s14 =	sor.u32 s8, s12;
	v6 =	vor.u32 v16, v6;
	v12 =	vld.idx.msk [tilespmem:v12+s13+$0x0], $0xffff;
	[tilespmem:s2+$0x14800] =	vst v13  }
0x337: {  	v13 =	vadd.s32 $0x4000, v1;
	v9 =	vld.idx.msk [tilespmem:v9+s13+$0x0], $0xffff;
	[tilespmem:s14+$0x0] =	vst v11  }
0x338: {  	v5 =	vor.u32 $0x200, v3;
	[tilespmem:s9+$0x100] =	vst v15;
	v15 =	vld.idx.msk [tilespmem:v17+s13+$0x0], $0xffff  }
0x339: {  	v11 =	vadd.s32 $0x4080, v0;
	v10 =	vld.idx.msk [tilespmem:v10+s13+$0x0], $0xffff  }
0x33a: {  	s18 =	sor.u32 $0x380, s20;
	v17 =	vadd.s32 $0x4280, v2;
	v14 =	vld.idx.msk [tilespmem:v14+s13+$0x0], $0xffff  }
0x33b: {  	s19 =	sadd.s32 $0x16800, s25;
	v16 =	vadd.s32 $0x4300, v7;
	[tilespmem:s18+$0x14800] =	vst v8;
	v8 =	vld.idx.msk [tilespmem:v6+s13+$0x0], $0xffff  }
0x33c: {  	s20 =	sor.u32 s24, s19;
	v19 =	vshll.u32 v18, $0x3;
	v13 =	vld.idx.msk [tilespmem:v13+s13+$0x0], $0xffff;
	[tilespmem:s5+$0x180] =	vst v12;
	v12 =	vor.u32 $0x200, v4  }
0x33d: {  	s3 =	sor.u32 s17, s12;
	s21 =	sadd.s32 $0x16A80, s16;
	v18 =	vand.u32 $0x7F, v18;
	v19 =	vand.u32 $0xFFFFFC00, v19;
	v20 =	vld.idx.msk [tilespmem:v5+s13+$0x0], $0xffff;
	[tilespmem:s20+$0x0] =	vst v9;
	v9 =	vadd.s32 $0x4080, v1  }
0x33e: {  	s22 =	sor.u32 s8, s21;
	v5 =	vor.u32 v18, v19;
	v11 =	vld.idx.msk [tilespmem:v11+s13+$0x0], $0xffff;
	[tilespmem:s3+$0x0] =	vst v15  }
0x33f: {  	[tilespmem:s22+$0x0] =	vst v10;
	v10 =	vor.u32 $0x280, v3;
	v15 =	vld.idx.msk [tilespmem:v17+s13+$0x0], $0xffff  }
0x340: {  	s2 =	sor.u32 s26, s19;
	v16 =	vld.idx.msk [tilespmem:v16+s13+$0x0], $0xffff;
	[tilespmem:s9+$0x180] =	vst v14;
	v14 =	vadd.s32 $0x4100, v0  }
0x341: {  	s6 =	sadd.s32 $0x16880, s25;
	v7 =	vadd.s32 $0x4380, v7;
	v12 =	vld.idx.msk [tilespmem:v12+s13+$0x0], $0xffff;
	[tilespmem:s2+$0x0] =	vst v13  }
0x342: {  	s12 =	sor.u32 s24, s6;
	v13 =	vadd.s32 $0x4300, v2;
	v9 =	vld.idx.msk [tilespmem:v9+s13+$0x0], $0xffff;
	[tilespmem:s5+$0x200] =	vst v20  }
0x343: {  	s7 =	sor.u32 s17, s21;
	s14 =	sadd.s32 $0x16B00, s16;
	v18 =	vor.u32 $0x280, v4;
	v17 =	vld.idx.msk [tilespmem:v5+s13+$0x0], $0xffff;
	[tilespmem:s12+$0x0] =	vst v11  }
0x344: {  	s15 =	sor.u32 s8, s14;
	s3 =	simm.s32 $0x300;
	v11 =	vadd.s32 $0x4100, v1;
	v10 =	vld.idx.msk [tilespmem:v10+s13+$0x0], $0xffff;
	[tilespmem:s7+$0x0] =	vst v15  }
0x345: {  	v19 =	vor.u32 $0x80, v5;
	s10 =	sand.u32 $0x1C00, s3;
	v14 =	vld.idx.msk [tilespmem:v14+s13+$0x0], $0xffff;
	[tilespmem:s15+$0x0] =	vst v16  }
0x346: {  	s21 =	sand.u32 $0x60, s4;
	s18 =	sadd.s32 $0x14800, s10;
	s2 =	sor.u32 s26, s6;
	v16 =	vor.u32 $0x300, v3;
	v63 =	vld.idx.msk [tilespmem:v7+s13+$0x0], $0xffff;
	[tilespmem:s9+$0x200] =	vst v12  }
0x347: {  	v21 =	vadd.s32 $0x4180, v0;
	s15 =	sor.u32 s21, s18;
	v7 =	vld.idx.msk [tilespmem:v13+s13+$0x0], $0xffff;
	[tilespmem:s2+$0x0] =	vst v9  }
0x348: {  	s19 =	sadd.s32 $0x16900, s25;
	v13 =	vld.idx.msk [tilespmem:v18+s13+$0x0], $0xffff;
	[tilespmem:s15+$0x0] =	vst v17  }
0x349: {  	s16 =	sadd.s32 $0x16B80, s16;
	s31 =	sor.u32 s17, s14;
	s20 =	sor.u32 s24, s19;
	v17 =	vor.u32 $0x80, v6;
	v11 =	vld.idx.msk [tilespmem:v11+s13+$0x0], $0xffff;
	[tilespmem:s5+$0x280] =	vst v10  }
0x34a: {  	s22 =	sor.u32 s8, s16;
	s8 =	sor.u32 s17, s16;
	s17 =	simm.s32 $0x490;
	v15 =	vld.idx.msk [tilespmem:v19+s13+$0x0], $0xffff;
	[tilespmem:s20+$0x0] =	vst v14;
	v14 =	vor.u32 $0x300, v4  }
0x34b: {  	s16 =	simm.s32 $0x60;
	s12 =	simm.s32 $0x6;
	s2 =	sor.u32 $0x10, s21;
	v9 =	vadd.s32 $0x4180, v1;
	v12 =	vld.idx.msk [tilespmem:v16+s13+$0x0], $0xffff  }
0x34c: {  	s7 =	sor.u32 s26, s19;
	s14 =	sor.u32 s2, s18;
	s5 =	simm.s32 $0x2;
	v16 =	vor.u32 $0x100, v5;
	v10 =	vld.idx.msk [tilespmem:v21+s13+$0x0], $0xffff;
	[tilespmem:s22+$0x0] =	vst v63  }
.LBB2_9:
0x34d: {  	v18 =	vld [tilespmem:s17+$0x0];
	[tilespmem:s14+$0x0] =	vst v8;
	s6 =	sand.u32 $0x3, s5;
	v8 =	vor.u32 $0x380, v3;
	s18 =	smov.u32 s10;
	s19 =	smov.u32 s24  }
0x34e: {  	s24 =	smov.u32 s28;
	s28 =	smov.u32 s21;
	v17 =	vld.idx.msk [tilespmem:v17+s13+$0x0], $0xffff;
	s6 =	sshll.u32 s6, $0x5;
	[tilespmem:s9+$0x280] =	vst v13;
	v13 =	vadd.s32 $0x4200, v0  }
0x34f: {  	s9 =	sadd.s32 s6, s1;
	v14 =	vld.idx.msk [tilespmem:v14+s13+$0x0], $0xffff;
	[tilespmem:s7+$0x0] =	vst v11;
	v11 =	vadd.s32 $0x4380, v2;
	v2 =	vmovc v1;
	v1 =	vmov v4;
	v4 =	vmov v6;
	s7 =	smov.u32 s15;
	s6 =	smov.u32 s26  }
0x350: {  	s15 =	sadd.s32 $0x16980, s25;
	[tilespmem:s7+$0x80] =	vst v15;
	v6 =	vor.u32 $0x100, v4;
	s10 =	sor.u32 $0x300, s9;
	s9 =	sadd.s32 $0x10, s9;
	v9 =	vld.idx.msk [tilespmem:v9+s13+$0x0], $0xffff  }
0x351: {  	v15 =	vld.idx.msk [tilespmem:v16+s13+$0x0], $0xffff;
	[tilespmem:s10+$0x14800] =	vst v12;
	s10 =	sor.u32 $0x300, s9;
	v12 =	vor.u32 $0x380, v1;
	s20 =	sor.u32 $0x380, s9;
	s9 =	sor.u32 s19, s15  }
0x352: {  	s26 =	smov.u32 s30;
	s30 =	smov.u32 s2;
	s15 =	sor.u32 s6, s15;
	v8 =	vld.idx.msk [tilespmem:v8+s13+$0x0], $0xffff;
	[tilespmem:s9+$0x0] =	vst v10  }
0x353: {  	v10 =	vor.u32 $0x180, v5;
	s9 =	smov.u32 s14;
	v13 =	vld.idx.msk [tilespmem:v13+s13+$0x0], $0xffff;
	[tilespmem:s31+$0x0] =	vst v7  }
0x354: {  	v7 =	vadd.s32 $0x4000, v3;
	[tilespmem:s9+$0x80] =	vst v17;
	v11 =	vld.idx.msk [tilespmem:v11+s13+$0x0], $0xffff  }
0x355: {  	s4 =	sadd.s32 $0x20, s4;
	v16 =	vld.idx.msk [tilespmem:v6+s13+$0x0], $0xffff;
	[tilespmem:s10+$0x14800] =	vst v14;
	v14 =	vadd.s32 $0x4280, v0  }
0x356: {  	s2 =	sand.u32 $0x3E0, s4;
	s1 =	sor.u32 s1, s0;
	s0 =	smov.u32 s16;
	v12 =	vld.idx.msk [tilespmem:v12+s13+$0x0], $0xffff;
	[tilespmem:s15+$0x0] =	vst v9;
	v9 =	vadd.s32 $0x4200, v2  }
0x357: {  	s16 =	smov.u32 s4;
	s1 =	sor.u32 $0x380, s1;
	v6 =	vshll.u32 v18, $0x3;
	v17 =	vld [tilespmem:s2+$0x400];
	[tilespmem:s7+$0x100] =	vst v15;
	v15 =	vor.u32 $0x180, v4;
	s2 =	sadd.s32 $0x16A00, s25  }
0x358: {  	s12 =	sadd.s32 $0x2, s12;
	v18 =	vand.u32 $0x7F, v18;
	v6 =	vand.u32 $0xFFFFFC00, v6;
	v10 =	vld.idx.msk [tilespmem:v10+s13+$0x0], $0xffff;
	[tilespmem:s1+$0x14800] =	vst v8;
	v8 =	vadd.s32 $0x4000, v1;
	s1 =	sor.u32 s19, s2;
	s2 =	sor.u32 s6, s2  }
0x359: {  	p0 =	slt.u32 s12, $0x3E;
	v6 =	vor.u32 v18, v6;
	v7 =	vld.idx.msk [tilespmem:v7+s13+$0x0], $0xffff;
	[tilespmem:s1+$0x0] =	vst v13;
	s1 =	smov.u32 s3  }
0x35a: {  	v13 =	vor.u32 $0x200, v5;
	v14 =	vld.idx.msk [tilespmem:v14+s13+$0x0], $0xffff;
	[tilespmem:s8+$0x0] =	vst v11  }
0x35b: {  	v11 =	vadd.s32 $0x4080, v3;
	[tilespmem:s9+$0x100] =	vst v16;
	v9 =	vld.idx.msk [tilespmem:v9+s13+$0x0], $0xffff  }
0x35c: {  	v15 =	vld.idx.msk [tilespmem:v15+s13+$0x0], $0xffff;
	[tilespmem:s20+$0x14800] =	vst v12;
	v12 =	vadd.s32 $0x4300, v0  }
0x35d: {  	v18 =	vadd.s32 $0x4280, v2;
	s8 =	sadd.s32 $0x16800, s29;
	v16 =	vld.idx.msk [tilespmem:v8+s13+$0x0], $0xffff  }
0x35e: {  	s14 =	sadd.s32 $0x16A80, s25;
	s10 =	sor.u32 s24, s8;
	s8 =	sor.u32 s26, s8;
	v19 =	vshll.u32 v17, $0x3;
	v8 =	vld.idx.msk [tilespmem:v6+s13+$0x0], $0xffff;
	[tilespmem:s7+$0x180] =	vst v10;
	v10 =	vor.u32 $0x200, v4  }
0x35f: {  	v17 =	vand.u32 $0x7F, v17;
	v19 =	vand.u32 $0xFFFFFC00, v19;
	v13 =	vld.idx.msk [tilespmem:v13+s13+$0x0], $0xffff;
	[tilespmem:s10+$0x0] =	vst v7;
	v7 =	vadd.s32 $0x4080, v1;
	s10 =	sor.u32 s19, s14;
	s14 =	sor.u32 s6, s14  }
0x360: {  	v17 =	vor.u32 v17, v19;
	v11 =	vld.idx.msk [tilespmem:v11+s13+$0x0], $0xffff;
	[tilespmem:s10+$0x0] =	vst v14  }
0x361: {  	v14 =	vor.u32 $0x280, v5;
	v12 =	vld.idx.msk [tilespmem:v12+s13+$0x0], $0xffff;
	[tilespmem:s2+$0x0] =	vst v9  }
0x362: {  	v9 =	vadd.s32 $0x4100, v3;
	[tilespmem:s9+$0x180] =	vst v15;
	v15 =	vld.idx.msk [tilespmem:v18+s13+$0x0], $0xffff  }
0x363: {  	v10 =	vld.idx.msk [tilespmem:v10+s13+$0x0], $0xffff;
	[tilespmem:s8+$0x0] =	vst v16;
	v16 =	vadd.s32 $0x4380, v0;
	v0 =	vmovc v3;
	v3 =	vmov v5;
	v5 =	vmov v17  }
0x364: {  	s2 =	sadd.s32 $0x16880, s29;
	v18 =	vld.idx.msk [tilespmem:v7+s13+$0x0], $0xffff;
	v7 =	vadd.s32 $0x4300, v2  }
0x365: {  	s20 =	sor.u32 s26, s2;
	s8 =	sor.u32 s24, s2;
	s2 =	sadd.s32 $0x16B00, s25;
	v17 =	vld.idx.msk [tilespmem:v17+s13+$0x0], $0xffff;
	[tilespmem:s7+$0x200] =	vst v13;
	v13 =	vor.u32 $0x280, v4  }
0x366: {  	s31 =	sor.u32 s6, s2;
	v14 =	vld.idx.msk [tilespmem:v14+s13+$0x0], $0xffff;
	[tilespmem:s8+$0x0] =	vst v11;
	v11 =	vadd.s32 $0x4100, v1;
	s8 =	sor.u32 s19, s2  }
0x367: {  	s3 =	sadd.s32 $0x100, s3;
	v19 =	vor.u32 $0x80, v5;
	v9 =	vld.idx.msk [tilespmem:v9+s13+$0x0], $0xffff;
	[tilespmem:s8+$0x0] =	vst v12  }
0x368: {  	s10 =	sand.u32 $0x1C00, s3;
	v12 =	vor.u32 $0x300, v3;
	v20 =	vld.idx.msk [tilespmem:v16+s13+$0x0], $0xffff;
	[tilespmem:s14+$0x0] =	vst v15  }
0x369: {  	s21 =	sand.u32 $0x60, s4;
	s8 =	sadd.s32 $0x14800, s10;
	[tilespmem:s9+$0x200] =	vst v10;
	v10 =	vadd.s32 $0x4180, v0;
	v7 =	vld.idx.msk [tilespmem:v7+s13+$0x0], $0xffff  }
.Ltmp3:
0x36a: {  	s2 =	sor.u32 $0x10, s21;
	s15 =	sor.u32 s21, s8;
	v13 =	vld.idx.msk [tilespmem:v13+s13+$0x0], $0xffff;
	[tilespmem:s20+$0x0] =	vst v18;
	(pc) =	sbr.rel @p0 .LBB2_9-.Ltmp3, $4  }
0x36b: {  	s14 =	sor.u32 s2, s8;
	s8 =	sadd.s32 $0x16900, s29;
	[tilespmem:s15+$0x0] =	vst v17;
	v17 =	vor.u32 $0x80, v6;
	v11 =	vld.idx.msk [tilespmem:v11+s13+$0x0], $0xffff  }
0x36c: {  	s20 =	sor.u32 s24, s8;
	v15 =	vld.idx.msk [tilespmem:v19+s13+$0x0], $0xffff;
	[tilespmem:s7+$0x280] =	vst v14;
	v14 =	vor.u32 $0x300, v4;
	s7 =	sor.u32 s26, s8;
	s8 =	sadd.s32 $0x16B80, s25  }
0x36d: {  	s25 =	smov.u32 s29;
	v12 =	vld.idx.msk [tilespmem:v12+s13+$0x0], $0xffff;
	[tilespmem:s20+$0x0] =	vst v9;
	v9 =	vadd.s32 $0x4180, v1;
	s19 =	sor.u32 s19, s8;
	s8 =	sor.u32 s6, s8  }
0x36e: {  	s17 =	sadd.s32 $0x20, s17;
	s5 =	sadd.s32 $0x1, s5;
	v16 =	vor.u32 $0x100, v5;
	s29 =	smov.u32 s18;
	v10 =	vld.idx.msk [tilespmem:v10+s13+$0x0], $0xffff;
	[tilespmem:s19+$0x0] =	vst v20  }
0x36f: {  	_ =	sdelay $0x2  }
0x370: {  	[tilespmem:s14+$0x0] =	vst v8  }
0x371: {  	v8 =	vld.idx.msk [tilespmem:v17+s13+$0x0], $0xffff  }
0x372: {  	v48 =	vor.u32 $0x100, v6;
	_ =	sdelay $0x2  }
0x373: {  	[tilespmem:s15+$0x80] =	vst v15  }
0x374: {  	v15 =	vld.idx.msk [tilespmem:v16+s13+$0x0], $0xffff;
	[tilespmem:s14+$0x80] =	vst v8  }
0x375: {  	v49 =	vor.u32 $0x180, v5;
	v50 =	vld.idx.msk [tilespmem:v48+s13+$0x0], $0xffff  }
0x376: {  	v51 =	vor.u32 $0x180, v6;
	_ =	sdelay $0x2  }
0x377: {  	[tilespmem:s15+$0x100] =	vst v15  }
0x378: {  	v8 =	vld.idx.msk [tilespmem:v49+s13+$0x0], $0xffff;
	[tilespmem:s14+$0x100] =	vst v50  }
0x379: {  	v52 =	vor.u32 $0x200, v5;
	v16 =	vld.idx.msk [tilespmem:v51+s13+$0x0], $0xffff  }
0x37a: {  	v53 =	vor.u32 $0x200, v6;
	_ =	sdelay $0x2  }
0x37b: {  	[tilespmem:s15+$0x180] =	vst v8  }
0x37c: {  	v8 =	vld.idx.msk [tilespmem:v52+s13+$0x0], $0xffff;
	[tilespmem:s14+$0x180] =	vst v16  }
0x37d: {  	v54 =	vor.u32 $0x280, v5;
	v16 =	vld.idx.msk [tilespmem:v53+s13+$0x0], $0xffff  }
0x37e: {  	v55 =	vor.u32 $0x280, v6;
	_ =	sdelay $0x2  }
0x37f: {  	[tilespmem:s15+$0x200] =	vst v8  }
0x380: {  	v8 =	vld.idx.msk [tilespmem:v54+s13+$0x0], $0xffff;
	[tilespmem:s14+$0x200] =	vst v16  }
0x381: {  	v56 =	vor.u32 $0x300, v5;
	v16 =	vld.idx.msk [tilespmem:v55+s13+$0x0], $0xffff  }
0x382: {  	v57 =	vor.u32 $0x300, v6;
	_ =	sdelay $0x1  }
0x383: {  	[tilespmem:s9+$0x280] =	vst v13;
	s4 =	sand.u32 $0x3, s5;
	v58 =	vor.u32 $0x380, v3  }
0x384: {  	v13 =	vld.idx.msk [tilespmem:v14+s13+$0x0], $0xffff;
	s4 =	sshll.u32 s4, $0x5;
	[tilespmem:s15+$0x280] =	vst v8  }
0x385: {  	v59 =	vor.u32 $0x380, v4;
	s18 =	sadd.s32 $0x1, s5;
	s4 =	sadd.s32 s4, s1;
	v15 =	vld.idx.msk [tilespmem:v56+s13+$0x0], $0xffff;
	[tilespmem:s14+$0x280] =	vst v16  }
0x386: {  	v60 =	vor.u32 $0x380, v5;
	s5 =	sand.u32 $0x3, s18;
	s6 =	sor.u32 $0x300, s4;
	v17 =	vld.idx.msk [tilespmem:v57+s13+$0x0], $0xffff  }
0x387: {  	v18 =	vor.u32 $0x380, v6;
	s5 =	sshll.u32 s5, $0x5;
	s4 =	sadd.s32 $0x10, s4;
	[tilespmem:s6+$0x14800] =	vst v12  }
0x388: {  	s5 =	sadd.s32 s5, s3;
	s19 =	sor.u32 $0x300, s4;
	v8 =	vld.idx.msk [tilespmem:v58+s13+$0x0], $0xffff  }
0x389: {  	v61 =	vadd.s32 $0x4000, v3;
	s20 =	sor.u32 $0x300, s5;
	s5 =	sadd.s32 $0x10, s5;
	[tilespmem:s19+$0x14800] =	vst v13  }
0x38a: {  	s22 =	sor.u32 $0x300, s5;
	v13 =	vld.idx.msk [tilespmem:v59+s13+$0x0], $0xffff;
	[tilespmem:s20+$0x14800] =	vst v15  }
0x38b: {  	v62 =	vadd.s32 $0x4000, v4;
	s0 =	sor.u32 s1, s0;
	v15 =	vld.idx.msk [tilespmem:v60+s13+$0x0], $0xffff;
	[tilespmem:s22+$0x14800] =	vst v17  }
0x38c: {  	v63 =	vadd.s32 $0x4000, v5;
	s0 =	sor.u32 $0x380, s0;
	v17 =	vld.idx.msk [tilespmem:v18+s13+$0x0], $0xffff  }
0x38d: {  	v21 =	vadd.s32 $0x4000, v6;
	[tilespmem:s0+$0x14800] =	vst v8  }
0x38e: {  	s3 =	sor.u32 s3, s16;
	s4 =	sor.u32 $0x380, s4;
	v8 =	vld.idx.msk [tilespmem:v61+s13+$0x0], $0xffff  }
0x38f: {  	v22 =	vadd.s32 $0x4080, v3;
	[tilespmem:s4+$0x14800] =	vst v13;
	s0 =	sor.u32 $0x380, s3  }
0x390: {  	s5 =	sor.u32 $0x380, s5;
	v13 =	vld.idx.msk [tilespmem:v62+s13+$0x0], $0xffff;
	[tilespmem:s0+$0x14800] =	vst v15  }
0x391: {  	v23 =	vadd.s32 $0x4080, v4;
	s6 =	sadd.s32 $0x16800, s29;
	v15 =	vld.idx.msk [tilespmem:v63+s13+$0x0], $0xffff;
	[tilespmem:s5+$0x14800] =	vst v17  }
0x392: {  	v24 =	vadd.s32 $0x4080, v5;
	s9 =	sor.u32 s28, s6;
	v17 =	vld.idx.msk [tilespmem:v21+s13+$0x0], $0xffff  }
0x393: {  	v25 =	vadd.s32 $0x4080, v6;
	[tilespmem:s9+$0x0] =	vst v8  }
0x394: {  	s12 =	sadd.s32 $0x16800, s10;
	s0 =	sor.u32 s30, s6;
	v8 =	vld.idx.msk [tilespmem:v22+s13+$0x0], $0xffff  }
0x395: {  	v26 =	vadd.s32 $0x4100, v3;
	s14 =	sor.u32 s21, s12;
	[tilespmem:s0+$0x0] =	vst v13  }
0x396: {  	s15 =	sor.u32 s2, s12;
	v13 =	vld.idx.msk [tilespmem:v23+s13+$0x0], $0xffff;
	[tilespmem:s14+$0x0] =	vst v15  }
0x397: {  	v27 =	vadd.s32 $0x4100, v4;
	s16 =	sadd.s32 $0x16880, s29;
	v15 =	vld.idx.msk [tilespmem:v24+s13+$0x0], $0xffff;
	[tilespmem:s15+$0x0] =	vst v17  }
0x398: {  	v28 =	vadd.s32 $0x4100, v5;
	s17 =	sor.u32 s28, s16;
	v17 =	vld.idx.msk [tilespmem:v25+s13+$0x0], $0xffff  }
0x399: {  	v29 =	vadd.s32 $0x4100, v6;
	[tilespmem:s17+$0x0] =	vst v8  }
0x39a: {  	[tilespmem:s31+$0x0] =	vst v7;
	v2 =	vadd.s32 $0x4380, v2;
	s18 =	sadd.s32 $0x16880, s10;
	s0 =	sor.u32 s30, s16;
	v12 =	vld.idx.msk [tilespmem:v26+s13+$0x0], $0xffff  }
0x39b: {  	v31 =	vadd.s32 $0x4180, v3;
	s19 =	sor.u32 s21, s18;
	[tilespmem:s0+$0x0] =	vst v13  }
0x39c: {  	s1 =	sor.u32 s2, s18;
	v14 =	vld.idx.msk [tilespmem:v27+s13+$0x0], $0xffff;
	[tilespmem:s19+$0x0] =	vst v15  }
0x39d: {  	v32 =	vadd.s32 $0x4180, v4;
	s3 =	sadd.s32 $0x16900, s29;
	v16 =	vld.idx.msk [tilespmem:v28+s13+$0x0], $0xffff;
	[tilespmem:s1+$0x0] =	vst v17  }
0x39e: {  	v33 =	vadd.s32 $0x4180, v5;
	[tilespmem:s7+$0x0] =	vst v11;
	s20 =	sadd.s32 $0x16980, s25;
	s4 =	sor.u32 s28, s3;
	v11 =	vld.idx.msk [tilespmem:v29+s13+$0x0], $0xffff  }
0x39f: {  	v34 =	vadd.s32 $0x4180, v6;
	v2 =	vld.idx.msk [tilespmem:v2+s13+$0x0], $0xffff;
	s22 =	sor.u32 s24, s20;
	[tilespmem:s4+$0x0] =	vst v12  }
0x3a0: {  	v30 =	vadd.s32 $0x4200, v0;
	[tilespmem:s22+$0x0] =	vst v10;
	s5 =	sadd.s32 $0x16900, s10;
	v13 =	vld.idx.msk [tilespmem:v31+s13+$0x0], $0xffff;
	s1 =	sor.u32 s30, s3  }
0x3a1: {  	v36 =	vadd.s32 $0x4200, v3;
	v9 =	vld.idx.msk [tilespmem:v9+s13+$0x0], $0xffff;
	s6 =	sor.u32 s21, s5;
	[tilespmem:s1+$0x0] =	vst v14  }
0x3a2: {  	v35 =	vadd.s32 $0x4200, v1;
	s3 =	sor.u32 s2, s5;
	v15 =	vld.idx.msk [tilespmem:v32+s13+$0x0], $0xffff;
	[tilespmem:s6+$0x0] =	vst v16  }
0x3a3: {  	v37 =	vadd.s32 $0x4200, v4;
	s12 =	sadd.s32 $0x16980, s29;
	v10 =	vld.idx.msk [tilespmem:v33+s13+$0x0], $0xffff;
	[tilespmem:s3+$0x0] =	vst v11  }
0x3a4: {  	v38 =	vadd.s32 $0x4200, v5;
	[tilespmem:s8+$0x0] =	vst v2;
	s14 =	sor.u32 s28, s12;
	v7 =	vld.idx.msk [tilespmem:v34+s13+$0x0], $0xffff  }
0x3a5: {  	v39 =	vadd.s32 $0x4200, v6;
	v8 =	vld.idx.msk [tilespmem:v30+s13+$0x0], $0xffff;
	s0 =	sor.u32 s26, s20;
	[tilespmem:s14+$0x0] =	vst v13  }
0x3a6: {  	v40 =	vadd.s32 $0x4280, v0;
	s16 =	sadd.s32 $0x16980, s10;
	[tilespmem:s0+$0x0] =	vst v9;
	s15 =	sor.u32 s30, s12;
	v14 =	vld.idx.msk [tilespmem:v36+s13+$0x0], $0xffff  }
0x3a7: {  	v42 =	vadd.s32 $0x4280, v3;
	s17 =	sor.u32 s21, s16;
	v12 =	vld.idx.msk [tilespmem:v35+s13+$0x0], $0xffff;
	[tilespmem:s15+$0x0] =	vst v15  }
0x3a8: {  	v41 =	vadd.s32 $0x4280, v1;
	s7 =	sadd.s32 $0x16A00, s25;
	s18 =	sor.u32 s2, s16;
	[tilespmem:s17+$0x0] =	vst v10;
	v15 =	vld.idx.msk [tilespmem:v37+s13+$0x0], $0xffff  }
0x3a9: {  	v43 =	vadd.s32 $0x4280, v4;
	s9 =	sor.u32 s24, s7;
	s20 =	sadd.s32 $0x16A00, s29;
	v9 =	vld.idx.msk [tilespmem:v38+s13+$0x0], $0xffff;
	[tilespmem:s18+$0x0] =	vst v7  }
0x3aa: {  	v44 =	vadd.s32 $0x4280, v5;
	s22 =	sor.u32 s28, s20;
	[tilespmem:s9+$0x0] =	vst v8;
	v8 =	vld.idx.msk [tilespmem:v39+s13+$0x0], $0xffff  }
0x3ab: {  	v45 =	vadd.s32 $0x4280, v6;
	s19 =	sor.u32 s26, s7;
	v11 =	vld.idx.msk [tilespmem:v40+s13+$0x0], $0xffff;
	[tilespmem:s22+$0x0] =	vst v14  }
0x3ac: {  	v46 =	vadd.s32 $0x4300, v0;
	s31 =	sadd.s32 $0x16A00, s10;
	[tilespmem:s19+$0x0] =	vst v12;
	s1 =	sor.u32 s30, s20;
	v10 =	vld.idx.msk [tilespmem:v42+s13+$0x0], $0xffff  }
0x3ad: {  	v48 =	vadd.s32 $0x4300, v3;
	v13 =	vld.idx.msk [tilespmem:v41+s13+$0x0], $0xffff;
	s3 =	sor.u32 s21, s31;
	[tilespmem:s1+$0x0] =	vst v15  }
0x3ae: {  	v47 =	vadd.s32 $0x4300, v1;
	s0 =	sor.u32 s2, s31;
	s4 =	sadd.s32 $0x16A80, s25;
	[tilespmem:s3+$0x0] =	vst v9;
	v7 =	vld.idx.msk [tilespmem:v43+s13+$0x0], $0xffff  }
0x3af: {  	v49 =	vadd.s32 $0x4300, v4;
	s5 =	sor.u32 s24, s4;
	s6 =	sadd.s32 $0x16A80, s29;
	v2 =	vld.idx.msk [tilespmem:v44+s13+$0x0], $0xffff;
	[tilespmem:s0+$0x0] =	vst v8  }
0x3b0: {  	v50 =	vadd.s32 $0x4300, v5;
	s7 =	sor.u32 s28, s6;
	[tilespmem:s5+$0x0] =	vst v11;
	v12 =	vld.idx.msk [tilespmem:v45+s13+$0x0], $0xffff  }
0x3b1: {  	v52 =	vadd.s32 $0x4300, v6;
	v51 =	vld.idx.msk [tilespmem:v46+s13+$0x0], $0xffff;
	s1 =	sor.u32 s26, s4;
	[tilespmem:s7+$0x0] =	vst v10  }
0x3b2: {  	s8 =	sadd.s32 $0x16A80, s10;
	v53 =	vadd.s32 $0x4380, v0;
	[tilespmem:s1+$0x0] =	vst v13;
	v9 =	vld.idx.msk [tilespmem:v48+s13+$0x0], $0xffff;
	s0 =	sor.u32 s30, s6  }
0x3b3: {  	v55 =	vadd.s32 $0x4380, v3;
	s9 =	sor.u32 s21, s8;
	v14 =	vld.idx.msk [tilespmem:v47+s13+$0x0], $0xffff;
	[tilespmem:s0+$0x0] =	vst v7  }
0x3b4: {  	v54 =	vadd.s32 $0x4380, v1;
	s12 =	sadd.s32 $0x16B00, s25;
	s1 =	sor.u32 s2, s8;
	[tilespmem:s9+$0x0] =	vst v2;
	v56 =	vld.idx.msk [tilespmem:v49+s13+$0x0], $0xffff  }
0x3b5: {  	v57 =	vadd.s32 $0x4380, v4;
	s14 =	sor.u32 s24, s12;
	s15 =	sadd.s32 $0x16B00, s29;
	v58 =	vld.idx.msk [tilespmem:v50+s13+$0x0], $0xffff;
	[tilespmem:s1+$0x0] =	vst v12  }
0x3b6: {  	v59 =	vadd.s32 $0x4380, v5;
	s16 =	sor.u32 s28, s15;
	[tilespmem:s14+$0x0] =	vst v51;
	v60 =	vld.idx.msk [tilespmem:v52+s13+$0x0], $0xffff  }
0x3b7: {  	v61 =	vadd.s32 $0x4380, v6;
	v0 =	vld.idx.msk [tilespmem:v53+s13+$0x0], $0xffff;
	s0 =	sor.u32 s26, s12;
	[tilespmem:s16+$0x0] =	vst v9  }
0x3b8: {  	s17 =	sadd.s32 $0x16B00, s10;
	[tilespmem:s0+$0x0] =	vst v14;
	v2 =	vld.idx.msk [tilespmem:v55+s13+$0x0], $0xffff;
	s1 =	sor.u32 s30, s15  }
0x3b9: {  	s18 =	sor.u32 s21, s17;
	v1 =	vld.idx.msk [tilespmem:v54+s13+$0x0], $0xffff;
	[tilespmem:s1+$0x0] =	vst v56  }
0x3ba: {  	s19 =	sadd.s32 $0x16B80, s25;
	s0 =	sor.u32 s2, s17;
	[tilespmem:s18+$0x0] =	vst v58;
	v3 =	vld.idx.msk [tilespmem:v57+s13+$0x0], $0xffff  }
0x3bb: {  	s20 =	sor.u32 s24, s19;
	s22 =	sadd.s32 $0x16B80, s29;
	v62 =	vld.idx.msk [tilespmem:v59+s13+$0x0], $0xffff;
	[tilespmem:s0+$0x0] =	vst v60  }
0x3bc: {  	s24 =	sor.u32 s28, s22;
	[tilespmem:s20+$0x0] =	vst v0;
	v63 =	vld.idx.msk [tilespmem:v61+s13+$0x0], $0xffff  }
0x3bd: {  	s1 =	sor.u32 s26, s19;
	[tilespmem:s24+$0x0] =	vst v2  }
0x3be: {  	s25 =	sadd.s32 $0x16B80, s10;
	[tilespmem:s1+$0x0] =	vst v1;
	s0 =	sor.u32 s30, s22  }
0x3bf: {  	s26 =	sor.u32 s21, s25;
	[tilespmem:s0+$0x0] =	vst v3  }
0x3c0: {  	s1 =	sor.u32 s2, s25;
	[tilespmem:s26+$0x0] =	vst v62  }
0x3c1: {  	[tilespmem:s1+$0x0] =	vst v63  }
0x3c2: {  	s31 =	rddreg [dreg:$0xa]  }
0x3c3: {  	s2 =	sadd.s32 $0x1, s31  }
0x3c4: {  	p0 =	sne.s32 s2, $0x20  }
.Ltmp4:
0x3c5: {  	_ = 	snop;
	(pc) =	sbr.rel @p0 .LBB2_2-.Ltmp4, $4  }
0x3c6: {  	_ = 	snop  }
0x3c7: {  	s29 =	simm.s32 $0x4000;
	s0 =	rddreg [dreg:$0x6]  }
0x3c8: {  	s28 =	simm.s32 $0x2000;
	s30 =	simm.s32 $0x14800;
	s0 =	sadd.s32 s23, s0  }
0x3c9: {  	[hbm4b:s0+s28] =	stream.strided.scatter [tilespmem:s30], [sflag:$0x4], $0x4000, s29, s28, $0x38;
	[tilespmem:$0x18800] =	vst v63  }
0x3ca: {  	s0 =	simm.s32 $0x3  }
0x3cb: {  	_ =	swait.ge [sflag:s0], $0x4000  }
0x3cc: {  	[sflag:s0] =	ssyncset.done $0x0  }
0x3cd: {  	s1 =	simm.s32 $0x4;
	[sflag:s0] =	ssyncadd.s32 $0xFFFFC000  }
0x3ce: {  	_ =	swait.ge [sflag:s1], $0x4000  }
0x3cf: {  	s2 =	rddreg [dreg:$0x9]  }
0x3d0: {  	s31 =	rddreg [dreg:$0x8];
	s2 =	sadd.s32 $0x1, s2  }
0x3d1: {  	p0 =	sne.s32 s2, s31  }
.Ltmp5:
0x3d2: {  	_ = 	snop;
	(pc) =	sbr.rel @p0 .LBB2_1-.Ltmp5, $3  }
0x3d3: {  	_ =	sdelay $0x1  }
0x3d4: {  	[sflag:s1] =	ssyncset.done $0x0  }
0x3d5: {  	[sflag:s1] =	ssyncadd.s32 $0xFFFFC000  }
0x3d6: {  	_ =	sfence.sel $0x180000  }
0x3d7: {  	[bflag:$0x0] =	sbarrier.arrive $0xFFFF  }
0x3d8: {  	_ =	strace $0x90000047  }
0x3d9: {  	s0 =	stileid.u32;
	[bflag:$0x2] =	sbarrier.arrive $0xFFFF  }
0x3da: {  	p0 =	sne.s32 s0, $0x0;
	s0 =	rddreg [dreg:$0x3]  }
0x3db: {  	s0 =	sadd.s32 @!p0 $0x100000, s0  }
0x3dc: {  	[sflag:s0] =	ssyncadd.tile.s32 @!p0 $0x1;
	_ =	shalt  }
.Lfunc_end2:
_tile_overlayer_lowered:
.L_overlay_start_2:
0x3dd: {  	(tag) =	ssettag $0x2  }
0x3de: {  	s0 =	rddreg [dreg:$0x0];
	s2 =	stileid.u32  }
0x3df: {  	s1 =	rddreg [dreg:$0x1];
	p0 =	sne.s32 s2, $0x0  }
0x3e0: {  	s3 =	rddreg [dreg:$0x2];
	[bflag:$0x3] =	sbarrier.arrive $0xFFFF;
	s2 =	simm.s32 @!p0 $0x1C05  }
0x3e1: {  	[timem:s3], [sflag:s2] =	dma.local @!p0 [hbm:s0], s1  }
0x3e2: {  	s0 =	simm.s32 @!p0 $0x5  }
0x3e3: {  	_ =	swait.ge @!p0 [sflag:s0], s1  }
0x3e4: {  	s1 =	ssub.s32 @!p0 $0x0, s1;
	[sflag:s0] =	ssyncset.done @!p0 $0x0  }
0x3e5: {  	[sflag:s0] =	ssyncadd.s32 @!p0 s1  }
0x3e6: {  	[bflag:$0x3] =	sbarrier.arrive $0xFFFF  }
0x3e7: {  	_ =	shalt  }

</sc_bundles>
